<compile_context>
chip_gen: v7x
topology: tpu7x:2x2x1
jax: 0.10.2.dev20260603
libtpu: 0.0.44.dev20260713+nightly
codegen_flags: <defaults>
</compile_context>

<pallas_src>
import functools

import jax
import jax.numpy as jnp
from jax import lax
from jax.experimental import pallas as pl
from jax.experimental.pallas import tpu as pltpu
from jax.experimental.pallas import tpu_sc as plsc

M = 1024
C = 128
KNN = 3

NUM_CORES = 2
NUM_SUBCORES = 16
NW = NUM_CORES * NUM_SUBCORES

CH = 48
NCHUNK = 34
ROWS_PER_W = CH * NCHUNK
NPAD = NW * ROWS_PER_W

RBLK = 1024


def _topk_body(v_ref, ct_ref, cf_ref, w1_ref, b_ref, idx_ref, w_ref, g_ref):
    @pl.when(pl.program_id(0) == 0)
    def _table():
        g_ref[...] = b_ref[...] + lax.dot_general(
            cf_ref[...], w1_ref[...], (((1,), (1,)), ((), ())),
            preferred_element_type=jnp.float32)

    d2 = None
    for j in range(3):
        t = v_ref[:, j:j + 1] - ct_ref[j:j + 1, :]
        d2 = t * t if d2 is None else d2 + t * t
    iota = lax.broadcasted_iota(jnp.int32, d2.shape, 1).astype(jnp.float32)
    big = jnp.float32(3e9)
    inf = jnp.float32(jnp.inf)
    idxs, d2s = [], []
    cur = d2
    for k in range(KNN):
        m = jnp.min(cur, axis=1, keepdims=True)
        eq = cur == m
        selx = jnp.min(jnp.where(eq, iota, big), axis=1, keepdims=True)
        idxs.append(selx.astype(jnp.int32))
        d2s.append(m)
        if k < KNN - 1:
            cur = jnp.where(eq, inf, cur)
    nz = d2s[0] != 0.0
    ws = []
    for dd in d2s:
        safe = jnp.where(dd == 0.0, 1.0, dd)
        inv = 1.0 / safe
        ws.append(jnp.where(nz, inv, jnp.where(dd == 0.0, 1.0, 0.0)))
    wsum = ws[0] + ws[1] + ws[2]
    idx_ref[...] = jnp.concatenate(idxs, axis=1)
    w_ref[...] = jnp.concatenate(
        [jnp.broadcast_to(w / wsum, (RBLK, 16)) for w in ws], axis=1)


def _interp_body(g_hbm, idxf_hbm, wf_hbm, out_hbm,
                 idx_v, w_v, rows_v, out_v, sem0, sem1):
    wid = lax.axis_index("s") * NUM_CORES + lax.axis_index("c")
    base = wid * ROWS_PER_W
    sems = [sem0, sem1]

    for j in range(KNN):
        off = pl.multiple_of(j * NPAD + base, 8)
        dst = pl.ds(j * ROWS_PER_W, ROWS_PER_W)
        pltpu.sync_copy(idxf_hbm.at[pl.ds(off, ROWS_PER_W)], idx_v.at[dst])

    def fire(cidx, b):
        r0 = cidx * CH
        for j in range(KNN):
            src = pl.ds(pl.multiple_of(j * ROWS_PER_W + r0, 8), CH)
            pltpu.async_copy(g_hbm.at[idx_v.at[src]],
                             rows_v.at[b, j], sems[b])
        woff = pl.multiple_of((base + r0) * (KNN * 16), 8)
        pltpu.async_copy(wf_hbm.at[pl.ds(woff, CH * KNN * 16)],
                         w_v.at[b], sems[b])

    def drain(b):
        for j in range(KNN):
            pltpu.make_async_copy(g_hbm.at[pl.ds(0, CH), :],
                                  rows_v.at[b, j], sems[b]).wait()
        pltpu.make_async_copy(wf_hbm.at[pl.ds(0, CH * KNN * 16)],
                              w_v.at[b], sems[b]).wait()

    def compute(cidx, b):
        def row_body(i, c2):
            wrow = i * (KNN * 16)
            w0 = w_v[b, pl.ds(wrow, 16)]
            w1 = w_v[b, pl.ds(wrow + 16, 16)]
            w2 = w_v[b, pl.ds(wrow + 32, 16)]
            for l in range(C // 16):
                s = pl.ds(l * 16, 16)
                out_v[b, i, s] = (w0 * rows_v[b, 0, i, s]
                                  + w1 * rows_v[b, 1, i, s]
                                  + w2 * rows_v[b, 2, i, s])
            return c2

        lax.fori_loop(0, CH, row_body, 0)
        rowc = pl.multiple_of(base + cidx * CH, 8)
        pltpu.sync_copy(out_v.at[b], out_hbm.at[pl.ds(rowc, CH), :])

    fire(0, 0)

    def pair_body(p, carry):
        for b in range(2):
            c = 2 * p + b
            fire(jnp.minimum(c + 1, NCHUNK - 1), 1 - b)
            drain(b)
            compute(c, b)
        return carry

    lax.fori_loop(0, NCHUNK // 2 - 1, pair_body, 0)
    c = NCHUNK - 2
    fire(c + 1, 1)
    drain(0)
    compute(c, 0)
    fire(c + 1, 0)
    drain(1)
    compute(c + 1, 1)
    drain(0)


def _make_topk():
    grid = (NPAD // RBLK,)
    return pl.pallas_call(
        _topk_body,
        grid=grid,
        in_specs=[
            pl.BlockSpec((RBLK, 8), lambda i: (i, 0)),
            pl.BlockSpec((8, M), lambda i: (0, 0)),
            pl.BlockSpec((M, C), lambda i: (0, 0)),
            pl.BlockSpec((C, C), lambda i: (0, 0)),
            pl.BlockSpec((1, C), lambda i: (0, 0)),
        ],
        out_specs=[
            pl.BlockSpec((RBLK, KNN), lambda i: (i, 0)),
            pl.BlockSpec((RBLK, KNN * 16), lambda i: (i, 0)),
            pl.BlockSpec((M, C), lambda i: (0, 0)),
        ],
        out_shape=[
            jax.ShapeDtypeStruct((NPAD, KNN), jnp.int32),
            jax.ShapeDtypeStruct((NPAD, KNN * 16), jnp.float32),
            jax.ShapeDtypeStruct((M, C), jnp.float32),
        ],
    )


def _make_interp():
    mesh = plsc.VectorSubcoreMesh(
        core_axis_name="c", subcore_axis_name="s",
        num_cores=NUM_CORES, num_subcores=NUM_SUBCORES)
    return functools.partial(
        pl.kernel,
        out_type=jax.ShapeDtypeStruct((NPAD, C), jnp.float32),
        mesh=mesh,
        scratch_types=[
            pltpu.VMEM((KNN * ROWS_PER_W,), jnp.int32),
            pltpu.VMEM((2, CH * KNN * 16), jnp.float32),
            pltpu.VMEM((2, KNN, CH, C), jnp.float32),
            pltpu.VMEM((2, CH, C), jnp.float32),
            pltpu.SemaphoreType.DMA,
            pltpu.SemaphoreType.DMA,
        ],
    )(_interp_body)


@jax.jit
def kernel(vertices, centroids, centroid_features, W, b):
    n = vertices.shape[0]
    vpad = jnp.zeros((NPAD, 8), jnp.float32).at[:n, :3].set(vertices)
    ct8 = jnp.zeros((8, M), jnp.float32).at[:3].set(centroids.T)
    idx, w, g = _make_topk()(vpad, ct8, centroid_features, W[:, :C],
                             b.reshape(1, C))
    out = _make_interp()(g, idx.T.reshape(-1), w.reshape(-1))
    return out[:n]

# --- scband reference (transcript-rebuilt; emitter-appended) ---
"""Pipeline reference for scband-feature-propagation-19481971655382 (READ-ONLY COPY).

The authoritative reference and input builder live on the scoring server;
editing this copy changes nothing except your own understanding.
"""

import jax, jax.numpy as jnp
import numpy as np

K = 3
P = 2

def setup_inputs(seed: int = 0) -> dict:
    key = jax.random.key(seed)
    k1, k2, k3, k4, k5 = jax.random.split(key, 5)
    vertices = jax.random.normal(k1, (50000, 3), dtype=jnp.float32)
    centroids = jax.random.normal(k2, (1024, 3), dtype=jnp.float32)
    centroid_features = jax.random.normal(k3, (1024, 128), dtype=jnp.float32)
    # PyG MLP(channel_list=[131,128]) with plain_last=True is a single nn.Linear(131,128)
    W = jax.random.normal(k4, (128, 131), dtype=jnp.float32) * 0.05
    b = jax.random.normal(k5, (128,), dtype=jnp.float32) * 0.05
    return {"vertices": vertices, "centroids": centroids, "centroid_features": centroid_features, "W": W, "b": b}


def reference(vertices, centroids, centroid_features, W, b):
    # inverse_distance_weighting
    diff = vertices[:, None, :] - centroids[None, :, :]            # [N, M, 3]
    distances = jnp.sqrt(jnp.sum(diff * diff, axis=-1))            # [N, M]
    neg_vals, nc_indices = jax.lax.top_k(-distances, K)            # k smallest
    nc_distances = -neg_vals                                       # [N, K]
    non_zero = jnp.all(nc_distances != 0, axis=-1)                 # [N]
    safe_d = jnp.where(nc_distances == 0, 1.0, nc_distances)
    inv = 1.0 / (safe_d ** P)
    inverse_weights = jnp.where(non_zero[:, None], inv, 0.0)
    inverse_weights = jnp.where(nc_distances == 0, 1.0, inverse_weights)
    nc_features = centroid_features[nc_indices]                    # [N, K, C] gather
    interpolated = (inverse_weights[..., None] * nc_features).sum(axis=1) \
                   / inverse_weights.sum(axis=-1, keepdims=True)
    interpolated = interpolated.astype(jnp.float32)
    # PointNetConv with empty stored edge_index + add_self_loops=True:
    # only self-loop messages exist -> out_i = local_nn(concat(x_i, pos_i - pos_i))
    rel_pos = jnp.zeros((vertices.shape[0], 3), dtype=jnp.float32)
    h = jnp.concatenate([interpolated, rel_pos], axis=-1)          # [N, 131]
    out = h @ W.T + b                                              # [N, 128]
    return out

if __name__ == "__main__":
    import jax
    _d = setup_inputs()
    print(jax.jit(kernel)(*tuple(_d.values())))

</pallas_src>

<mosaic_0001>
#map = affine_map<(d0, d1) -> (0, 0)>
#map1 = affine_map<(d0, d1) -> (0)>
module attributes {stable_mosaic.version = 14 : i64} {
  func.func @_interp_body(%arg0: i32, %arg1: i32, %arg2: memref<1024x128xf32, #tpu.memory_space<hbm>>, %arg3: memref<156672xi32, #tpu.memory_space<hbm>>, %arg4: memref<2506752xf32, #tpu.memory_space<hbm>>, %arg5: memref<52224x128xf32, #tpu.memory_space<hbm>>, %arg6: memref<4896xi32, #tpu.memory_space<vmem>>, %arg7: memref<2x2304xf32, #tpu.memory_space<vmem>>, %arg8: memref<2x3x48x128xf32, #tpu.memory_space<vmem>>, %arg9: memref<2x48x128xf32, #tpu.memory_space<vmem>>, %arg10: memref<!tpu.dma_semaphore, #tpu.memory_space<semaphore_mem>>, %arg11: memref<!tpu.dma_semaphore, #tpu.memory_space<semaphore_mem>>) attributes {dimension_semantics = [#tpu.dimension_semantics<core_parallel>, #tpu.dimension_semantics<subcore_parallel>], iteration_bounds = array<i64: 2, 16>, scalar_prefetch = 0 : i64, scratch_operands = 6 : i64, tpu.core_type = #tpu.core_type<sc_vector_subcore>, window_params = [{transform_indices = #map}, {transform_indices = #map1}, {transform_indices = #map1}, {transform_indices = #map}]} {
    %mul3A = arith.constant 2 : i32
    %mul3A_0 = arith.muli %arg1, %mul3A : i32
    %add3A = arith.addi %mul3A_0, %arg0 : i32
    %mul3A_1 = arith.constant 1632 : i32
    %mul3A_2 = arith.muli %add3A, %mul3A_1 : i32
    %add3A_3 = arith.constant 0 : i32
    %add3A_4 = arith.addi %add3A_3, %mul3A_2 : i32
    %multiple_of3A = tpu.assume_multiple %add3A_4, 8 : i32
    "tpu.region"() ({
      %run_scoped3A_360 = tpu.sem_alloc : memref<!tpu.dma_semaphore, #tpu.memory_space<semaphore_mem>>
      %dma_start3A_361 = arith.constant 0 : i32
      %dma_start3A_362 = tpu.memref_slice %arg6[%dma_start3A_361] : memref<4896xi32, #tpu.memory_space<vmem>> -> memref<1632xi32, #tpu.memory_space<vmem>>
      %dma_start3A_363 = tpu.memref_slice %arg3[%multiple_of3A] : memref<156672xi32, #tpu.memory_space<hbm>> -> memref<1632xi32, #tpu.memory_space<hbm>>
      %dma_start3A_364 = arith.constant 0 : i32
      %dma_start3A_365 = tpu.memref_slice %arg6[%dma_start3A_364] : memref<4896xi32, #tpu.memory_space<vmem>> -> memref<1632xi32, #tpu.memory_space<vmem>>
      %dma_start3A_366 = tpu.memref_slice %arg3[%multiple_of3A] : memref<156672xi32, #tpu.memory_space<hbm>> -> memref<1632xi32, #tpu.memory_space<hbm>>
      tpu.enqueue_dma source(%dma_start3A_366 : memref<1632xi32, #tpu.memory_space<hbm>>) target(%dma_start3A_365 : memref<1632xi32, #tpu.memory_space<vmem>>) target_semaphore(%run_scoped3A_360 : memref<!tpu.dma_semaphore, #tpu.memory_space<semaphore_mem>>)
      %dma_wait3A_367 = arith.constant 0 : i32
      %dma_wait3A_368 = tpu.memref_slice %arg6[%dma_wait3A_367] : memref<4896xi32, #tpu.memory_space<vmem>> -> memref<1632xi32, #tpu.memory_space<vmem>>
      %dma_wait3A_369 = tpu.memref_slice %arg3[%multiple_of3A] : memref<156672xi32, #tpu.memory_space<hbm>> -> memref<1632xi32, #tpu.memory_space<hbm>>
      %dma_wait3A_370 = arith.constant 0 : i32
      %dma_wait3A_371 = tpu.memref_slice %arg6[%dma_wait3A_370] : memref<4896xi32, #tpu.memory_space<vmem>> -> memref<1632xi32, #tpu.memory_space<vmem>>
      %dma_wait3A_372 = tpu.memref_slice %arg3[%multiple_of3A] : memref<156672xi32, #tpu.memory_space<hbm>> -> memref<1632xi32, #tpu.memory_space<hbm>>
      tpu.wait_dma2 semaphore(%run_scoped3A_360 : memref<!tpu.dma_semaphore, #tpu.memory_space<semaphore_mem>>) src(%dma_wait3A_372 : memref<1632xi32, #tpu.memory_space<hbm>>) dst(%dma_wait3A_371 : memref<1632xi32, #tpu.memory_space<vmem>>)
      tpu.yield
    }) : () -> ()
    %add3A_5 = arith.constant 52224 : i32
    %add3A_6 = arith.addi %add3A_5, %mul3A_2 : i32
    %multiple_of3A_7 = tpu.assume_multiple %add3A_6, 8 : i32
    "tpu.region"() ({
      %run_scoped3A_360 = tpu.sem_alloc : memref<!tpu.dma_semaphore, #tpu.memory_space<semaphore_mem>>
      %dma_start3A_361 = arith.constant 1632 : i32
      %dma_start3A_362 = tpu.memref_slice %arg6[%dma_start3A_361] : memref<4896xi32, #tpu.memory_space<vmem>> -> memref<1632xi32, #tpu.memory_space<vmem>>
      %dma_start3A_363 = tpu.memref_slice %arg3[%multiple_of3A_7] : memref<156672xi32, #tpu.memory_space<hbm>> -> memref<1632xi32, #tpu.memory_space<hbm>>
      %dma_start3A_364 = arith.constant 1632 : i32
      %dma_start3A_365 = tpu.memref_slice %arg6[%dma_start3A_364] : memref<4896xi32, #tpu.memory_space<vmem>> -> memref<1632xi32, #tpu.memory_space<vmem>>
      %dma_start3A_366 = tpu.memref_slice %arg3[%multiple_of3A_7] : memref<156672xi32, #tpu.memory_space<hbm>> -> memref<1632xi32, #tpu.memory_space<hbm>>
      tpu.enqueue_dma source(%dma_start3A_366 : memref<1632xi32, #tpu.memory_space<hbm>>) target(%dma_start3A_365 : memref<1632xi32, #tpu.memory_space<vmem>>) target_semaphore(%run_scoped3A_360 : memref<!tpu.dma_semaphore, #tpu.memory_space<semaphore_mem>>)
      %dma_wait3A_367 = arith.constant 1632 : i32
      %dma_wait3A_368 = tpu.memref_slice %arg6[%dma_wait3A_367] : memref<4896xi32, #tpu.memory_space<vmem>> -> memref<1632xi32, #tpu.memory_space<vmem>>
      %dma_wait3A_369 = tpu.memref_slice %arg3[%multiple_of3A_7] : memref<156672xi32, #tpu.memory_space<hbm>> -> memref<1632xi32, #tpu.memory_space<hbm>>
      %dma_wait3A_370 = arith.constant 1632 : i32
      %dma_wait3A_371 = tpu.memref_slice %arg6[%dma_wait3A_370] : memref<4896xi32, #tpu.memory_space<vmem>> -> memref<1632xi32, #tpu.memory_space<vmem>>
      %dma_wait3A_372 = tpu.memref_slice %arg3[%multiple_of3A_7] : memref<156672xi32, #tpu.memory_space<hbm>> -> memref<1632xi32, #tpu.memory_space<hbm>>
      tpu.wait_dma2 semaphore(%run_scoped3A_360 : memref<!tpu.dma_semaphore, #tpu.memory_space<semaphore_mem>>) src(%dma_wait3A_372 : memref<1632xi32, #tpu.memory_space<hbm>>) dst(%dma_wait3A_371 : memref<1632xi32, #tpu.memory_space<vmem>>)
      tpu.yield
    }) : () -> ()
    %add3A_8 = arith.constant 104448 : i32
    %add3A_9 = arith.addi %add3A_8, %mul3A_2 : i32
    %multiple_of3A_10 = tpu.assume_multiple %add3A_9, 8 : i32
    "tpu.region"() ({
      %run_scoped3A_360 = tpu.sem_alloc : memref<!tpu.dma_semaphore, #tpu.memory_space<semaphore_mem>>
      %dma_start3A_361 = arith.constant 3264 : i32
      %dma_start3A_362 = tpu.memref_slice %arg6[%dma_start3A_361] : memref<4896xi32, #tpu.memory_space<vmem>> -> memref<1632xi32, #tpu.memory_space<vmem>>
      %dma_start3A_363 = tpu.memref_slice %arg3[%multiple_of3A_10] : memref<156672xi32, #tpu.memory_space<hbm>> -> memref<1632xi32, #tpu.memory_space<hbm>>
      %dma_start3A_364 = arith.constant 3264 : i32
      %dma_start3A_365 = tpu.memref_slice %arg6[%dma_start3A_364] : memref<4896xi32, #tpu.memory_space<vmem>> -> memref<1632xi32, #tpu.memory_space<vmem>>
      %dma_start3A_366 = tpu.memref_slice %arg3[%multiple_of3A_10] : memref<156672xi32, #tpu.memory_space<hbm>> -> memref<1632xi32, #tpu.memory_space<hbm>>
      tpu.enqueue_dma source(%dma_start3A_366 : memref<1632xi32, #tpu.memory_space<hbm>>) target(%dma_start3A_365 : memref<1632xi32, #tpu.memory_space<vmem>>) target_semaphore(%run_scoped3A_360 : memref<!tpu.dma_semaphore, #tpu.memory_space<semaphore_mem>>)
      %dma_wait3A_367 = arith.constant 3264 : i32
      %dma_wait3A_368 = tpu.memref_slice %arg6[%dma_wait3A_367] : memref<4896xi32, #tpu.memory_space<vmem>> -> memref<1632xi32, #tpu.memory_space<vmem>>
      %dma_wait3A_369 = tpu.memref_slice %arg3[%multiple_of3A_10] : memref<156672xi32, #tpu.memory_space<hbm>> -> memref<1632xi32, #tpu.memory_space<hbm>>
      %dma_wait3A_370 = arith.constant 3264 : i32
      %dma_wait3A_371 = tpu.memref_slice %arg6[%dma_wait3A_370] : memref<4896xi32, #tpu.memory_space<vmem>> -> memref<1632xi32, #tpu.memory_space<vmem>>
      %dma_wait3A_372 = tpu.memref_slice %arg3[%multiple_of3A_10] : memref<156672xi32, #tpu.memory_space<hbm>> -> memref<1632xi32, #tpu.memory_space<hbm>>
      tpu.wait_dma2 semaphore(%run_scoped3A_360 : memref<!tpu.dma_semaphore, #tpu.memory_space<semaphore_mem>>) src(%dma_wait3A_372 : memref<1632xi32, #tpu.memory_space<hbm>>) dst(%dma_wait3A_371 : memref<1632xi32, #tpu.memory_space<vmem>>)
      tpu.yield
    }) : () -> ()
    %multiple_of3A_11 = arith.constant 0 : i32
    %multiple_of3A_12 = tpu.assume_multiple %multiple_of3A_11, 8 : i32
    %dma_start3A = arith.constant 0 : i32
    %dma_start3A_13 = arith.constant 0 : i32
    %dma_start3A_14 = arith.constant 0 : i32
    %dma_start3A_15 = arith.constant 0 : i32
    %dma_start3A_16 = tpu.memref_slice %arg8[%dma_start3A, %dma_start3A_13, %dma_start3A_14, %dma_start3A_15] : memref<2x3x48x128xf32, #tpu.memory_space<vmem>> -> memref<1x1x48x128xf32, #tpu.memory_space<vmem>>
    %dma_start3A_17 = tpu.memref_squeeze %dma_start3A_16 : memref<1x1x48x128xf32, #tpu.memory_space<vmem>> -> memref<48x128xf32, #tpu.memory_space<vmem>>
    %dma_start3A_18 = tpu.memref_slice %arg6[%multiple_of3A_12] : memref<4896xi32, #tpu.memory_space<vmem>> -> memref<48xi32, #tpu.memory_space<vmem>>
    %dma_start3A_19 = arith.constant 0 : i32
    %dma_start3A_20 = arith.constant 0 : i32
    %dma_start3A_21 = tpu.memref_slice %arg2[%dma_start3A_19, %dma_start3A_20] : memref<1024x128xf32, #tpu.memory_space<hbm>> -> memref<1024x128xf32, #tpu.memory_space<hbm>>
    tpu.enqueue_indirect_dma source(%dma_start3A_21 : memref<1024x128xf32, #tpu.memory_space<hbm>>) target(%dma_start3A_17 : memref<48x128xf32, #tpu.memory_space<vmem>>) offsets(%dma_start3A_18 : memref<48xi32, #tpu.memory_space<vmem>>) semaphore(%arg10 : memref<!tpu.dma_semaphore, #tpu.memory_space<semaphore_mem>>)
    %multiple_of3A_22 = arith.constant 1632 : i32
    %multiple_of3A_23 = tpu.assume_multiple %multiple_of3A_22, 8 : i32
    %dma_start3A_24 = arith.constant 0 : i32
    %dma_start3A_25 = arith.constant 1 : i32
    %dma_start3A_26 = arith.constant 0 : i32
    %dma_start3A_27 = arith.constant 0 : i32
    %dma_start3A_28 = tpu.memref_slice %arg8[%dma_start3A_24, %dma_start3A_25, %dma_start3A_26, %dma_start3A_27] : memref<2x3x48x128xf32, #tpu.memory_space<vmem>> -> memref<1x1x48x128xf32, #tpu.memory_space<vmem>>
    %dma_start3A_29 = tpu.memref_squeeze %dma_start3A_28 : memref<1x1x48x128xf32, #tpu.memory_space<vmem>> -> memref<48x128xf32, #tpu.memory_space<vmem>>
    %dma_start3A_30 = tpu.memref_slice %arg6[%multiple_of3A_23] : memref<4896xi32, #tpu.memory_space<vmem>> -> memref<48xi32, #tpu.memory_space<vmem>>
    %dma_start3A_31 = arith.constant 0 : i32
    %dma_start3A_32 = arith.constant 0 : i32
    %dma_start3A_33 = tpu.memref_slice %arg2[%dma_start3A_31, %dma_start3A_32] : memref<1024x128xf32, #tpu.memory_space<hbm>> -> memref<1024x128xf32, #tpu.memory_space<hbm>>
    tpu.enqueue_indirect_dma source(%dma_start3A_33 : memref<1024x128xf32, #tpu.memory_space<hbm>>) target(%dma_start3A_29 : memref<48x128xf32, #tpu.memory_space<vmem>>) offsets(%dma_start3A_30 : memref<48xi32, #tpu.memory_space<vmem>>) semaphore(%arg10 : memref<!tpu.dma_semaphore, #tpu.memory_space<semaphore_mem>>)
    %multiple_of3A_34 = arith.constant 3264 : i32
    %multiple_of3A_35 = tpu.assume_multiple %multiple_of3A_34, 8 : i32
    %dma_start3A_36 = arith.constant 0 : i32
    %dma_start3A_37 = arith.constant 2 : i32
    %dma_start3A_38 = arith.constant 0 : i32
    %dma_start3A_39 = arith.constant 0 : i32
    %dma_start3A_40 = tpu.memref_slice %arg8[%dma_start3A_36, %dma_start3A_37, %dma_start3A_38, %dma_start3A_39] : memref<2x3x48x128xf32, #tpu.memory_space<vmem>> -> memref<1x1x48x128xf32, #tpu.memory_space<vmem>>
    %dma_start3A_41 = tpu.memref_squeeze %dma_start3A_40 : memref<1x1x48x128xf32, #tpu.memory_space<vmem>> -> memref<48x128xf32, #tpu.memory_space<vmem>>
    %dma_start3A_42 = tpu.memref_slice %arg6[%multiple_of3A_35] : memref<4896xi32, #tpu.memory_space<vmem>> -> memref<48xi32, #tpu.memory_space<vmem>>
    %dma_start3A_43 = arith.constant 0 : i32
    %dma_start3A_44 = arith.constant 0 : i32
    %dma_start3A_45 = tpu.memref_slice %arg2[%dma_start3A_43, %dma_start3A_44] : memref<1024x128xf32, #tpu.memory_space<hbm>> -> memref<1024x128xf32, #tpu.memory_space<hbm>>
    tpu.enqueue_indirect_dma source(%dma_start3A_45 : memref<1024x128xf32, #tpu.memory_space<hbm>>) target(%dma_start3A_41 : memref<48x128xf32, #tpu.memory_space<vmem>>) offsets(%dma_start3A_42 : memref<48xi32, #tpu.memory_space<vmem>>) semaphore(%arg10 : memref<!tpu.dma_semaphore, #tpu.memory_space<semaphore_mem>>)
    %add3A_46 = arith.constant 0 : i32
    %add3A_47 = arith.addi %mul3A_2, %add3A_46 : i32
    %mul3A_48 = arith.constant 48 : i32
    %mul3A_49 = arith.muli %add3A_47, %mul3A_48 : i32
    %multiple_of3A_50 = tpu.assume_multiple %mul3A_49, 8 : i32
    %dma_start3A_51 = arith.constant 0 : i32
    %dma_start3A_52 = arith.constant 0 : i32
    %dma_start3A_53 = tpu.memref_slice %arg7[%dma_start3A_51, %dma_start3A_52] : memref<2x2304xf32, #tpu.memory_space<vmem>> -> memref<1x2304xf32, #tpu.memory_space<vmem>>
    %dma_start3A_54 = tpu.memref_squeeze %dma_start3A_53 : memref<1x2304xf32, #tpu.memory_space<vmem>> -> memref<2304xf32, #tpu.memory_space<vmem>>
    %dma_start3A_55 = tpu.memref_slice %arg4[%multiple_of3A_50] : memref<2506752xf32, #tpu.memory_space<hbm>> -> memref<2304xf32, #tpu.memory_space<hbm>>
    %dma_start3A_56 = arith.constant 0 : i32
    %dma_start3A_57 = tpu.memref_slice %arg7[%dma_start3A_51, %dma_start3A_56] : memref<2x2304xf32, #tpu.memory_space<vmem>> -> memref<1x2304xf32, #tpu.memory_space<vmem>>
    %dma_start3A_58 = tpu.memref_squeeze %dma_start3A_57 : memref<1x2304xf32, #tpu.memory_space<vmem>> -> memref<2304xf32, #tpu.memory_space<vmem>>
    %dma_start3A_59 = tpu.memref_slice %arg4[%multiple_of3A_50] : memref<2506752xf32, #tpu.memory_space<hbm>> -> memref<2304xf32, #tpu.memory_space<hbm>>
    tpu.enqueue_dma source(%dma_start3A_59 : memref<2304xf32, #tpu.memory_space<hbm>>) target(%dma_start3A_58 : memref<2304xf32, #tpu.memory_space<vmem>>) target_semaphore(%arg10 : memref<!tpu.dma_semaphore, #tpu.memory_space<semaphore_mem>>)
    %scan3A = arith.constant 0 : i32
    %scan3A_60 = arith.constant 0 : i32
    %scan3A_61 = arith.constant 16 : i32
    %scan3A_62 = arith.addi %scan3A_60, %scan3A_61 : i32
    %scan3A_63 = arith.constant 1 : i32
    scf.for %scan3A_360 = %scan3A_60 to %scan3A_62 step %scan3A_63  : i32 {
      %mul3A_361 = arith.constant 2 : i32
      %mul3A_362 = arith.muli %mul3A_361, %scan3A_360 : i32
      %add3A_363 = arith.constant 0 : i32
      %add3A_364 = arith.addi %mul3A_362, %add3A_363 : i32
      %add3A_365 = arith.constant 1 : i32
      %add3A_366 = arith.addi %add3A_364, %add3A_365 : i32
      %min3A = arith.constant 33 : i32
      %min3A_367 = arith.minsi %add3A_366, %min3A : i32
      %mul3A_368 = arith.constant 48 : i32
      %mul3A_369 = arith.muli %min3A_367, %mul3A_368 : i32
      %add3A_370 = arith.constant 0 : i32
      %add3A_371 = arith.addi %add3A_370, %mul3A_369 : i32
      %multiple_of3A_372 = tpu.assume_multiple %add3A_371, 8 : i32
      %dma_start3A_373 = arith.constant 1 : i32
      %dma_start3A_374 = arith.constant 0 : i32
      %dma_start3A_375 = arith.constant 0 : i32
      %dma_start3A_376 = arith.constant 0 : i32
      %dma_start3A_377 = tpu.memref_slice %arg8[%dma_start3A_373, %dma_start3A_374, %dma_start3A_375, %dma_start3A_376] : memref<2x3x48x128xf32, #tpu.memory_space<vmem>> -> memref<1x1x48x128xf32, #tpu.memory_space<vmem>>
      %dma_start3A_378 = tpu.memref_squeeze %dma_start3A_377 : memref<1x1x48x128xf32, #tpu.memory_space<vmem>> -> memref<48x128xf32, #tpu.memory_space<vmem>>
      %dma_start3A_379 = tpu.memref_slice %arg6[%multiple_of3A_372] : memref<4896xi32, #tpu.memory_space<vmem>> -> memref<48xi32, #tpu.memory_space<vmem>>
      %dma_start3A_380 = arith.constant 0 : i32
      %dma_start3A_381 = arith.constant 0 : i32
      %dma_start3A_382 = tpu.memref_slice %arg2[%dma_start3A_380, %dma_start3A_381] : memref<1024x128xf32, #tpu.memory_space<hbm>> -> memref<1024x128xf32, #tpu.memory_space<hbm>>
      tpu.enqueue_indirect_dma source(%dma_start3A_382 : memref<1024x128xf32, #tpu.memory_space<hbm>>) target(%dma_start3A_378 : memref<48x128xf32, #tpu.memory_space<vmem>>) offsets(%dma_start3A_379 : memref<48xi32, #tpu.memory_space<vmem>>) semaphore(%arg11 : memref<!tpu.dma_semaphore, #tpu.memory_space<semaphore_mem>>)
      %add3A_383 = arith.constant 1632 : i32
      %add3A_384 = arith.addi %add3A_383, %mul3A_369 : i32
      %multiple_of3A_385 = tpu.assume_multiple %add3A_384, 8 : i32
      %dma_start3A_386 = arith.constant 1 : i32
      %dma_start3A_387 = arith.constant 1 : i32
      %dma_start3A_388 = arith.constant 0 : i32
      %dma_start3A_389 = arith.constant 0 : i32
      %dma_start3A_390 = tpu.memref_slice %arg8[%dma_start3A_386, %dma_start3A_387, %dma_start3A_388, %dma_start3A_389] : memref<2x3x48x128xf32, #tpu.memory_space<vmem>> -> memref<1x1x48x128xf32, #tpu.memory_space<vmem>>
      %dma_start3A_391 = tpu.memref_squeeze %dma_start3A_390 : memref<1x1x48x128xf32, #tpu.memory_space<vmem>> -> memref<48x128xf32, #tpu.memory_space<vmem>>
      %dma_start3A_392 = tpu.memref_slice %arg6[%multiple_of3A_385] : memref<4896xi32, #tpu.memory_space<vmem>> -> memref<48xi32, #tpu.memory_space<vmem>>
      %dma_start3A_393 = arith.constant 0 : i32
      %dma_start3A_394 = arith.constant 0 : i32
      %dma_start3A_395 = tpu.memref_slice %arg2[%dma_start3A_393, %dma_start3A_394] : memref<1024x128xf32, #tpu.memory_space<hbm>> -> memref<1024x128xf32, #tpu.memory_space<hbm>>
      tpu.enqueue_indirect_dma source(%dma_start3A_395 : memref<1024x128xf32, #tpu.memory_space<hbm>>) target(%dma_start3A_391 : memref<48x128xf32, #tpu.memory_space<vmem>>) offsets(%dma_start3A_392 : memref<48xi32, #tpu.memory_space<vmem>>) semaphore(%arg11 : memref<!tpu.dma_semaphore, #tpu.memory_space<semaphore_mem>>)
      %add3A_396 = arith.constant 3264 : i32
      %add3A_397 = arith.addi %add3A_396, %mul3A_369 : i32
      %multiple_of3A_398 = tpu.assume_multiple %add3A_397, 8 : i32
      %dma_start3A_399 = arith.constant 1 : i32
      %dma_start3A_400 = arith.constant 2 : i32
      %dma_start3A_401 = arith.constant 0 : i32
      %dma_start3A_402 = arith.constant 0 : i32
      %dma_start3A_403 = tpu.memref_slice %arg8[%dma_start3A_399, %dma_start3A_400, %dma_start3A_401, %dma_start3A_402] : memref<2x3x48x128xf32, #tpu.memory_space<vmem>> -> memref<1x1x48x128xf32, #tpu.memory_space<vmem>>
      %dma_start3A_404 = tpu.memref_squeeze %dma_start3A_403 : memref<1x1x48x128xf32, #tpu.memory_space<vmem>> -> memref<48x128xf32, #tpu.memory_space<vmem>>
      %dma_start3A_405 = tpu.memref_slice %arg6[%multiple_of3A_398] : memref<4896xi32, #tpu.memory_space<vmem>> -> memref<48xi32, #tpu.memory_space<vmem>>
      %dma_start3A_406 = arith.constant 0 : i32
      %dma_start3A_407 = arith.constant 0 : i32
      %dma_start3A_408 = tpu.memref_slice %arg2[%dma_start3A_406, %dma_start3A_407] : memref<1024x128xf32, #tpu.memory_space<hbm>> -> memref<1024x128xf32, #tpu.memory_space<hbm>>
      tpu.enqueue_indirect_dma source(%dma_start3A_408 : memref<1024x128xf32, #tpu.memory_space<hbm>>) target(%dma_start3A_404 : memref<48x128xf32, #tpu.memory_space<vmem>>) offsets(%dma_start3A_405 : memref<48xi32, #tpu.memory_space<vmem>>) semaphore(%arg11 : memref<!tpu.dma_semaphore, #tpu.memory_space<semaphore_mem>>)
      %add3A_409 = arith.addi %mul3A_2, %mul3A_369 : i32
      %mul3A_410 = arith.constant 48 : i32
      %mul3A_411 = arith.muli %add3A_409, %mul3A_410 : i32
      %multiple_of3A_412 = tpu.assume_multiple %mul3A_411, 8 : i32
      %dma_start3A_413 = arith.constant 1 : i32
      %dma_start3A_414 = arith.constant 0 : i32
      %dma_start3A_415 = tpu.memref_slice %arg7[%dma_start3A_413, %dma_start3A_414] : memref<2x2304xf32, #tpu.memory_space<vmem>> -> memref<1x2304xf32, #tpu.memory_space<vmem>>
      %dma_start3A_416 = tpu.memref_squeeze %dma_start3A_415 : memref<1x2304xf32, #tpu.memory_space<vmem>> -> memref<2304xf32, #tpu.memory_space<vmem>>
      %dma_start3A_417 = tpu.memref_slice %arg4[%multiple_of3A_412] : memref<2506752xf32, #tpu.memory_space<hbm>> -> memref<2304xf32, #tpu.memory_space<hbm>>
      %dma_start3A_418 = arith.constant 0 : i32
      %dma_start3A_419 = tpu.memref_slice %arg7[%dma_start3A_413, %dma_start3A_418] : memref<2x2304xf32, #tpu.memory_space<vmem>> -> memref<1x2304xf32, #tpu.memory_space<vmem>>
      %dma_start3A_420 = tpu.memref_squeeze %dma_start3A_419 : memref<1x2304xf32, #tpu.memory_space<vmem>> -> memref<2304xf32, #tpu.memory_space<vmem>>
      %dma_start3A_421 = tpu.memref_slice %arg4[%multiple_of3A_412] : memref<2506752xf32, #tpu.memory_space<hbm>> -> memref<2304xf32, #tpu.memory_space<hbm>>
      tpu.enqueue_dma source(%dma_start3A_421 : memref<2304xf32, #tpu.memory_space<hbm>>) target(%dma_start3A_420 : memref<2304xf32, #tpu.memory_space<vmem>>) target_semaphore(%arg11 : memref<!tpu.dma_semaphore, #tpu.memory_space<semaphore_mem>>)
      %dma_wait3A_422 = arith.constant 0 : i32
      %dma_wait3A_423 = arith.constant 0 : i32
      %dma_wait3A_424 = arith.constant 0 : i32
      %dma_wait3A_425 = arith.constant 0 : i32
      %dma_wait3A_426 = tpu.memref_slice %arg8[%dma_wait3A_422, %dma_wait3A_423, %dma_wait3A_424, %dma_wait3A_425] : memref<2x3x48x128xf32, #tpu.memory_space<vmem>> -> memref<1x1x48x128xf32, #tpu.memory_space<vmem>>
      %dma_wait3A_427 = tpu.memref_squeeze %dma_wait3A_426 : memref<1x1x48x128xf32, #tpu.memory_space<vmem>> -> memref<48x128xf32, #tpu.memory_space<vmem>>
      %dma_wait3A_428 = arith.constant 0 : i32
      %dma_wait3A_429 = arith.constant 0 : i32
      %dma_wait3A_430 = tpu.memref_slice %arg2[%dma_wait3A_428, %dma_wait3A_429] : memref<1024x128xf32, #tpu.memory_space<hbm>> -> memref<48x128xf32, #tpu.memory_space<hbm>>
      %dma_wait3A_431 = arith.constant 0 : i32
      %dma_wait3A_432 = arith.constant 0 : i32
      %dma_wait3A_433 = tpu.memref_slice %arg8[%dma_wait3A_422, %dma_wait3A_423, %dma_wait3A_431, %dma_wait3A_432] : memref<2x3x48x128xf32, #tpu.memory_space<vmem>> -> memref<1x1x48x128xf32, #tpu.memory_space<vmem>>
      %dma_wait3A_434 = tpu.memref_squeeze %dma_wait3A_433 : memref<1x1x48x128xf32, #tpu.memory_space<vmem>> -> memref<48x128xf32, #tpu.memory_space<vmem>>
      %dma_wait3A_435 = arith.constant 0 : i32
      %dma_wait3A_436 = arith.constant 0 : i32
      %dma_wait3A_437 = tpu.memref_slice %arg2[%dma_wait3A_435, %dma_wait3A_436] : memref<1024x128xf32, #tpu.memory_space<hbm>> -> memref<48x128xf32, #tpu.memory_space<hbm>>
      tpu.wait_dma2 semaphore(%arg10 : memref<!tpu.dma_semaphore, #tpu.memory_space<semaphore_mem>>) src(%dma_wait3A_437 : memref<48x128xf32, #tpu.memory_space<hbm>>) dst(%dma_wait3A_434 : memref<48x128xf32, #tpu.memory_space<vmem>>)
      %dma_wait3A_438 = arith.constant 0 : i32
      %dma_wait3A_439 = arith.constant 1 : i32
      %dma_wait3A_440 = arith.constant 0 : i32
      %dma_wait3A_441 = arith.constant 0 : i32
      %dma_wait3A_442 = tpu.memref_slice %arg8[%dma_wait3A_438, %dma_wait3A_439, %dma_wait3A_440, %dma_wait3A_441] : memref<2x3x48x128xf32, #tpu.memory_space<vmem>> -> memref<1x1x48x128xf32, #tpu.memory_space<vmem>>
      %dma_wait3A_443 = tpu.memref_squeeze %dma_wait3A_442 : memref<1x1x48x128xf32, #tpu.memory_space<vmem>> -> memref<48x128xf32, #tpu.memory_space<vmem>>
      %dma_wait3A_444 = arith.constant 0 : i32
      %dma_wait3A_445 = arith.constant 0 : i32
      %dma_wait3A_446 = tpu.memref_slice %arg2[%dma_wait3A_444, %dma_wait3A_445] : memref<1024x128xf32, #tpu.memory_space<hbm>> -> memref<48x128xf32, #tpu.memory_space<hbm>>
      %dma_wait3A_447 = arith.constant 0 : i32
      %dma_wait3A_448 = arith.constant 0 : i32
      %dma_wait3A_449 = tpu.memref_slice %arg8[%dma_wait3A_438, %dma_wait3A_439, %dma_wait3A_447, %dma_wait3A_448] : memref<2x3x48x128xf32, #tpu.memory_space<vmem>> -> memref<1x1x48x128xf32, #tpu.memory_space<vmem>>
      %dma_wait3A_450 = tpu.memref_squeeze %dma_wait3A_449 : memref<1x1x48x128xf32, #tpu.memory_space<vmem>> -> memref<48x128xf32, #tpu.memory_space<vmem>>
      %dma_wait3A_451 = arith.constant 0 : i32
      %dma_wait3A_452 = arith.constant 0 : i32
      %dma_wait3A_453 = tpu.memref_slice %arg2[%dma_wait3A_451, %dma_wait3A_452] : memref<1024x128xf32, #tpu.memory_space<hbm>> -> memref<48x128xf32, #tpu.memory_space<hbm>>
      tpu.wait_dma2 semaphore(%arg10 : memref<!tpu.dma_semaphore, #tpu.memory_space<semaphore_mem>>) src(%dma_wait3A_453 : memref<48x128xf32, #tpu.memory_space<hbm>>) dst(%dma_wait3A_450 : memref<48x128xf32, #tpu.memory_space<vmem>>)
      %dma_wait3A_454 = arith.constant 0 : i32
      %dma_wait3A_455 = arith.constant 2 : i32
      %dma_wait3A_456 = arith.constant 0 : i32
      %dma_wait3A_457 = arith.constant 0 : i32
      %dma_wait3A_458 = tpu.memref_slice %arg8[%dma_wait3A_454, %dma_wait3A_455, %dma_wait3A_456, %dma_wait3A_457] : memref<2x3x48x128xf32, #tpu.memory_space<vmem>> -> memref<1x1x48x128xf32, #tpu.memory_space<vmem>>
      %dma_wait3A_459 = tpu.memref_squeeze %dma_wait3A_458 : memref<1x1x48x128xf32, #tpu.memory_space<vmem>> -> memref<48x128xf32, #tpu.memory_space<vmem>>
      %dma_wait3A_460 = arith.constant 0 : i32
      %dma_wait3A_461 = arith.constant 0 : i32
      %dma_wait3A_462 = tpu.memref_slice %arg2[%dma_wait3A_460, %dma_wait3A_461] : memref<1024x128xf32, #tpu.memory_space<hbm>> -> memref<48x128xf32, #tpu.memory_space<hbm>>
      %dma_wait3A_463 = arith.constant 0 : i32
      %dma_wait3A_464 = arith.constant 0 : i32
      %dma_wait3A_465 = tpu.memref_slice %arg8[%dma_wait3A_454, %dma_wait3A_455, %dma_wait3A_463, %dma_wait3A_464] : memref<2x3x48x128xf32, #tpu.memory_space<vmem>> -> memref<1x1x48x128xf32, #tpu.memory_space<vmem>>
      %dma_wait3A_466 = tpu.memref_squeeze %dma_wait3A_465 : memref<1x1x48x128xf32, #tpu.memory_space<vmem>> -> memref<48x128xf32, #tpu.memory_space<vmem>>
      %dma_wait3A_467 = arith.constant 0 : i32
      %dma_wait3A_468 = arith.constant 0 : i32
      %dma_wait3A_469 = tpu.memref_slice %arg2[%dma_wait3A_467, %dma_wait3A_468] : memref<1024x128xf32, #tpu.memory_space<hbm>> -> memref<48x128xf32, #tpu.memory_space<hbm>>
      tpu.wait_dma2 semaphore(%arg10 : memref<!tpu.dma_semaphore, #tpu.memory_space<semaphore_mem>>) src(%dma_wait3A_469 : memref<48x128xf32, #tpu.memory_space<hbm>>) dst(%dma_wait3A_466 : memref<48x128xf32, #tpu.memory_space<vmem>>)
      %dma_wait3A_470 = arith.constant 0 : i32
      %dma_wait3A_471 = arith.constant 0 : i32
      %dma_wait3A_472 = tpu.memref_slice %arg7[%dma_wait3A_470, %dma_wait3A_471] : memref<2x2304xf32, #tpu.memory_space<vmem>> -> memref<1x2304xf32, #tpu.memory_space<vmem>>
      %dma_wait3A_473 = tpu.memref_squeeze %dma_wait3A_472 : memref<1x2304xf32, #tpu.memory_space<vmem>> -> memref<2304xf32, #tpu.memory_space<vmem>>
      %dma_wait3A_474 = arith.constant 0 : i32
      %dma_wait3A_475 = tpu.memref_slice %arg4[%dma_wait3A_474] : memref<2506752xf32, #tpu.memory_space<hbm>> -> memref<2304xf32, #tpu.memory_space<hbm>>
      %dma_wait3A_476 = arith.constant 0 : i32
      %dma_wait3A_477 = tpu.memref_slice %arg7[%dma_wait3A_470, %dma_wait3A_476] : memref<2x2304xf32, #tpu.memory_space<vmem>> -> memref<1x2304xf32, #tpu.memory_space<vmem>>
      %dma_wait3A_478 = tpu.memref_squeeze %dma_wait3A_477 : memref<1x2304xf32, #tpu.memory_space<vmem>> -> memref<2304xf32, #tpu.memory_space<vmem>>
      %dma_wait3A_479 = arith.constant 0 : i32
      %dma_wait3A_480 = tpu.memref_slice %arg4[%dma_wait3A_479] : memref<2506752xf32, #tpu.memory_space<hbm>> -> memref<2304xf32, #tpu.memory_space<hbm>>
      tpu.wait_dma2 semaphore(%arg10 : memref<!tpu.dma_semaphore, #tpu.memory_space<semaphore_mem>>) src(%dma_wait3A_480 : memref<2304xf32, #tpu.memory_space<hbm>>) dst(%dma_wait3A_478 : memref<2304xf32, #tpu.memory_space<vmem>>)
      %scan3A_481 = arith.constant 0 : i32
      %scan3A_482 = arith.constant 0 : i32
      %scan3A_483 = arith.constant 48 : i32
      %scan3A_484 = arith.addi %scan3A_482, %scan3A_483 : i32
      %scan3A_485 = arith.constant 1 : i32
      scf.for %scan3A_624 = %scan3A_482 to %scan3A_484 step %scan3A_485  : i32 {
        %mul3A_625 = arith.constant 48 : i32
        %mul3A_626 = arith.muli %scan3A_624, %mul3A_625 : i32
        %get3A = arith.constant 0 : i32
        %get3A_627 = arith.index_cast %get3A : i32 to index
        %get3A_628 = arith.index_cast %mul3A_626 : i32 to index
        %get3A_629 = tpu.vector_load %arg7[%get3A_627, %get3A_628] {strides = array<i32>} : memref<2x2304xf32, #tpu.memory_space<vmem>>, vector<1x16xf32>,
        %get3A_630 = vector.shape_cast %get3A_629 : vector<1x16xf32> to vector<16xf32>
        %add3A_631 = arith.constant 16 : i32
        %add3A_632 = arith.addi %mul3A_626, %add3A_631 : i32
        %get3A_633 = arith.constant 0 : i32
        %get3A_634 = arith.index_cast %get3A_633 : i32 to index
        %get3A_635 = arith.index_cast %add3A_632 : i32 to index
        %get3A_636 = tpu.vector_load %arg7[%get3A_634, %get3A_635] {strides = array<i32>} : memref<2x2304xf32, #tpu.memory_space<vmem>>, vector<1x16xf32>,
        %get3A_637 = vector.shape_cast %get3A_636 : vector<1x16xf32> to vector<16xf32>
        %add3A_638 = arith.constant 32 : i32
        %add3A_639 = arith.addi %mul3A_626, %add3A_638 : i32
        %get3A_640 = arith.constant 0 : i32
        %get3A_641 = arith.index_cast %get3A_640 : i32 to index
        %get3A_642 = arith.index_cast %add3A_639 : i32 to index
        %get3A_643 = tpu.vector_load %arg7[%get3A_641, %get3A_642] {strides = array<i32>} : memref<2x2304xf32, #tpu.memory_space<vmem>>, vector<1x16xf32>,
        %get3A_644 = vector.shape_cast %get3A_643 : vector<1x16xf32> to vector<16xf32>
        %get3A_645 = arith.constant 0 : i32
        %get3A_646 = arith.constant 0 : i32
        %get3A_647 = arith.index_cast %get3A_645 : i32 to index
        %get3A_648 = arith.index_cast %get3A_646 : i32 to index
        %get3A_649 = arith.index_cast %scan3A_624 : i32 to index
        %get3A_650 = arith.constant 0 : index
        %get3A_651 = tpu.vector_load %arg8[%get3A_647, %get3A_648, %get3A_649, %get3A_650] {strides = array<i32>} : memref<2x3x48x128xf32, #tpu.memory_space<vmem>>, vector<1x1x1x16xf32>,
        %get3A_652 = vector.shape_cast %get3A_651 : vector<1x1x1x16xf32> to vector<16xf32>
        %mul3A_653 = arith.mulf %get3A_630, %get3A_652 : vector<16xf32>
        %get3A_654 = arith.constant 0 : i32
        %get3A_655 = arith.constant 1 : i32
        %get3A_656 = arith.index_cast %get3A_654 : i32 to index
        %get3A_657 = arith.index_cast %get3A_655 : i32 to index
        %get3A_658 = arith.index_cast %scan3A_624 : i32 to index
        %get3A_659 = arith.constant 0 : index
        %get3A_660 = tpu.vector_load %arg8[%get3A_656, %get3A_657, %get3A_658, %get3A_659] {strides = array<i32>} : memref<2x3x48x128xf32, #tpu.memory_space<vmem>>, vector<1x1x1x16xf32>,
        %get3A_661 = vector.shape_cast %get3A_660 : vector<1x1x1x16xf32> to vector<16xf32>
        %mul3A_662 = arith.mulf %get3A_637, %get3A_661 : vector<16xf32>
        %add3A_663 = arith.addf %mul3A_653, %mul3A_662 : vector<16xf32>
        %get3A_664 = arith.constant 0 : i32
        %get3A_665 = arith.constant 2 : i32
        %get3A_666 = arith.index_cast %get3A_664 : i32 to index
        %get3A_667 = arith.index_cast %get3A_665 : i32 to index
        %get3A_668 = arith.index_cast %scan3A_624 : i32 to index
        %get3A_669 = arith.constant 0 : index
        %get3A_670 = tpu.vector_load %arg8[%get3A_666, %get3A_667, %get3A_668, %get3A_669] {strides = array<i32>} : memref<2x3x48x128xf32, #tpu.memory_space<vmem>>, vector<1x1x1x16xf32>,
        %get3A_671 = vector.shape_cast %get3A_670 : vector<1x1x1x16xf32> to vector<16xf32>
        %mul3A_672 = arith.mulf %get3A_644, %get3A_671 : vector<16xf32>
        %add3A_673 = arith.addf %add3A_663, %mul3A_672 : vector<16xf32>
        %swap3A = arith.constant 0 : i32
        %swap3A_674 = arith.index_cast %swap3A : i32 to index
        %swap3A_675 = arith.index_cast %scan3A_624 : i32 to index
        %swap3A_676 = arith.constant 0 : index
        %swap3A_677 = tpu.vector_load %arg9[%swap3A_674, %swap3A_675, %swap3A_676] {strides = array<i32>} : memref<2x48x128xf32, #tpu.memory_space<vmem>>, vector<1x1x16xf32>,
        %swap3A_678 = vector.shape_cast %swap3A_677 : vector<1x1x16xf32> to vector<16xf32>
        %swap3A_679 = vector.shape_cast %add3A_673 : vector<16xf32> to vector<1x1x16xf32>
        tpu.vector_store %arg9[%swap3A_674, %swap3A_675, %swap3A_676], %swap3A_679 {strides = array<i32>} : memref<2x48x128xf32, #tpu.memory_space<vmem>>, vector<1x1x16xf32>,
        %get3A_680 = arith.constant 0 : i32
        %get3A_681 = arith.constant 0 : i32
        %get3A_682 = arith.index_cast %get3A_680 : i32 to index
        %get3A_683 = arith.index_cast %get3A_681 : i32 to index
        %get3A_684 = arith.index_cast %scan3A_624 : i32 to index
        %get3A_685 = arith.constant 16 : index
        %get3A_686 = tpu.vector_load %arg8[%get3A_682, %get3A_683, %get3A_684, %get3A_685] {strides = array<i32>} : memref<2x3x48x128xf32, #tpu.memory_space<vmem>>, vector<1x1x1x16xf32>,
        %get3A_687 = vector.shape_cast %get3A_686 : vector<1x1x1x16xf32> to vector<16xf32>
        %mul3A_688 = arith.mulf %get3A_630, %get3A_687 : vector<16xf32>
        %get3A_689 = arith.constant 0 : i32
        %get3A_690 = arith.constant 1 : i32
        %get3A_691 = arith.index_cast %get3A_689 : i32 to index
        %get3A_692 = arith.index_cast %get3A_690 : i32 to index
        %get3A_693 = arith.index_cast %scan3A_624 : i32 to index
        %get3A_694 = arith.constant 16 : index
        %get3A_695 = tpu.vector_load %arg8[%get3A_691, %get3A_692, %get3A_693, %get3A_694] {strides = array<i32>} : memref<2x3x48x128xf32, #tpu.memory_space<vmem>>, vector<1x1x1x16xf32>,
        %get3A_696 = vector.shape_cast %get3A_695 : vector<1x1x1x16xf32> to vector<16xf32>
        %mul3A_697 = arith.mulf %get3A_637, %get3A_696 : vector<16xf32>
        %add3A_698 = arith.addf %mul3A_688, %mul3A_697 : vector<16xf32>
        %get3A_699 = arith.constant 0 : i32
        %get3A_700 = arith.constant 2 : i32
        %get3A_701 = arith.index_cast %get3A_699 : i32 to index
        %get3A_702 = arith.index_cast %get3A_700 : i32 to index
        %get3A_703 = arith.index_cast %scan3A_624 : i32 to index
        %get3A_704 = arith.constant 16 : index
        %get3A_705 = tpu.vector_load %arg8[%get3A_701, %get3A_702, %get3A_703, %get3A_704] {strides = array<i32>} : memref<2x3x48x128xf32, #tpu.memory_space<vmem>>, vector<1x1x1x16xf32>,
        %get3A_706 = vector.shape_cast %get3A_705 : vector<1x1x1x16xf32> to vector<16xf32>
        %mul3A_707 = arith.mulf %get3A_644, %get3A_706 : vector<16xf32>
        %add3A_708 = arith.addf %add3A_698, %mul3A_707 : vector<16xf32>
        %swap3A_709 = arith.constant 0 : i32
        %swap3A_710 = arith.index_cast %swap3A_709 : i32 to index
        %swap3A_711 = arith.index_cast %scan3A_624 : i32 to index
        %swap3A_712 = arith.constant 16 : index
        %swap3A_713 = tpu.vector_load %arg9[%swap3A_710, %swap3A_711, %swap3A_712] {strides = array<i32>} : memref<2x48x128xf32, #tpu.memory_space<vmem>>, vector<1x1x16xf32>,
        %swap3A_714 = vector.shape_cast %swap3A_713 : vector<1x1x16xf32> to vector<16xf32>
        %swap3A_715 = vector.shape_cast %add3A_708 : vector<16xf32> to vector<1x1x16xf32>
        tpu.vector_store %arg9[%swap3A_710, %swap3A_711, %swap3A_712], %swap3A_715 {strides = array<i32>} : memref<2x48x128xf32, #tpu.memory_space<vmem>>, vector<1x1x16xf32>,
        %get3A_716 = arith.constant 0 : i32
        %get3A_717 = arith.constant 0 : i32
        %get3A_718 = arith.index_cast %get3A_716 : i32 to index
        %get3A_719 = arith.index_cast %get3A_717 : i32 to index
        %get3A_720 = arith.index_cast %scan3A_624 : i32 to index
        %get3A_721 = arith.constant 32 : index
        %get3A_722 = tpu.vector_load %arg8[%get3A_718, %get3A_719, %get3A_720, %get3A_721] {strides = array<i32>} : memref<2x3x48x128xf32, #tpu.memory_space<vmem>>, vector<1x1x1x16xf32>,
        %get3A_723 = vector.shape_cast %get3A_722 : vector<1x1x1x16xf32> to vector<16xf32>
        %mul3A_724 = arith.mulf %get3A_630, %get3A_723 : vector<16xf32>
        %get3A_725 = arith.constant 0 : i32
        %get3A_726 = arith.constant 1 : i32
        %get3A_727 = arith.index_cast %get3A_725 : i32 to index
        %get3A_728 = arith.index_cast %get3A_726 : i32 to index
        %get3A_729 = arith.index_cast %scan3A_624 : i32 to index
        %get3A_730 = arith.constant 32 : index
        %get3A_731 = tpu.vector_load %arg8[%get3A_727, %get3A_728, %get3A_729, %get3A_730] {strides = array<i32>} : memref<2x3x48x128xf32, #tpu.memory_space<vmem>>, vector<1x1x1x16xf32>,
        %get3A_732 = vector.shape_cast %get3A_731 : vector<1x1x1x16xf32> to vector<16xf32>
        %mul3A_733 = arith.mulf %get3A_637, %get3A_732 : vector<16xf32>
        %add3A_734 = arith.addf %mul3A_724, %mul3A_733 : vector<16xf32>
        %get3A_735 = arith.constant 0 : i32
        %get3A_736 = arith.constant 2 : i32
        %get3A_737 = arith.index_cast %get3A_735 : i32 to index
        %get3A_738 = arith.index_cast %get3A_736 : i32 to index
        %get3A_739 = arith.index_cast %scan3A_624 : i32 to index
        %get3A_740 = arith.constant 32 : index
        %get3A_741 = tpu.vector_load %arg8[%get3A_737, %get3A_738, %get3A_739, %get3A_740] {strides = array<i32>} : memref<2x3x48x128xf32, #tpu.memory_space<vmem>>, vector<1x1x1x16xf32>,
        %get3A_742 = vector.shape_cast %get3A_741 : vector<1x1x1x16xf32> to vector<16xf32>
        %mul3A_743 = arith.mulf %get3A_644, %get3A_742 : vector<16xf32>
        %add3A_744 = arith.addf %add3A_734, %mul3A_743 : vector<16xf32>
        %swap3A_745 = arith.constant 0 : i32
        %swap3A_746 = arith.index_cast %swap3A_745 : i32 to index
        %swap3A_747 = arith.index_cast %scan3A_624 : i32 to index
        %swap3A_748 = arith.constant 32 : index
        %swap3A_749 = tpu.vector_load %arg9[%swap3A_746, %swap3A_747, %swap3A_748] {strides = array<i32>} : memref<2x48x128xf32, #tpu.memory_space<vmem>>, vector<1x1x16xf32>,
        %swap3A_750 = vector.shape_cast %swap3A_749 : vector<1x1x16xf32> to vector<16xf32>
        %swap3A_751 = vector.shape_cast %add3A_744 : vector<16xf32> to vector<1x1x16xf32>
        tpu.vector_store %arg9[%swap3A_746, %swap3A_747, %swap3A_748], %swap3A_751 {strides = array<i32>} : memref<2x48x128xf32, #tpu.memory_space<vmem>>, vector<1x1x16xf32>,
        %get3A_752 = arith.constant 0 : i32
        %get3A_753 = arith.constant 0 : i32
        %get3A_754 = arith.index_cast %get3A_752 : i32 to index
        %get3A_755 = arith.index_cast %get3A_753 : i32 to index
        %get3A_756 = arith.index_cast %scan3A_624 : i32 to index
        %get3A_757 = arith.constant 48 : index
        %get3A_758 = tpu.vector_load %arg8[%get3A_754, %get3A_755, %get3A_756, %get3A_757] {strides = array<i32>} : memref<2x3x48x128xf32, #tpu.memory_space<vmem>>, vector<1x1x1x16xf32>,
        %get3A_759 = vector.shape_cast %get3A_758 : vector<1x1x1x16xf32> to vector<16xf32>
        %mul3A_760 = arith.mulf %get3A_630, %get3A_759 : vector<16xf32>
        %get3A_761 = arith.constant 0 : i32
        %get3A_762 = arith.constant 1 : i32
        %get3A_763 = arith.index_cast %get3A_761 : i32 to index
        %get3A_764 = arith.index_cast %get3A_762 : i32 to index
        %get3A_765 = arith.index_cast %scan3A_624 : i32 to index
        %get3A_766 = arith.constant 48 : index
        %get3A_767 = tpu.vector_load %arg8[%get3A_763, %get3A_764, %get3A_765, %get3A_766] {strides = array<i32>} : memref<2x3x48x128xf32, #tpu.memory_space<vmem>>, vector<1x1x1x16xf32>,
        %get3A_768 = vector.shape_cast %get3A_767 : vector<1x1x1x16xf32> to vector<16xf32>
        %mul3A_769 = arith.mulf %get3A_637, %get3A_768 : vector<16xf32>
        %add3A_770 = arith.addf %mul3A_760, %mul3A_769 : vector<16xf32>
        %get3A_771 = arith.constant 0 : i32
        %get3A_772 = arith.constant 2 : i32
        %get3A_773 = arith.index_cast %get3A_771 : i32 to index
        %get3A_774 = arith.index_cast %get3A_772 : i32 to index
        %get3A_775 = arith.index_cast %scan3A_624 : i32 to index
        %get3A_776 = arith.constant 48 : index
        %get3A_777 = tpu.vector_load %arg8[%get3A_773, %get3A_774, %get3A_775, %get3A_776] {strides = array<i32>} : memref<2x3x48x128xf32, #tpu.memory_space<vmem>>, vector<1x1x1x16xf32>,
        %get3A_778 = vector.shape_cast %get3A_777 : vector<1x1x1x16xf32> to vector<16xf32>
        %mul3A_779 = arith.mulf %get3A_644, %get3A_778 : vector<16xf32>
        %add3A_780 = arith.addf %add3A_770, %mul3A_779 : vector<16xf32>
        %swap3A_781 = arith.constant 0 : i32
        %swap3A_782 = arith.index_cast %swap3A_781 : i32 to index
        %swap3A_783 = arith.index_cast %scan3A_624 : i32 to index
        %swap3A_784 = arith.constant 48 : index
        %swap3A_785 = tpu.vector_load %arg9[%swap3A_782, %swap3A_783, %swap3A_784] {strides = array<i32>} : memref<2x48x128xf32, #tpu.memory_space<vmem>>, vector<1x1x16xf32>,
        %swap3A_786 = vector.shape_cast %swap3A_785 : vector<1x1x16xf32> to vector<16xf32>
        %swap3A_787 = vector.shape_cast %add3A_780 : vector<16xf32> to vector<1x1x16xf32>
        tpu.vector_store %arg9[%swap3A_782, %swap3A_783, %swap3A_784], %swap3A_787 {strides = array<i32>} : memref<2x48x128xf32, #tpu.memory_space<vmem>>, vector<1x1x16xf32>,
        %get3A_788 = arith.constant 0 : i32
        %get3A_789 = arith.constant 0 : i32
        %get3A_790 = arith.index_cast %get3A_788 : i32 to index
        %get3A_791 = arith.index_cast %get3A_789 : i32 to index
        %get3A_792 = arith.index_cast %scan3A_624 : i32 to index
        %get3A_793 = arith.constant 64 : index
        %get3A_794 = tpu.vector_load %arg8[%get3A_790, %get3A_791, %get3A_792, %get3A_793] {strides = array<i32>} : memref<2x3x48x128xf32, #tpu.memory_space<vmem>>, vector<1x1x1x16xf32>,
        %get3A_795 = vector.shape_cast %get3A_794 : vector<1x1x1x16xf32> to vector<16xf32>
        %mul3A_796 = arith.mulf %get3A_630, %get3A_795 : vector<16xf32>
        %get3A_797 = arith.constant 0 : i32
        %get3A_798 = arith.constant 1 : i32
        %get3A_799 = arith.index_cast %get3A_797 : i32 to index
        %get3A_800 = arith.index_cast %get3A_798 : i32 to index
        %get3A_801 = arith.index_cast %scan3A_624 : i32 to index
        %get3A_802 = arith.constant 64 : index
        %get3A_803 = tpu.vector_load %arg8[%get3A_799, %get3A_800, %get3A_801, %get3A_802] {strides = array<i32>} : memref<2x3x48x128xf32, #tpu.memory_space<vmem>>, vector<1x1x1x16xf32>,
        %get3A_804 = vector.shape_cast %get3A_803 : vector<1x1x1x16xf32> to vector<16xf32>
        %mul3A_805 = arith.mulf %get3A_637, %get3A_804 : vector<16xf32>
        %add3A_806 = arith.addf %mul3A_796, %mul3A_805 : vector<16xf32>
        %get3A_807 = arith.constant 0 : i32
        %get3A_808 = arith.constant 2 : i32
        %get3A_809 = arith.index_cast %get3A_807 : i32 to index
        %get3A_810 = arith.index_cast %get3A_808 : i32 to index
        %get3A_811 = arith.index_cast %scan3A_624 : i32 to index
        %get3A_812 = arith.constant 64 : index
        %get3A_813 = tpu.vector_load %arg8[%get3A_809, %get3A_810, %get3A_811, %get3A_812] {strides = array<i32>} : memref<2x3x48x128xf32, #tpu.memory_space<vmem>>, vector<1x1x1x16xf32>,
        %get3A_814 = vector.shape_cast %get3A_813 : vector<1x1x1x16xf32> to vector<16xf32>
        %mul3A_815 = arith.mulf %get3A_644, %get3A_814 : vector<16xf32>
        %add3A_816 = arith.addf %add3A_806, %mul3A_815 : vector<16xf32>
        %swap3A_817 = arith.constant 0 : i32
        %swap3A_818 = arith.index_cast %swap3A_817 : i32 to index
        %swap3A_819 = arith.index_cast %scan3A_624 : i32 to index
        %swap3A_820 = arith.constant 64 : index
        %swap3A_821 = tpu.vector_load %arg9[%swap3A_818, %swap3A_819, %swap3A_820] {strides = array<i32>} : memref<2x48x128xf32, #tpu.memory_space<vmem>>, vector<1x1x16xf32>,
        %swap3A_822 = vector.shape_cast %swap3A_821 : vector<1x1x16xf32> to vector<16xf32>
        %swap3A_823 = vector.shape_cast %add3A_816 : vector<16xf32> to vector<1x1x16xf32>
        tpu.vector_store %arg9[%swap3A_818, %swap3A_819, %swap3A_820], %swap3A_823 {strides = array<i32>} : memref<2x48x128xf32, #tpu.memory_space<vmem>>, vector<1x1x16xf32>,
        %get3A_824 = arith.constant 0 : i32
        %get3A_825 = arith.constant 0 : i32
        %get3A_826 = arith.index_cast %get3A_824 : i32 to index
        %get3A_827 = arith.index_cast %get3A_825 : i32 to index
        %get3A_828 = arith.index_cast %scan3A_624 : i32 to index
        %get3A_829 = arith.constant 80 : index
        %get3A_830 = tpu.vector_load %arg8[%get3A_826, %get3A_827, %get3A_828, %get3A_829] {strides = array<i32>} : memref<2x3x48x128xf32, #tpu.memory_space<vmem>>, vector<1x1x1x16xf32>,
        %get3A_831 = vector.shape_cast %get3A_830 : vector<1x1x1x16xf32> to vector<16xf32>
        %mul3A_832 = arith.mulf %get3A_630, %get3A_831 : vector<16xf32>
        %get3A_833 = arith.constant 0 : i32
        %get3A_834 = arith.constant 1 : i32
        %get3A_835 = arith.index_cast %get3A_833 : i32 to index
        %get3A_836 = arith.index_cast %get3A_834 : i32 to index
        %get3A_837 = arith.index_cast %scan3A_624 : i32 to index
        %get3A_838 = arith.constant 80 : index
        %get3A_839 = tpu.vector_load %arg8[%get3A_835, %get3A_836, %get3A_837, %get3A_838] {strides = array<i32>} : memref<2x3x48x128xf32, #tpu.memory_space<vmem>>, vector<1x1x1x16xf32>,
        %get3A_840 = vector.shape_cast %get3A_839 : vector<1x1x1x16xf32> to vector<16xf32>
        %mul3A_841 = arith.mulf %get3A_637, %get3A_840 : vector<16xf32>
        %add3A_842 = arith.addf %mul3A_832, %mul3A_841 : vector<16xf32>
        %get3A_843 = arith.constant 0 : i32
        %get3A_844 = arith.constant 2 : i32
        %get3A_845 = arith.index_cast %get3A_843 : i32 to index
        %get3A_846 = arith.index_cast %get3A_844 : i32 to index
        %get3A_847 = arith.index_cast %scan3A_624 : i32 to index
        %get3A_848 = arith.constant 80 : index
        %get3A_849 = tpu.vector_load %arg8[%get3A_845, %get3A_846, %get3A_847, %get3A_848] {strides = array<i32>} : memref<2x3x48x128xf32, #tpu.memory_space<vmem>>, vector<1x1x1x16xf32>,
        %get3A_850 = vector.shape_cast %get3A_849 : vector<1x1x1x16xf32> to vector<16xf32>
        %mul3A_851 = arith.mulf %get3A_644, %get3A_850 : vector<16xf32>
        %add3A_852 = arith.addf %add3A_842, %mul3A_851 : vector<16xf32>
        %swap3A_853 = arith.constant 0 : i32
        %swap3A_854 = arith.index_cast %swap3A_853 : i32 to index
        %swap3A_855 = arith.index_cast %scan3A_624 : i32 to index
        %swap3A_856 = arith.constant 80 : index
        %swap3A_857 = tpu.vector_load %arg9[%swap3A_854, %swap3A_855, %swap3A_856] {strides = array<i32>} : memref<2x48x128xf32, #tpu.memory_space<vmem>>, vector<1x1x16xf32>,
        %swap3A_858 = vector.shape_cast %swap3A_857 : vector<1x1x16xf32> to vector<16xf32>
        %swap3A_859 = vector.shape_cast %add3A_852 : vector<16xf32> to vector<1x1x16xf32>
        tpu.vector_store %arg9[%swap3A_854, %swap3A_855, %swap3A_856], %swap3A_859 {strides = array<i32>} : memref<2x48x128xf32, #tpu.memory_space<vmem>>, vector<1x1x16xf32>,
        %get3A_860 = arith.constant 0 : i32
        %get3A_861 = arith.constant 0 : i32
        %get3A_862 = arith.index_cast %get3A_860 : i32 to index
        %get3A_863 = arith.index_cast %get3A_861 : i32 to index
        %get3A_864 = arith.index_cast %scan3A_624 : i32 to index
        %get3A_865 = arith.constant 96 : index
        %get3A_866 = tpu.vector_load %arg8[%get3A_862, %get3A_863, %get3A_864, %get3A_865] {strides = array<i32>} : memref<2x3x48x128xf32, #tpu.memory_space<vmem>>, vector<1x1x1x16xf32>,
        %get3A_867 = vector.shape_cast %get3A_866 : vector<1x1x1x16xf32> to vector<16xf32>
        %mul3A_868 = arith.mulf %get3A_630, %get3A_867 : vector<16xf32>
        %get3A_869 = arith.constant 0 : i32
        %get3A_870 = arith.constant 1 : i32
        %get3A_871 = arith.index_cast %get3A_869 : i32 to index
        %get3A_872 = arith.index_cast %get3A_870 : i32 to index
        %get3A_873 = arith.index_cast %scan3A_624 : i32 to index
        %get3A_874 = arith.constant 96 : index
        %get3A_875 = tpu.vector_load %arg8[%get3A_871, %get3A_872, %get3A_873, %get3A_874] {strides = array<i32>} : memref<2x3x48x128xf32, #tpu.memory_space<vmem>>, vector<1x1x1x16xf32>,
        %get3A_876 = vector.shape_cast %get3A_875 : vector<1x1x1x16xf32> to vector<16xf32>
        %mul3A_877 = arith.mulf %get3A_637, %get3A_876 : vector<16xf32>
        %add3A_878 = arith.addf %mul3A_868, %mul3A_877 : vector<16xf32>
        %get3A_879 = arith.constant 0 : i32
        %get3A_880 = arith.constant 2 : i32
        %get3A_881 = arith.index_cast %get3A_879 : i32 to index
        %get3A_882 = arith.index_cast %get3A_880 : i32 to index
        %get3A_883 = arith.index_cast %scan3A_624 : i32 to index
        %get3A_884 = arith.constant 96 : index
        %get3A_885 = tpu.vector_load %arg8[%get3A_881, %get3A_882, %get3A_883, %get3A_884] {strides = array<i32>} : memref<2x3x48x128xf32, #tpu.memory_space<vmem>>, vector<1x1x1x16xf32>,
        %get3A_886 = vector.shape_cast %get3A_885 : vector<1x1x1x16xf32> to vector<16xf32>
        %mul3A_887 = arith.mulf %get3A_644, %get3A_886 : vector<16xf32>
        %add3A_888 = arith.addf %add3A_878, %mul3A_887 : vector<16xf32>
        %swap3A_889 = arith.constant 0 : i32
        %swap3A_890 = arith.index_cast %swap3A_889 : i32 to index
        %swap3A_891 = arith.index_cast %scan3A_624 : i32 to index
        %swap3A_892 = arith.constant 96 : index
        %swap3A_893 = tpu.vector_load %arg9[%swap3A_890, %swap3A_891, %swap3A_892] {strides = array<i32>} : memref<2x48x128xf32, #tpu.memory_space<vmem>>, vector<1x1x16xf32>,
        %swap3A_894 = vector.shape_cast %swap3A_893 : vector<1x1x16xf32> to vector<16xf32>
        %swap3A_895 = vector.shape_cast %add3A_888 : vector<16xf32> to vector<1x1x16xf32>
        tpu.vector_store %arg9[%swap3A_890, %swap3A_891, %swap3A_892], %swap3A_895 {strides = array<i32>} : memref<2x48x128xf32, #tpu.memory_space<vmem>>, vector<1x1x16xf32>,
        %get3A_896 = arith.constant 0 : i32
        %get3A_897 = arith.constant 0 : i32
        %get3A_898 = arith.index_cast %get3A_896 : i32 to index
        %get3A_899 = arith.index_cast %get3A_897 : i32 to index
        %get3A_900 = arith.index_cast %scan3A_624 : i32 to index
        %get3A_901 = arith.constant 112 : index
        %get3A_902 = tpu.vector_load %arg8[%get3A_898, %get3A_899, %get3A_900, %get3A_901] {strides = array<i32>} : memref<2x3x48x128xf32, #tpu.memory_space<vmem>>, vector<1x1x1x16xf32>,
        %get3A_903 = vector.shape_cast %get3A_902 : vector<1x1x1x16xf32> to vector<16xf32>
        %mul3A_904 = arith.mulf %get3A_630, %get3A_903 : vector<16xf32>
        %get3A_905 = arith.constant 0 : i32
        %get3A_906 = arith.constant 1 : i32
        %get3A_907 = arith.index_cast %get3A_905 : i32 to index
        %get3A_908 = arith.index_cast %get3A_906 : i32 to index
        %get3A_909 = arith.index_cast %scan3A_624 : i32 to index
        %get3A_910 = arith.constant 112 : index
        %get3A_911 = tpu.vector_load %arg8[%get3A_907, %get3A_908, %get3A_909, %get3A_910] {strides = array<i32>} : memref<2x3x48x128xf32, #tpu.memory_space<vmem>>, vector<1x1x1x16xf32>,
        %get3A_912 = vector.shape_cast %get3A_911 : vector<1x1x1x16xf32> to vector<16xf32>
        %mul3A_913 = arith.mulf %get3A_637, %get3A_912 : vector<16xf32>
        %add3A_914 = arith.addf %mul3A_904, %mul3A_913 : vector<16xf32>
        %get3A_915 = arith.constant 0 : i32
        %get3A_916 = arith.constant 2 : i32
        %get3A_917 = arith.index_cast %get3A_915 : i32 to index
        %get3A_918 = arith.index_cast %get3A_916 : i32 to index
        %get3A_919 = arith.index_cast %scan3A_624 : i32 to index
        %get3A_920 = arith.constant 112 : index
        %get3A_921 = tpu.vector_load %arg8[%get3A_917, %get3A_918, %get3A_919, %get3A_920] {strides = array<i32>} : memref<2x3x48x128xf32, #tpu.memory_space<vmem>>, vector<1x1x1x16xf32>,
        %get3A_922 = vector.shape_cast %get3A_921 : vector<1x1x1x16xf32> to vector<16xf32>
        %mul3A_923 = arith.mulf %get3A_644, %get3A_922 : vector<16xf32>
        %add3A_924 = arith.addf %add3A_914, %mul3A_923 : vector<16xf32>
        %swap3A_925 = arith.constant 0 : i32
        %swap3A_926 = arith.index_cast %swap3A_925 : i32 to index
        %swap3A_927 = arith.index_cast %scan3A_624 : i32 to index
        %swap3A_928 = arith.constant 112 : index
        %swap3A_929 = tpu.vector_load %arg9[%swap3A_926, %swap3A_927, %swap3A_928] {strides = array<i32>} : memref<2x48x128xf32, #tpu.memory_space<vmem>>, vector<1x1x16xf32>,
        %swap3A_930 = vector.shape_cast %swap3A_929 : vector<1x1x16xf32> to vector<16xf32>
        %swap3A_931 = vector.shape_cast %add3A_924 : vector<16xf32> to vector<1x1x16xf32>
        tpu.vector_store %arg9[%swap3A_926, %swap3A_927, %swap3A_928], %swap3A_931 {strides = array<i32>} : memref<2x48x128xf32, #tpu.memory_space<vmem>>, vector<1x1x16xf32>,
      }
      %scan3A_486 = arith.constant 48 : i32
      %mul3A_487 = arith.constant 48 : i32
      %mul3A_488 = arith.muli %add3A_364, %mul3A_487 : i32
      %add3A_489 = arith.addi %mul3A_2, %mul3A_488 : i32
      %multiple_of3A_490 = tpu.assume_multiple %add3A_489, 8 : i32
      %run_scoped3A_491 = arith.constant 0 : i32
      "tpu.region"() ({
        %run_scoped3A_624 = tpu.sem_alloc : memref<!tpu.dma_semaphore, #tpu.memory_space<semaphore_mem>>
        %dma_start3A_625 = arith.constant 0 : i32
        %dma_start3A_626 = arith.constant 0 : i32
        %dma_start3A_627 = tpu.memref_slice %arg9[%run_scoped3A_491, %dma_start3A_625, %dma_start3A_626] : memref<2x48x128xf32, #tpu.memory_space<vmem>> -> memref<1x48x128xf32, #tpu.memory_space<vmem>>
        %dma_start3A_628 = tpu.memref_squeeze %dma_start3A_627 : memref<1x48x128xf32, #tpu.memory_space<vmem>> -> memref<48x128xf32, #tpu.memory_space<vmem>>
        %dma_start3A_629 = arith.constant 0 : i32
        %dma_start3A_630 = tpu.memref_slice %arg5[%multiple_of3A_490, %dma_start3A_629] : memref<52224x128xf32, #tpu.memory_space<hbm>> -> memref<48x128xf32, #tpu.memory_space<hbm>>
        %dma_start3A_631 = arith.constant 0 : i32
        %dma_start3A_632 = tpu.memref_slice %arg5[%multiple_of3A_490, %dma_start3A_631] : memref<52224x128xf32, #tpu.memory_space<hbm>> -> memref<48x128xf32, #tpu.memory_space<hbm>>
        %dma_start3A_633 = arith.constant 0 : i32
        %dma_start3A_634 = arith.constant 0 : i32
        %dma_start3A_635 = tpu.memref_slice %arg9[%run_scoped3A_491, %dma_start3A_633, %dma_start3A_634] : memref<2x48x128xf32, #tpu.memory_space<vmem>> -> memref<1x48x128xf32, #tpu.memory_space<vmem>>
        %dma_start3A_636 = tpu.memref_squeeze %dma_start3A_635 : memref<1x48x128xf32, #tpu.memory_space<vmem>> -> memref<48x128xf32, #tpu.memory_space<vmem>>
        tpu.enqueue_dma source(%dma_start3A_636 : memref<48x128xf32, #tpu.memory_space<vmem>>) target(%dma_start3A_632 : memref<48x128xf32, #tpu.memory_space<hbm>>) target_semaphore(%run_scoped3A_624 : memref<!tpu.dma_semaphore, #tpu.memory_space<semaphore_mem>>)
        %dma_wait3A_637 = arith.constant 0 : i32
        %dma_wait3A_638 = arith.constant 0 : i32
        %dma_wait3A_639 = tpu.memref_slice %arg9[%run_scoped3A_491, %dma_wait3A_637, %dma_wait3A_638] : memref<2x48x128xf32, #tpu.memory_space<vmem>> -> memref<1x48x128xf32, #tpu.memory_space<vmem>>
        %dma_wait3A_640 = tpu.memref_squeeze %dma_wait3A_639 : memref<1x48x128xf32, #tpu.memory_space<vmem>> -> memref<48x128xf32, #tpu.memory_space<vmem>>
        %dma_wait3A_641 = arith.constant 0 : i32
        %dma_wait3A_642 = tpu.memref_slice %arg5[%multiple_of3A_490, %dma_wait3A_641] : memref<52224x128xf32, #tpu.memory_space<hbm>> -> memref<48x128xf32, #tpu.memory_space<hbm>>
        %dma_wait3A_643 = arith.constant 0 : i32
        %dma_wait3A_644 = tpu.memref_slice %arg5[%multiple_of3A_490, %dma_wait3A_643] : memref<52224x128xf32, #tpu.memory_space<hbm>> -> memref<48x128xf32, #tpu.memory_space<hbm>>
        %dma_wait3A_645 = arith.constant 0 : i32
        %dma_wait3A_646 = arith.constant 0 : i32
        %dma_wait3A_647 = tpu.memref_slice %arg9[%run_scoped3A_491, %dma_wait3A_645, %dma_wait3A_646] : memref<2x48x128xf32, #tpu.memory_space<vmem>> -> memref<1x48x128xf32, #tpu.memory_space<vmem>>
        %dma_wait3A_648 = tpu.memref_squeeze %dma_wait3A_647 : memref<1x48x128xf32, #tpu.memory_space<vmem>> -> memref<48x128xf32, #tpu.memory_space<vmem>>
        tpu.wait_dma2 semaphore(%run_scoped3A_624 : memref<!tpu.dma_semaphore, #tpu.memory_space<semaphore_mem>>) src(%dma_wait3A_648 : memref<48x128xf32, #tpu.memory_space<vmem>>) dst(%dma_wait3A_644 : memref<48x128xf32, #tpu.memory_space<hbm>>)
        tpu.yield
      }) : () -> ()
      %mul3A_492 = arith.constant 2 : i32
      %mul3A_493 = arith.muli %mul3A_492, %scan3A_360 : i32
      %add3A_494 = arith.constant 1 : i32
      %add3A_495 = arith.addi %mul3A_493, %add3A_494 : i32
      %add3A_496 = arith.constant 1 : i32
      %add3A_497 = arith.addi %add3A_495, %add3A_496 : i32
      %min3A_498 = arith.constant 33 : i32
      %min3A_499 = arith.minsi %add3A_497, %min3A_498 : i32
      %mul3A_500 = arith.constant 48 : i32
      %mul3A_501 = arith.muli %min3A_499, %mul3A_500 : i32
      %add3A_502 = arith.constant 0 : i32
      %add3A_503 = arith.addi %add3A_502, %mul3A_501 : i32
      %multiple_of3A_504 = tpu.assume_multiple %add3A_503, 8 : i32
      %dma_start3A_505 = arith.constant 0 : i32
      %dma_start3A_506 = arith.constant 0 : i32
      %dma_start3A_507 = arith.constant 0 : i32
      %dma_start3A_508 = arith.constant 0 : i32
      %dma_start3A_509 = tpu.memref_slice %arg8[%dma_start3A_505, %dma_start3A_506, %dma_start3A_507, %dma_start3A_508] : memref<2x3x48x128xf32, #tpu.memory_space<vmem>> -> memref<1x1x48x128xf32, #tpu.memory_space<vmem>>
      %dma_start3A_510 = tpu.memref_squeeze %dma_start3A_509 : memref<1x1x48x128xf32, #tpu.memory_space<vmem>> -> memref<48x128xf32, #tpu.memory_space<vmem>>
      %dma_start3A_511 = tpu.memref_slice %arg6[%multiple_of3A_504] : memref<4896xi32, #tpu.memory_space<vmem>> -> memref<48xi32, #tpu.memory_space<vmem>>
      %dma_start3A_512 = arith.constant 0 : i32
      %dma_start3A_513 = arith.constant 0 : i32
      %dma_start3A_514 = tpu.memref_slice %arg2[%dma_start3A_512, %dma_start3A_513] : memref<1024x128xf32, #tpu.memory_space<hbm>> -> memref<1024x128xf32, #tpu.memory_space<hbm>>
      tpu.enqueue_indirect_dma source(%dma_start3A_514 : memref<1024x128xf32, #tpu.memory_space<hbm>>) target(%dma_start3A_510 : memref<48x128xf32, #tpu.memory_space<vmem>>) offsets(%dma_start3A_511 : memref<48xi32, #tpu.memory_space<vmem>>) semaphore(%arg10 : memref<!tpu.dma_semaphore, #tpu.memory_space<semaphore_mem>>)
      %add3A_515 = arith.constant 1632 : i32
      %add3A_516 = arith.addi %add3A_515, %mul3A_501 : i32
      %multiple_of3A_517 = tpu.assume_multiple %add3A_516, 8 : i32
      %dma_start3A_518 = arith.constant 0 : i32
      %dma_start3A_519 = arith.constant 1 : i32
      %dma_start3A_520 = arith.constant 0 : i32
      %dma_start3A_521 = arith.constant 0 : i32
      %dma_start3A_522 = tpu.memref_slice %arg8[%dma_start3A_518, %dma_start3A_519, %dma_start3A_520, %dma_start3A_521] : memref<2x3x48x128xf32, #tpu.memory_space<vmem>> -> memref<1x1x48x128xf32, #tpu.memory_space<vmem>>
      %dma_start3A_523 = tpu.memref_squeeze %dma_start3A_522 : memref<1x1x48x128xf32, #tpu.memory_space<vmem>> -> memref<48x128xf32, #tpu.memory_space<vmem>>
      %dma_start3A_524 = tpu.memref_slice %arg6[%multiple_of3A_517] : memref<4896xi32, #tpu.memory_space<vmem>> -> memref<48xi32, #tpu.memory_space<vmem>>
      %dma_start3A_525 = arith.constant 0 : i32
      %dma_start3A_526 = arith.constant 0 : i32
      %dma_start3A_527 = tpu.memref_slice %arg2[%dma_start3A_525, %dma_start3A_526] : memref<1024x128xf32, #tpu.memory_space<hbm>> -> memref<1024x128xf32, #tpu.memory_space<hbm>>
      tpu.enqueue_indirect_dma source(%dma_start3A_527 : memref<1024x128xf32, #tpu.memory_space<hbm>>) target(%dma_start3A_523 : memref<48x128xf32, #tpu.memory_space<vmem>>) offsets(%dma_start3A_524 : memref<48xi32, #tpu.memory_space<vmem>>) semaphore(%arg10 : memref<!tpu.dma_semaphore, #tpu.memory_space<semaphore_mem>>)
      %add3A_528 = arith.constant 3264 : i32
      %add3A_529 = arith.addi %add3A_528, %mul3A_501 : i32
      %multiple_of3A_530 = tpu.assume_multiple %add3A_529, 8 : i32
      %dma_start3A_531 = arith.constant 0 : i32
      %dma_start3A_532 = arith.constant 2 : i32
      %dma_start3A_533 = arith.constant 0 : i32
      %dma_start3A_534 = arith.constant 0 : i32
      %dma_start3A_535 = tpu.memref_slice %arg8[%dma_start3A_531, %dma_start3A_532, %dma_start3A_533, %dma_start3A_534] : memref<2x3x48x128xf32, #tpu.memory_space<vmem>> -> memref<1x1x48x128xf32, #tpu.memory_space<vmem>>
      %dma_start3A_536 = tpu.memref_squeeze %dma_start3A_535 : memref<1x1x48x128xf32, #tpu.memory_space<vmem>> -> memref<48x128xf32, #tpu.memory_space<vmem>>
      %dma_start3A_537 = tpu.memref_slice %arg6[%multiple_of3A_530] : memref<4896xi32, #tpu.memory_space<vmem>> -> memref<48xi32, #tpu.memory_space<vmem>>
      %dma_start3A_538 = arith.constant 0 : i32
      %dma_start3A_539 = arith.constant 0 : i32
      %dma_start3A_540 = tpu.memref_slice %arg2[%dma_start3A_538, %dma_start3A_539] : memref<1024x128xf32, #tpu.memory_space<hbm>> -> memref<1024x128xf32, #tpu.memory_space<hbm>>
      tpu.enqueue_indirect_dma source(%dma_start3A_540 : memref<1024x128xf32, #tpu.memory_space<hbm>>) target(%dma_start3A_536 : memref<48x128xf32, #tpu.memory_space<vmem>>) offsets(%dma_start3A_537 : memref<48xi32, #tpu.memory_space<vmem>>) semaphore(%arg10 : memref<!tpu.dma_semaphore, #tpu.memory_space<semaphore_mem>>)
      %add3A_541 = arith.addi %mul3A_2, %mul3A_501 : i32
      %mul3A_542 = arith.constant 48 : i32
      %mul3A_543 = arith.muli %add3A_541, %mul3A_542 : i32
      %multiple_of3A_544 = tpu.assume_multiple %mul3A_543, 8 : i32
      %dma_start3A_545 = arith.constant 0 : i32
      %dma_start3A_546 = arith.constant 0 : i32
      %dma_start3A_547 = tpu.memref_slice %arg7[%dma_start3A_545, %dma_start3A_546] : memref<2x2304xf32, #tpu.memory_space<vmem>> -> memref<1x2304xf32, #tpu.memory_space<vmem>>
      %dma_start3A_548 = tpu.memref_squeeze %dma_start3A_547 : memref<1x2304xf32, #tpu.memory_space<vmem>> -> memref<2304xf32, #tpu.memory_space<vmem>>
      %dma_start3A_549 = tpu.memref_slice %arg4[%multiple_of3A_544] : memref<2506752xf32, #tpu.memory_space<hbm>> -> memref<2304xf32, #tpu.memory_space<hbm>>
      %dma_start3A_550 = arith.constant 0 : i32
      %dma_start3A_551 = tpu.memref_slice %arg7[%dma_start3A_545, %dma_start3A_550] : memref<2x2304xf32, #tpu.memory_space<vmem>> -> memref<1x2304xf32, #tpu.memory_space<vmem>>
      %dma_start3A_552 = tpu.memref_squeeze %dma_start3A_551 : memref<1x2304xf32, #tpu.memory_space<vmem>> -> memref<2304xf32, #tpu.memory_space<vmem>>
      %dma_start3A_553 = tpu.memref_slice %arg4[%multiple_of3A_544] : memref<2506752xf32, #tpu.memory_space<hbm>> -> memref<2304xf32, #tpu.memory_space<hbm>>
      tpu.enqueue_dma source(%dma_start3A_553 : memref<2304xf32, #tpu.memory_space<hbm>>) target(%dma_start3A_552 : memref<2304xf32, #tpu.memory_space<vmem>>) target_semaphore(%arg10 : memref<!tpu.dma_semaphore, #tpu.memory_space<semaphore_mem>>)
      %dma_wait3A_554 = arith.constant 1 : i32
      %dma_wait3A_555 = arith.constant 0 : i32
      %dma_wait3A_556 = arith.constant 0 : i32
      %dma_wait3A_557 = arith.constant 0 : i32
      %dma_wait3A_558 = tpu.memref_slice %arg8[%dma_wait3A_554, %dma_wait3A_555, %dma_wait3A_556, %dma_wait3A_557] : memref<2x3x48x128xf32, #tpu.memory_space<vmem>> -> memref<1x1x48x128xf32, #tpu.memory_space<vmem>>
      %dma_wait3A_559 = tpu.memref_squeeze %dma_wait3A_558 : memref<1x1x48x128xf32, #tpu.memory_space<vmem>> -> memref<48x128xf32, #tpu.memory_space<vmem>>
      %dma_wait3A_560 = arith.constant 0 : i32
      %dma_wait3A_561 = arith.constant 0 : i32
      %dma_wait3A_562 = tpu.memref_slice %arg2[%dma_wait3A_560, %dma_wait3A_561] : memref<1024x128xf32, #tpu.memory_space<hbm>> -> memref<48x128xf32, #tpu.memory_space<hbm>>
      %dma_wait3A_563 = arith.constant 0 : i32
      %dma_wait3A_564 = arith.constant 0 : i32
      %dma_wait3A_565 = tpu.memref_slice %arg8[%dma_wait3A_554, %dma_wait3A_555, %dma_wait3A_563, %dma_wait3A_564] : memref<2x3x48x128xf32, #tpu.memory_space<vmem>> -> memref<1x1x48x128xf32, #tpu.memory_space<vmem>>
      %dma_wait3A_566 = tpu.memref_squeeze %dma_wait3A_565 : memref<1x1x48x128xf32, #tpu.memory_space<vmem>> -> memref<48x128xf32, #tpu.memory_space<vmem>>
      %dma_wait3A_567 = arith.constant 0 : i32
      %dma_wait3A_568 = arith.constant 0 : i32
      %dma_wait3A_569 = tpu.memref_slice %arg2[%dma_wait3A_567, %dma_wait3A_568] : memref<1024x128xf32, #tpu.memory_space<hbm>> -> memref<48x128xf32, #tpu.memory_space<hbm>>
      tpu.wait_dma2 semaphore(%arg11 : memref<!tpu.dma_semaphore, #tpu.memory_space<semaphore_mem>>) src(%dma_wait3A_569 : memref<48x128xf32, #tpu.memory_space<hbm>>) dst(%dma_wait3A_566 : memref<48x128xf32, #tpu.memory_space<vmem>>)
      %dma_wait3A_570 = arith.constant 1 : i32
      %dma_wait3A_571 = arith.constant 1 : i32
      %dma_wait3A_572 = arith.constant 0 : i32
      %dma_wait3A_573 = arith.constant 0 : i32
      %dma_wait3A_574 = tpu.memref_slice %arg8[%dma_wait3A_570, %dma_wait3A_571, %dma_wait3A_572, %dma_wait3A_573] : memref<2x3x48x128xf32, #tpu.memory_space<vmem>> -> memref<1x1x48x128xf32, #tpu.memory_space<vmem>>
      %dma_wait3A_575 = tpu.memref_squeeze %dma_wait3A_574 : memref<1x1x48x128xf32, #tpu.memory_space<vmem>> -> memref<48x128xf32, #tpu.memory_space<vmem>>
      %dma_wait3A_576 = arith.constant 0 : i32
      %dma_wait3A_577 = arith.constant 0 : i32
      %dma_wait3A_578 = tpu.memref_slice %arg2[%dma_wait3A_576, %dma_wait3A_577] : memref<1024x128xf32, #tpu.memory_space<hbm>> -> memref<48x128xf32, #tpu.memory_space<hbm>>
      %dma_wait3A_579 = arith.constant 0 : i32
      %dma_wait3A_580 = arith.constant 0 : i32
      %dma_wait3A_581 = tpu.memref_slice %arg8[%dma_wait3A_570, %dma_wait3A_571, %dma_wait3A_579, %dma_wait3A_580] : memref<2x3x48x128xf32, #tpu.memory_space<vmem>> -> memref<1x1x48x128xf32, #tpu.memory_space<vmem>>
      %dma_wait3A_582 = tpu.memref_squeeze %dma_wait3A_581 : memref<1x1x48x128xf32, #tpu.memory_space<vmem>> -> memref<48x128xf32, #tpu.memory_space<vmem>>
      %dma_wait3A_583 = arith.constant 0 : i32
      %dma_wait3A_584 = arith.constant 0 : i32
      %dma_wait3A_585 = tpu.memref_slice %arg2[%dma_wait3A_583, %dma_wait3A_584] : memref<1024x128xf32, #tpu.memory_space<hbm>> -> memref<48x128xf32, #tpu.memory_space<hbm>>
      tpu.wait_dma2 semaphore(%arg11 : memref<!tpu.dma_semaphore, #tpu.memory_space<semaphore_mem>>) src(%dma_wait3A_585 : memref<48x128xf32, #tpu.memory_space<hbm>>) dst(%dma_wait3A_582 : memref<48x128xf32, #tpu.memory_space<vmem>>)
      %dma_wait3A_586 = arith.constant 1 : i32
      %dma_wait3A_587 = arith.constant 2 : i32
      %dma_wait3A_588 = arith.constant 0 : i32
      %dma_wait3A_589 = arith.constant 0 : i32
      %dma_wait3A_590 = tpu.memref_slice %arg8[%dma_wait3A_586, %dma_wait3A_587, %dma_wait3A_588, %dma_wait3A_589] : memref<2x3x48x128xf32, #tpu.memory_space<vmem>> -> memref<1x1x48x128xf32, #tpu.memory_space<vmem>>
      %dma_wait3A_591 = tpu.memref_squeeze %dma_wait3A_590 : memref<1x1x48x128xf32, #tpu.memory_space<vmem>> -> memref<48x128xf32, #tpu.memory_space<vmem>>
      %dma_wait3A_592 = arith.constant 0 : i32
      %dma_wait3A_593 = arith.constant 0 : i32
      %dma_wait3A_594 = tpu.memref_slice %arg2[%dma_wait3A_592, %dma_wait3A_593] : memref<1024x128xf32, #tpu.memory_space<hbm>> -> memref<48x128xf32, #tpu.memory_space<hbm>>
      %dma_wait3A_595 = arith.constant 0 : i32
      %dma_wait3A_596 = arith.constant 0 : i32
      %dma_wait3A_597 = tpu.memref_slice %arg8[%dma_wait3A_586, %dma_wait3A_587, %dma_wait3A_595, %dma_wait3A_596] : memref<2x3x48x128xf32, #tpu.memory_space<vmem>> -> memref<1x1x48x128xf32, #tpu.memory_space<vmem>>
      %dma_wait3A_598 = tpu.memref_squeeze %dma_wait3A_597 : memref<1x1x48x128xf32, #tpu.memory_space<vmem>> -> memref<48x128xf32, #tpu.memory_space<vmem>>
      %dma_wait3A_599 = arith.constant 0 : i32
      %dma_wait3A_600 = arith.constant 0 : i32
      %dma_wait3A_601 = tpu.memref_slice %arg2[%dma_wait3A_599, %dma_wait3A_600] : memref<1024x128xf32, #tpu.memory_space<hbm>> -> memref<48x128xf32, #tpu.memory_space<hbm>>
      tpu.wait_dma2 semaphore(%arg11 : memref<!tpu.dma_semaphore, #tpu.memory_space<semaphore_mem>>) src(%dma_wait3A_601 : memref<48x128xf32, #tpu.memory_space<hbm>>) dst(%dma_wait3A_598 : memref<48x128xf32, #tpu.memory_space<vmem>>)
      %dma_wait3A_602 = arith.constant 1 : i32
      %dma_wait3A_603 = arith.constant 0 : i32
      %dma_wait3A_604 = tpu.memref_slice %arg7[%dma_wait3A_602, %dma_wait3A_603] : memref<2x2304xf32, #tpu.memory_space<vmem>> -> memref<1x2304xf32, #tpu.memory_space<vmem>>
      %dma_wait3A_605 = tpu.memref_squeeze %dma_wait3A_604 : memref<1x2304xf32, #tpu.memory_space<vmem>> -> memref<2304xf32, #tpu.memory_space<vmem>>
      %dma_wait3A_606 = arith.constant 0 : i32
      %dma_wait3A_607 = tpu.memref_slice %arg4[%dma_wait3A_606] : memref<2506752xf32, #tpu.memory_space<hbm>> -> memref<2304xf32, #tpu.memory_space<hbm>>
      %dma_wait3A_608 = arith.constant 0 : i32
      %dma_wait3A_609 = tpu.memref_slice %arg7[%dma_wait3A_602, %dma_wait3A_608] : memref<2x2304xf32, #tpu.memory_space<vmem>> -> memref<1x2304xf32, #tpu.memory_space<vmem>>
      %dma_wait3A_610 = tpu.memref_squeeze %dma_wait3A_609 : memref<1x2304xf32, #tpu.memory_space<vmem>> -> memref<2304xf32, #tpu.memory_space<vmem>>
      %dma_wait3A_611 = arith.constant 0 : i32
      %dma_wait3A_612 = tpu.memref_slice %arg4[%dma_wait3A_611] : memref<2506752xf32, #tpu.memory_space<hbm>> -> memref<2304xf32, #tpu.memory_space<hbm>>
      tpu.wait_dma2 semaphore(%arg11 : memref<!tpu.dma_semaphore, #tpu.memory_space<semaphore_mem>>) src(%dma_wait3A_612 : memref<2304xf32, #tpu.memory_space<hbm>>) dst(%dma_wait3A_610 : memref<2304xf32, #tpu.memory_space<vmem>>)
      %scan3A_613 = arith.constant 0 : i32
      %scan3A_614 = arith.constant 0 : i32
      %scan3A_615 = arith.constant 48 : i32
      %scan3A_616 = arith.addi %scan3A_614, %scan3A_615 : i32
      %scan3A_617 = arith.constant 1 : i32
      scf.for %scan3A_624 = %scan3A_614 to %scan3A_616 step %scan3A_617  : i32 {
        %mul3A_625 = arith.constant 48 : i32
        %mul3A_626 = arith.muli %scan3A_624, %mul3A_625 : i32
        %get3A = arith.constant 1 : i32
        %get3A_627 = arith.index_cast %get3A : i32 to index
        %get3A_628 = arith.index_cast %mul3A_626 : i32 to index
        %get3A_629 = tpu.vector_load %arg7[%get3A_627, %get3A_628] {strides = array<i32>} : memref<2x2304xf32, #tpu.memory_space<vmem>>, vector<1x16xf32>,
        %get3A_630 = vector.shape_cast %get3A_629 : vector<1x16xf32> to vector<16xf32>
        %add3A_631 = arith.constant 16 : i32
        %add3A_632 = arith.addi %mul3A_626, %add3A_631 : i32
        %get3A_633 = arith.constant 1 : i32
        %get3A_634 = arith.index_cast %get3A_633 : i32 to index
        %get3A_635 = arith.index_cast %add3A_632 : i32 to index
        %get3A_636 = tpu.vector_load %arg7[%get3A_634, %get3A_635] {strides = array<i32>} : memref<2x2304xf32, #tpu.memory_space<vmem>>, vector<1x16xf32>,
        %get3A_637 = vector.shape_cast %get3A_636 : vector<1x16xf32> to vector<16xf32>
        %add3A_638 = arith.constant 32 : i32
        %add3A_639 = arith.addi %mul3A_626, %add3A_638 : i32
        %get3A_640 = arith.constant 1 : i32
        %get3A_641 = arith.index_cast %get3A_640 : i32 to index
        %get3A_642 = arith.index_cast %add3A_639 : i32 to index
        %get3A_643 = tpu.vector_load %arg7[%get3A_641, %get3A_642] {strides = array<i32>} : memref<2x2304xf32, #tpu.memory_space<vmem>>, vector<1x16xf32>,
        %get3A_644 = vector.shape_cast %get3A_643 : vector<1x16xf32> to vector<16xf32>
        %get3A_645 = arith.constant 1 : i32
        %get3A_646 = arith.constant 0 : i32
        %get3A_647 = arith.index_cast %get3A_645 : i32 to index
        %get3A_648 = arith.index_cast %get3A_646 : i32 to index
        %get3A_649 = arith.index_cast %scan3A_624 : i32 to index
        %get3A_650 = arith.constant 0 : index
        %get3A_651 = tpu.vector_load %arg8[%get3A_647, %get3A_648, %get3A_649, %get3A_650] {strides = array<i32>} : memref<2x3x48x128xf32, #tpu.memory_space<vmem>>, vector<1x1x1x16xf32>,
        %get3A_652 = vector.shape_cast %get3A_651 : vector<1x1x1x16xf32> to vector<16xf32>
        %mul3A_653 = arith.mulf %get3A_630, %get3A_652 : vector<16xf32>
        %get3A_654 = arith.constant 1 : i32
        %get3A_655 = arith.constant 1 : i32
        %get3A_656 = arith.index_cast %get3A_654 : i32 to index
        %get3A_657 = arith.index_cast %get3A_655 : i32 to index
        %get3A_658 = arith.index_cast %scan3A_624 : i32 to index
        %get3A_659 = arith.constant 0 : index
        %get3A_660 = tpu.vector_load %arg8[%get3A_656, %get3A_657, %get3A_658, %get3A_659] {strides = array<i32>} : memref<2x3x48x128xf32, #tpu.memory_space<vmem>>, vector<1x1x1x16xf32>,
        %get3A_661 = vector.shape_cast %get3A_660 : vector<1x1x1x16xf32> to vector<16xf32>
        %mul3A_662 = arith.mulf %get3A_637, %get3A_661 : vector<16xf32>
        %add3A_663 = arith.addf %mul3A_653, %mul3A_662 : vector<16xf32>
        %get3A_664 = arith.constant 1 : i32
        %get3A_665 = arith.constant 2 : i32
        %get3A_666 = arith.index_cast %get3A_664 : i32 to index
        %get3A_667 = arith.index_cast %get3A_665 : i32 to index
        %get3A_668 = arith.index_cast %scan3A_624 : i32 to index
        %get3A_669 = arith.constant 0 : index
        %get3A_670 = tpu.vector_load %arg8[%get3A_666, %get3A_667, %get3A_668, %get3A_669] {strides = array<i32>} : memref<2x3x48x128xf32, #tpu.memory_space<vmem>>, vector<1x1x1x16xf32>,
        %get3A_671 = vector.shape_cast %get3A_670 : vector<1x1x1x16xf32> to vector<16xf32>
        %mul3A_672 = arith.mulf %get3A_644, %get3A_671 : vector<16xf32>
        %add3A_673 = arith.addf %add3A_663, %mul3A_672 : vector<16xf32>
        %swap3A = arith.constant 1 : i32
        %swap3A_674 = arith.index_cast %swap3A : i32 to index
        %swap3A_675 = arith.index_cast %scan3A_624 : i32 to index
        %swap3A_676 = arith.constant 0 : index
        %swap3A_677 = tpu.vector_load %arg9[%swap3A_674, %swap3A_675, %swap3A_676] {strides = array<i32>} : memref<2x48x128xf32, #tpu.memory_space<vmem>>, vector<1x1x16xf32>,
        %swap3A_678 = vector.shape_cast %swap3A_677 : vector<1x1x16xf32> to vector<16xf32>
        %swap3A_679 = vector.shape_cast %add3A_673 : vector<16xf32> to vector<1x1x16xf32>
        tpu.vector_store %arg9[%swap3A_674, %swap3A_675, %swap3A_676], %swap3A_679 {strides = array<i32>} : memref<2x48x128xf32, #tpu.memory_space<vmem>>, vector<1x1x16xf32>,
        %get3A_680 = arith.constant 1 : i32
        %get3A_681 = arith.constant 0 : i32
        %get3A_682 = arith.index_cast %get3A_680 : i32 to index
        %get3A_683 = arith.index_cast %get3A_681 : i32 to index
        %get3A_684 = arith.index_cast %scan3A_624 : i32 to index
        %get3A_685 = arith.constant 16 : index
        %get3A_686 = tpu.vector_load %arg8[%get3A_682, %get3A_683, %get3A_684, %get3A_685] {strides = array<i32>} : memref<2x3x48x128xf32, #tpu.memory_space<vmem>>, vector<1x1x1x16xf32>,
        %get3A_687 = vector.shape_cast %get3A_686 : vector<1x1x1x16xf32> to vector<16xf32>
        %mul3A_688 = arith.mulf %get3A_630, %get3A_687 : vector<16xf32>
        %get3A_689 = arith.constant 1 : i32
        %get3A_690 = arith.constant 1 : i32
        %get3A_691 = arith.index_cast %get3A_689 : i32 to index
        %get3A_692 = arith.index_cast %get3A_690 : i32 to index
        %get3A_693 = arith.index_cast %scan3A_624 : i32 to index
        %get3A_694 = arith.constant 16 : index
        %get3A_695 = tpu.vector_load %arg8[%get3A_691, %get3A_692, %get3A_693, %get3A_694] {strides = array<i32>} : memref<2x3x48x128xf32, #tpu.memory_space<vmem>>, vector<1x1x1x16xf32>,
        %get3A_696 = vector.shape_cast %get3A_695 : vector<1x1x1x16xf32> to vector<16xf32>
        %mul3A_697 = arith.mulf %get3A_637, %get3A_696 : vector<16xf32>
        %add3A_698 = arith.addf %mul3A_688, %mul3A_697 : vector<16xf32>
        %get3A_699 = arith.constant 1 : i32
        %get3A_700 = arith.constant 2 : i32
        %get3A_701 = arith.index_cast %get3A_699 : i32 to index
        %get3A_702 = arith.index_cast %get3A_700 : i32 to index
        %get3A_703 = arith.index_cast %scan3A_624 : i32 to index
        %get3A_704 = arith.constant 16 : index
        %get3A_705 = tpu.vector_load %arg8[%get3A_701, %get3A_702, %get3A_703, %get3A_704] {strides = array<i32>} : memref<2x3x48x128xf32, #tpu.memory_space<vmem>>, vector<1x1x1x16xf32>,
        %get3A_706 = vector.shape_cast %get3A_705 : vector<1x1x1x16xf32> to vector<16xf32>
        %mul3A_707 = arith.mulf %get3A_644, %get3A_706 : vector<16xf32>
        %add3A_708 = arith.addf %add3A_698, %mul3A_707 : vector<16xf32>
        %swap3A_709 = arith.constant 1 : i32
        %swap3A_710 = arith.index_cast %swap3A_709 : i32 to index
        %swap3A_711 = arith.index_cast %scan3A_624 : i32 to index
        %swap3A_712 = arith.constant 16 : index
        %swap3A_713 = tpu.vector_load %arg9[%swap3A_710, %swap3A_711, %swap3A_712] {strides = array<i32>} : memref<2x48x128xf32, #tpu.memory_space<vmem>>, vector<1x1x16xf32>,
        %swap3A_714 = vector.shape_cast %swap3A_713 : vector<1x1x16xf32> to vector<16xf32>
        %swap3A_715 = vector.shape_cast %add3A_708 : vector<16xf32> to vector<1x1x16xf32>
        tpu.vector_store %arg9[%swap3A_710, %swap3A_711, %swap3A_712], %swap3A_715 {strides = array<i32>} : memref<2x48x128xf32, #tpu.memory_space<vmem>>, vector<1x1x16xf32>,
        %get3A_716 = arith.constant 1 : i32
        %get3A_717 = arith.constant 0 : i32
        %get3A_718 = arith.index_cast %get3A_716 : i32 to index
        %get3A_719 = arith.index_cast %get3A_717 : i32 to index
        %get3A_720 = arith.index_cast %scan3A_624 : i32 to index
        %get3A_721 = arith.constant 32 : index
        %get3A_722 = tpu.vector_load %arg8[%get3A_718, %get3A_719, %get3A_720, %get3A_721] {strides = array<i32>} : memref<2x3x48x128xf32, #tpu.memory_space<vmem>>, vector<1x1x1x16xf32>,
        %get3A_723 = vector.shape_cast %get3A_722 : vector<1x1x1x16xf32> to vector<16xf32>
        %mul3A_724 = arith.mulf %get3A_630, %get3A_723 : vector<16xf32>
        %get3A_725 = arith.constant 1 : i32
        %get3A_726 = arith.constant 1 : i32
        %get3A_727 = arith.index_cast %get3A_725 : i32 to index
        %get3A_728 = arith.index_cast %get3A_726 : i32 to index
        %get3A_729 = arith.index_cast %scan3A_624 : i32 to index
        %get3A_730 = arith.constant 32 : index
        %get3A_731 = tpu.vector_load %arg8[%get3A_727, %get3A_728, %get3A_729, %get3A_730] {strides = array<i32>} : memref<2x3x48x128xf32, #tpu.memory_space<vmem>>, vector<1x1x1x16xf32>,
        %get3A_732 = vector.shape_cast %get3A_731 : vector<1x1x1x16xf32> to vector<16xf32>
        %mul3A_733 = arith.mulf %get3A_637, %get3A_732 : vector<16xf32>
        %add3A_734 = arith.addf %mul3A_724, %mul3A_733 : vector<16xf32>
        %get3A_735 = arith.constant 1 : i32
        %get3A_736 = arith.constant 2 : i32
        %get3A_737 = arith.index_cast %get3A_735 : i32 to index
        %get3A_738 = arith.index_cast %get3A_736 : i32 to index
        %get3A_739 = arith.index_cast %scan3A_624 : i32 to index
        %get3A_740 = arith.constant 32 : index
        %get3A_741 = tpu.vector_load %arg8[%get3A_737, %get3A_738, %get3A_739, %get3A_740] {strides = array<i32>} : memref<2x3x48x128xf32, #tpu.memory_space<vmem>>, vector<1x1x1x16xf32>,
        %get3A_742 = vector.shape_cast %get3A_741 : vector<1x1x1x16xf32> to vector<16xf32>
        %mul3A_743 = arith.mulf %get3A_644, %get3A_742 : vector<16xf32>
        %add3A_744 = arith.addf %add3A_734, %mul3A_743 : vector<16xf32>
        %swap3A_745 = arith.constant 1 : i32
        %swap3A_746 = arith.index_cast %swap3A_745 : i32 to index
        %swap3A_747 = arith.index_cast %scan3A_624 : i32 to index
        %swap3A_748 = arith.constant 32 : index
        %swap3A_749 = tpu.vector_load %arg9[%swap3A_746, %swap3A_747, %swap3A_748] {strides = array<i32>} : memref<2x48x128xf32, #tpu.memory_space<vmem>>, vector<1x1x16xf32>,
        %swap3A_750 = vector.shape_cast %swap3A_749 : vector<1x1x16xf32> to vector<16xf32>
        %swap3A_751 = vector.shape_cast %add3A_744 : vector<16xf32> to vector<1x1x16xf32>
        tpu.vector_store %arg9[%swap3A_746, %swap3A_747, %swap3A_748], %swap3A_751 {strides = array<i32>} : memref<2x48x128xf32, #tpu.memory_space<vmem>>, vector<1x1x16xf32>,
        %get3A_752 = arith.constant 1 : i32
        %get3A_753 = arith.constant 0 : i32
        %get3A_754 = arith.index_cast %get3A_752 : i32 to index
        %get3A_755 = arith.index_cast %get3A_753 : i32 to index
        %get3A_756 = arith.index_cast %scan3A_624 : i32 to index
        %get3A_757 = arith.constant 48 : index
        %get3A_758 = tpu.vector_load %arg8[%get3A_754, %get3A_755, %get3A_756, %get3A_757] {strides = array<i32>} : memref<2x3x48x128xf32, #tpu.memory_space<vmem>>, vector<1x1x1x16xf32>,
        %get3A_759 = vector.shape_cast %get3A_758 : vector<1x1x1x16xf32> to vector<16xf32>
        %mul3A_760 = arith.mulf %get3A_630, %get3A_759 : vector<16xf32>
        %get3A_761 = arith.constant 1 : i32
        %get3A_762 = arith.constant 1 : i32
        %get3A_763 = arith.index_cast %get3A_761 : i32 to index
        %get3A_764 = arith.index_cast %get3A_762 : i32 to index
        %get3A_765 = arith.index_cast %scan3A_624 : i32 to index
        %get3A_766 = arith.constant 48 : index
        %get3A_767 = tpu.vector_load %arg8[%get3A_763, %get3A_764, %get3A_765, %get3A_766] {strides = array<i32>} : memref<2x3x48x128xf32, #tpu.memory_space<vmem>>, vector<1x1x1x16xf32>,
        %get3A_768 = vector.shape_cast %get3A_767 : vector<1x1x1x16xf32> to vector<16xf32>
        %mul3A_769 = arith.mulf %get3A_637, %get3A_768 : vector<16xf32>
        %add3A_770 = arith.addf %mul3A_760, %mul3A_769 : vector<16xf32>
        %get3A_771 = arith.constant 1 : i32
        %get3A_772 = arith.constant 2 : i32
        %get3A_773 = arith.index_cast %get3A_771 : i32 to index
        %get3A_774 = arith.index_cast %get3A_772 : i32 to index
        %get3A_775 = arith.index_cast %scan3A_624 : i32 to index
        %get3A_776 = arith.constant 48 : index
        %get3A_777 = tpu.vector_load %arg8[%get3A_773, %get3A_774, %get3A_775, %get3A_776] {strides = array<i32>} : memref<2x3x48x128xf32, #tpu.memory_space<vmem>>, vector<1x1x1x16xf32>,
        %get3A_778 = vector.shape_cast %get3A_777 : vector<1x1x1x16xf32> to vector<16xf32>
        %mul3A_779 = arith.mulf %get3A_644, %get3A_778 : vector<16xf32>
        %add3A_780 = arith.addf %add3A_770, %mul3A_779 : vector<16xf32>
        %swap3A_781 = arith.constant 1 : i32
        %swap3A_782 = arith.index_cast %swap3A_781 : i32 to index
        %swap3A_783 = arith.index_cast %scan3A_624 : i32 to index
        %swap3A_784 = arith.constant 48 : index
        %swap3A_785 = tpu.vector_load %arg9[%swap3A_782, %swap3A_783, %swap3A_784] {strides = array<i32>} : memref<2x48x128xf32, #tpu.memory_space<vmem>>, vector<1x1x16xf32>,
        %swap3A_786 = vector.shape_cast %swap3A_785 : vector<1x1x16xf32> to vector<16xf32>
        %swap3A_787 = vector.shape_cast %add3A_780 : vector<16xf32> to vector<1x1x16xf32>
        tpu.vector_store %arg9[%swap3A_782, %swap3A_783, %swap3A_784], %swap3A_787 {strides = array<i32>} : memref<2x48x128xf32, #tpu.memory_space<vmem>>, vector<1x1x16xf32>,
        %get3A_788 = arith.constant 1 : i32
        %get3A_789 = arith.constant 0 : i32
        %get3A_790 = arith.index_cast %get3A_788 : i32 to index
        %get3A_791 = arith.index_cast %get3A_789 : i32 to index
        %get3A_792 = arith.index_cast %scan3A_624 : i32 to index
        %get3A_793 = arith.constant 64 : index
        %get3A_794 = tpu.vector_load %arg8[%get3A_790, %get3A_791, %get3A_792, %get3A_793] {strides = array<i32>} : memref<2x3x48x128xf32, #tpu.memory_space<vmem>>, vector<1x1x1x16xf32>,
        %get3A_795 = vector.shape_cast %get3A_794 : vector<1x1x1x16xf32> to vector<16xf32>
        %mul3A_796 = arith.mulf %get3A_630, %get3A_795 : vector<16xf32>
        %get3A_797 = arith.constant 1 : i32
        %get3A_798 = arith.constant 1 : i32
        %get3A_799 = arith.index_cast %get3A_797 : i32 to index
        %get3A_800 = arith.index_cast %get3A_798 : i32 to index
        %get3A_801 = arith.index_cast %scan3A_624 : i32 to index
        %get3A_802 = arith.constant 64 : index
        %get3A_803 = tpu.vector_load %arg8[%get3A_799, %get3A_800, %get3A_801, %get3A_802] {strides = array<i32>} : memref<2x3x48x128xf32, #tpu.memory_space<vmem>>, vector<1x1x1x16xf32>,
        %get3A_804 = vector.shape_cast %get3A_803 : vector<1x1x1x16xf32> to vector<16xf32>
        %mul3A_805 = arith.mulf %get3A_637, %get3A_804 : vector<16xf32>
        %add3A_806 = arith.addf %mul3A_796, %mul3A_805 : vector<16xf32>
        %get3A_807 = arith.constant 1 : i32
        %get3A_808 = arith.constant 2 : i32
        %get3A_809 = arith.index_cast %get3A_807 : i32 to index
        %get3A_810 = arith.index_cast %get3A_808 : i32 to index
        %get3A_811 = arith.index_cast %scan3A_624 : i32 to index
        %get3A_812 = arith.constant 64 : index
        %get3A_813 = tpu.vector_load %arg8[%get3A_809, %get3A_810, %get3A_811, %get3A_812] {strides = array<i32>} : memref<2x3x48x128xf32, #tpu.memory_space<vmem>>, vector<1x1x1x16xf32>,
        %get3A_814 = vector.shape_cast %get3A_813 : vector<1x1x1x16xf32> to vector<16xf32>
        %mul3A_815 = arith.mulf %get3A_644, %get3A_814 : vector<16xf32>
        %add3A_816 = arith.addf %add3A_806, %mul3A_815 : vector<16xf32>
        %swap3A_817 = arith.constant 1 : i32
        %swap3A_818 = arith.index_cast %swap3A_817 : i32 to index
        %swap3A_819 = arith.index_cast %scan3A_624 : i32 to index
        %swap3A_820 = arith.constant 64 : index
        %swap3A_821 = tpu.vector_load %arg9[%swap3A_818, %swap3A_819, %swap3A_820] {strides = array<i32>} : memref<2x48x128xf32, #tpu.memory_space<vmem>>, vector<1x1x16xf32>,
        %swap3A_822 = vector.shape_cast %swap3A_821 : vector<1x1x16xf32> to vector<16xf32>
        %swap3A_823 = vector.shape_cast %add3A_816 : vector<16xf32> to vector<1x1x16xf32>
        tpu.vector_store %arg9[%swap3A_818, %swap3A_819, %swap3A_820], %swap3A_823 {strides = array<i32>} : memref<2x48x128xf32, #tpu.memory_space<vmem>>, vector<1x1x16xf32>,
        %get3A_824 = arith.constant 1 : i32
        %get3A_825 = arith.constant 0 : i32
        %get3A_826 = arith.index_cast %get3A_824 : i32 to index
        %get3A_827 = arith.index_cast %get3A_825 : i32 to index
        %get3A_828 = arith.index_cast %scan3A_624 : i32 to index
        %get3A_829 = arith.constant 80 : index
        %get3A_830 = tpu.vector_load %arg8[%get3A_826, %get3A_827, %get3A_828, %get3A_829] {strides = array<i32>} : memref<2x3x48x128xf32, #tpu.memory_space<vmem>>, vector<1x1x1x16xf32>,
        %get3A_831 = vector.shape_cast %get3A_830 : vector<1x1x1x16xf32> to vector<16xf32>
        %mul3A_832 = arith.mulf %get3A_630, %get3A_831 : vector<16xf32>
        %get3A_833 = arith.constant 1 : i32
        %get3A_834 = arith.constant 1 : i32
        %get3A_835 = arith.index_cast %get3A_833 : i32 to index
        %get3A_836 = arith.index_cast %get3A_834 : i32 to index
        %get3A_837 = arith.index_cast %scan3A_624 : i32 to index
        %get3A_838 = arith.constant 80 : index
        %get3A_839 = tpu.vector_load %arg8[%get3A_835, %get3A_836, %get3A_837, %get3A_838] {strides = array<i32>} : memref<2x3x48x128xf32, #tpu.memory_space<vmem>>, vector<1x1x1x16xf32>,
        %get3A_840 = vector.shape_cast %get3A_839 : vector<1x1x1x16xf32> to vector<16xf32>
        %mul3A_841 = arith.mulf %get3A_637, %get3A_840 : vector<16xf32>
        %add3A_842 = arith.addf %mul3A_832, %mul3A_841 : vector<16xf32>
        %get3A_843 = arith.constant 1 : i32
        %get3A_844 = arith.constant 2 : i32
        %get3A_845 = arith.index_cast %get3A_843 : i32 to index
        %get3A_846 = arith.index_cast %get3A_844 : i32 to index
        %get3A_847 = arith.index_cast %scan3A_624 : i32 to index
        %get3A_848 = arith.constant 80 : index
        %get3A_849 = tpu.vector_load %arg8[%get3A_845, %get3A_846, %get3A_847, %get3A_848] {strides = array<i32>} : memref<2x3x48x128xf32, #tpu.memory_space<vmem>>, vector<1x1x1x16xf32>,
        %get3A_850 = vector.shape_cast %get3A_849 : vector<1x1x1x16xf32> to vector<16xf32>
        %mul3A_851 = arith.mulf %get3A_644, %get3A_850 : vector<16xf32>
        %add3A_852 = arith.addf %add3A_842, %mul3A_851 : vector<16xf32>
        %swap3A_853 = arith.constant 1 : i32
        %swap3A_854 = arith.index_cast %swap3A_853 : i32 to index
        %swap3A_855 = arith.index_cast %scan3A_624 : i32 to index
        %swap3A_856 = arith.constant 80 : index
        %swap3A_857 = tpu.vector_load %arg9[%swap3A_854, %swap3A_855, %swap3A_856] {strides = array<i32>} : memref<2x48x128xf32, #tpu.memory_space<vmem>>, vector<1x1x16xf32>,
        %swap3A_858 = vector.shape_cast %swap3A_857 : vector<1x1x16xf32> to vector<16xf32>
        %swap3A_859 = vector.shape_cast %add3A_852 : vector<16xf32> to vector<1x1x16xf32>
        tpu.vector_store %arg9[%swap3A_854, %swap3A_855, %swap3A_856], %swap3A_859 {strides = array<i32>} : memref<2x48x128xf32, #tpu.memory_space<vmem>>, vector<1x1x16xf32>,
        %get3A_860 = arith.constant 1 : i32
        %get3A_861 = arith.constant 0 : i32
        %get3A_862 = arith.index_cast %get3A_860 : i32 to index
        %get3A_863 = arith.index_cast %get3A_861 : i32 to index
        %get3A_864 = arith.index_cast %scan3A_624 : i32 to index
        %get3A_865 = arith.constant 96 : index
        %get3A_866 = tpu.vector_load %arg8[%get3A_862, %get3A_863, %get3A_864, %get3A_865] {strides = array<i32>} : memref<2x3x48x128xf32, #tpu.memory_space<vmem>>, vector<1x1x1x16xf32>,
        %get3A_867 = vector.shape_cast %get3A_866 : vector<1x1x1x16xf32> to vector<16xf32>
        %mul3A_868 = arith.mulf %get3A_630, %get3A_867 : vector<16xf32>
        %get3A_869 = arith.constant 1 : i32
        %get3A_870 = arith.constant 1 : i32
        %get3A_871 = arith.index_cast %get3A_869 : i32 to index
        %get3A_872 = arith.index_cast %get3A_870 : i32 to index
        %get3A_873 = arith.index_cast %scan3A_624 : i32 to index
        %get3A_874 = arith.constant 96 : index
        %get3A_875 = tpu.vector_load %arg8[%get3A_871, %get3A_872, %get3A_873, %get3A_874] {strides = array<i32>} : memref<2x3x48x128xf32, #tpu.memory_space<vmem>>, vector<1x1x1x16xf32>,
        %get3A_876 = vector.shape_cast %get3A_875 : vector<1x1x1x16xf32> to vector<16xf32>
        %mul3A_877 = arith.mulf %get3A_637, %get3A_876 : vector<16xf32>
        %add3A_878 = arith.addf %mul3A_868, %mul3A_877 : vector<16xf32>
        %get3A_879 = arith.constant 1 : i32
        %get3A_880 = arith.constant 2 : i32
        %get3A_881 = arith.index_cast %get3A_879 : i32 to index
        %get3A_882 = arith.index_cast %get3A_880 : i32 to index
        %get3A_883 = arith.index_cast %scan3A_624 : i32 to index
        %get3A_884 = arith.constant 96 : index
        %get3A_885 = tpu.vector_load %arg8[%get3A_881, %get3A_882, %get3A_883, %get3A_884] {strides = array<i32>} : memref<2x3x48x128xf32, #tpu.memory_space<vmem>>, vector<1x1x1x16xf32>,
        %get3A_886 = vector.shape_cast %get3A_885 : vector<1x1x1x16xf32> to vector<16xf32>
        %mul3A_887 = arith.mulf %get3A_644, %get3A_886 : vector<16xf32>
        %add3A_888 = arith.addf %add3A_878, %mul3A_887 : vector<16xf32>
        %swap3A_889 = arith.constant 1 : i32
        %swap3A_890 = arith.index_cast %swap3A_889 : i32 to index
        %swap3A_891 = arith.index_cast %scan3A_624 : i32 to index
        %swap3A_892 = arith.constant 96 : index
        %swap3A_893 = tpu.vector_load %arg9[%swap3A_890, %swap3A_891, %swap3A_892] {strides = array<i32>} : memref<2x48x128xf32, #tpu.memory_space<vmem>>, vector<1x1x16xf32>,
        %swap3A_894 = vector.shape_cast %swap3A_893 : vector<1x1x16xf32> to vector<16xf32>
        %swap3A_895 = vector.shape_cast %add3A_888 : vector<16xf32> to vector<1x1x16xf32>
        tpu.vector_store %arg9[%swap3A_890, %swap3A_891, %swap3A_892], %swap3A_895 {strides = array<i32>} : memref<2x48x128xf32, #tpu.memory_space<vmem>>, vector<1x1x16xf32>,
        %get3A_896 = arith.constant 1 : i32
        %get3A_897 = arith.constant 0 : i32
        %get3A_898 = arith.index_cast %get3A_896 : i32 to index
        %get3A_899 = arith.index_cast %get3A_897 : i32 to index
        %get3A_900 = arith.index_cast %scan3A_624 : i32 to index
        %get3A_901 = arith.constant 112 : index
        %get3A_902 = tpu.vector_load %arg8[%get3A_898, %get3A_899, %get3A_900, %get3A_901] {strides = array<i32>} : memref<2x3x48x128xf32, #tpu.memory_space<vmem>>, vector<1x1x1x16xf32>,
        %get3A_903 = vector.shape_cast %get3A_902 : vector<1x1x1x16xf32> to vector<16xf32>
        %mul3A_904 = arith.mulf %get3A_630, %get3A_903 : vector<16xf32>
        %get3A_905 = arith.constant 1 : i32
        %get3A_906 = arith.constant 1 : i32
        %get3A_907 = arith.index_cast %get3A_905 : i32 to index
        %get3A_908 = arith.index_cast %get3A_906 : i32 to index
        %get3A_909 = arith.index_cast %scan3A_624 : i32 to index
        %get3A_910 = arith.constant 112 : index
        %get3A_911 = tpu.vector_load %arg8[%get3A_907, %get3A_908, %get3A_909, %get3A_910] {strides = array<i32>} : memref<2x3x48x128xf32, #tpu.memory_space<vmem>>, vector<1x1x1x16xf32>,
        %get3A_912 = vector.shape_cast %get3A_911 : vector<1x1x1x16xf32> to vector<16xf32>
        %mul3A_913 = arith.mulf %get3A_637, %get3A_912 : vector<16xf32>
        %add3A_914 = arith.addf %mul3A_904, %mul3A_913 : vector<16xf32>
        %get3A_915 = arith.constant 1 : i32
        %get3A_916 = arith.constant 2 : i32
        %get3A_917 = arith.index_cast %get3A_915 : i32 to index
        %get3A_918 = arith.index_cast %get3A_916 : i32 to index
        %get3A_919 = arith.index_cast %scan3A_624 : i32 to index
        %get3A_920 = arith.constant 112 : index
        %get3A_921 = tpu.vector_load %arg8[%get3A_917, %get3A_918, %get3A_919, %get3A_920] {strides = array<i32>} : memref<2x3x48x128xf32, #tpu.memory_space<vmem>>, vector<1x1x1x16xf32>,
        %get3A_922 = vector.shape_cast %get3A_921 : vector<1x1x1x16xf32> to vector<16xf32>
        %mul3A_923 = arith.mulf %get3A_644, %get3A_922 : vector<16xf32>
        %add3A_924 = arith.addf %add3A_914, %mul3A_923 : vector<16xf32>
        %swap3A_925 = arith.constant 1 : i32
        %swap3A_926 = arith.index_cast %swap3A_925 : i32 to index
        %swap3A_927 = arith.index_cast %scan3A_624 : i32 to index
        %swap3A_928 = arith.constant 112 : index
        %swap3A_929 = tpu.vector_load %arg9[%swap3A_926, %swap3A_927, %swap3A_928] {strides = array<i32>} : memref<2x48x128xf32, #tpu.memory_space<vmem>>, vector<1x1x16xf32>,
        %swap3A_930 = vector.shape_cast %swap3A_929 : vector<1x1x16xf32> to vector<16xf32>
        %swap3A_931 = vector.shape_cast %add3A_924 : vector<16xf32> to vector<1x1x16xf32>
        tpu.vector_store %arg9[%swap3A_926, %swap3A_927, %swap3A_928], %swap3A_931 {strides = array<i32>} : memref<2x48x128xf32, #tpu.memory_space<vmem>>, vector<1x1x16xf32>,
      }
      %scan3A_618 = arith.constant 48 : i32
      %mul3A_619 = arith.constant 48 : i32
      %mul3A_620 = arith.muli %add3A_495, %mul3A_619 : i32
      %add3A_621 = arith.addi %mul3A_2, %mul3A_620 : i32
      %multiple_of3A_622 = tpu.assume_multiple %add3A_621, 8 : i32
      %run_scoped3A_623 = arith.constant 1 : i32
      "tpu.region"() ({
        %run_scoped3A_624 = tpu.sem_alloc : memref<!tpu.dma_semaphore, #tpu.memory_space<semaphore_mem>>
        %dma_start3A_625 = arith.constant 0 : i32
        %dma_start3A_626 = arith.constant 0 : i32
        %dma_start3A_627 = tpu.memref_slice %arg9[%run_scoped3A_623, %dma_start3A_625, %dma_start3A_626] : memref<2x48x128xf32, #tpu.memory_space<vmem>> -> memref<1x48x128xf32, #tpu.memory_space<vmem>>
        %dma_start3A_628 = tpu.memref_squeeze %dma_start3A_627 : memref<1x48x128xf32, #tpu.memory_space<vmem>> -> memref<48x128xf32, #tpu.memory_space<vmem>>
        %dma_start3A_629 = arith.constant 0 : i32
        %dma_start3A_630 = tpu.memref_slice %arg5[%multiple_of3A_622, %dma_start3A_629] : memref<52224x128xf32, #tpu.memory_space<hbm>> -> memref<48x128xf32, #tpu.memory_space<hbm>>
        %dma_start3A_631 = arith.constant 0 : i32
        %dma_start3A_632 = tpu.memref_slice %arg5[%multiple_of3A_622, %dma_start3A_631] : memref<52224x128xf32, #tpu.memory_space<hbm>> -> memref<48x128xf32, #tpu.memory_space<hbm>>
        %dma_start3A_633 = arith.constant 0 : i32
        %dma_start3A_634 = arith.constant 0 : i32
        %dma_start3A_635 = tpu.memref_slice %arg9[%run_scoped3A_623, %dma_start3A_633, %dma_start3A_634] : memref<2x48x128xf32, #tpu.memory_space<vmem>> -> memref<1x48x128xf32, #tpu.memory_space<vmem>>
        %dma_start3A_636 = tpu.memref_squeeze %dma_start3A_635 : memref<1x48x128xf32, #tpu.memory_space<vmem>> -> memref<48x128xf32, #tpu.memory_space<vmem>>
        tpu.enqueue_dma source(%dma_start3A_636 : memref<48x128xf32, #tpu.memory_space<vmem>>) target(%dma_start3A_632 : memref<48x128xf32, #tpu.memory_space<hbm>>) target_semaphore(%run_scoped3A_624 : memref<!tpu.dma_semaphore, #tpu.memory_space<semaphore_mem>>)
        %dma_wait3A_637 = arith.constant 0 : i32
        %dma_wait3A_638 = arith.constant 0 : i32
        %dma_wait3A_639 = tpu.memref_slice %arg9[%run_scoped3A_623, %dma_wait3A_637, %dma_wait3A_638] : memref<2x48x128xf32, #tpu.memory_space<vmem>> -> memref<1x48x128xf32, #tpu.memory_space<vmem>>
        %dma_wait3A_640 = tpu.memref_squeeze %dma_wait3A_639 : memref<1x48x128xf32, #tpu.memory_space<vmem>> -> memref<48x128xf32, #tpu.memory_space<vmem>>
        %dma_wait3A_641 = arith.constant 0 : i32
        %dma_wait3A_642 = tpu.memref_slice %arg5[%multiple_of3A_622, %dma_wait3A_641] : memref<52224x128xf32, #tpu.memory_space<hbm>> -> memref<48x128xf32, #tpu.memory_space<hbm>>
        %dma_wait3A_643 = arith.constant 0 : i32
        %dma_wait3A_644 = tpu.memref_slice %arg5[%multiple_of3A_622, %dma_wait3A_643] : memref<52224x128xf32, #tpu.memory_space<hbm>> -> memref<48x128xf32, #tpu.memory_space<hbm>>
        %dma_wait3A_645 = arith.constant 0 : i32
        %dma_wait3A_646 = arith.constant 0 : i32
        %dma_wait3A_647 = tpu.memref_slice %arg9[%run_scoped3A_623, %dma_wait3A_645, %dma_wait3A_646] : memref<2x48x128xf32, #tpu.memory_space<vmem>> -> memref<1x48x128xf32, #tpu.memory_space<vmem>>
        %dma_wait3A_648 = tpu.memref_squeeze %dma_wait3A_647 : memref<1x48x128xf32, #tpu.memory_space<vmem>> -> memref<48x128xf32, #tpu.memory_space<vmem>>
        tpu.wait_dma2 semaphore(%run_scoped3A_624 : memref<!tpu.dma_semaphore, #tpu.memory_space<semaphore_mem>>) src(%dma_wait3A_648 : memref<48x128xf32, #tpu.memory_space<vmem>>) dst(%dma_wait3A_644 : memref<48x128xf32, #tpu.memory_space<hbm>>)
        tpu.yield
      }) : () -> ()
    }
    %scan3A_64 = arith.constant 16 : i32
    %multiple_of3A_65 = arith.constant 1584 : i32
    %multiple_of3A_66 = tpu.assume_multiple %multiple_of3A_65, 8 : i32
    %dma_start3A_67 = arith.constant 1 : i32
    %dma_start3A_68 = arith.constant 0 : i32
    %dma_start3A_69 = arith.constant 0 : i32
    %dma_start3A_70 = arith.constant 0 : i32
    %dma_start3A_71 = tpu.memref_slice %arg8[%dma_start3A_67, %dma_start3A_68, %dma_start3A_69, %dma_start3A_70] : memref<2x3x48x128xf32, #tpu.memory_space<vmem>> -> memref<1x1x48x128xf32, #tpu.memory_space<vmem>>
    %dma_start3A_72 = tpu.memref_squeeze %dma_start3A_71 : memref<1x1x48x128xf32, #tpu.memory_space<vmem>> -> memref<48x128xf32, #tpu.memory_space<vmem>>
    %dma_start3A_73 = tpu.memref_slice %arg6[%multiple_of3A_66] : memref<4896xi32, #tpu.memory_space<vmem>> -> memref<48xi32, #tpu.memory_space<vmem>>
    %dma_start3A_74 = arith.constant 0 : i32
    %dma_start3A_75 = arith.constant 0 : i32
    %dma_start3A_76 = tpu.memref_slice %arg2[%dma_start3A_74, %dma_start3A_75] : memref<1024x128xf32, #tpu.memory_space<hbm>> -> memref<1024x128xf32, #tpu.memory_space<hbm>>
    tpu.enqueue_indirect_dma source(%dma_start3A_76 : memref<1024x128xf32, #tpu.memory_space<hbm>>) target(%dma_start3A_72 : memref<48x128xf32, #tpu.memory_space<vmem>>) offsets(%dma_start3A_73 : memref<48xi32, #tpu.memory_space<vmem>>) semaphore(%arg11 : memref<!tpu.dma_semaphore, #tpu.memory_space<semaphore_mem>>)
    %multiple_of3A_77 = arith.constant 3216 : i32
    %multiple_of3A_78 = tpu.assume_multiple %multiple_of3A_77, 8 : i32
    %dma_start3A_79 = arith.constant 1 : i32
    %dma_start3A_80 = arith.constant 1 : i32
    %dma_start3A_81 = arith.constant 0 : i32
    %dma_start3A_82 = arith.constant 0 : i32
    %dma_start3A_83 = tpu.memref_slice %arg8[%dma_start3A_79, %dma_start3A_80, %dma_start3A_81, %dma_start3A_82] : memref<2x3x48x128xf32, #tpu.memory_space<vmem>> -> memref<1x1x48x128xf32, #tpu.memory_space<vmem>>
    %dma_start3A_84 = tpu.memref_squeeze %dma_start3A_83 : memref<1x1x48x128xf32, #tpu.memory_space<vmem>> -> memref<48x128xf32, #tpu.memory_space<vmem>>
    %dma_start3A_85 = tpu.memref_slice %arg6[%multiple_of3A_78] : memref<4896xi32, #tpu.memory_space<vmem>> -> memref<48xi32, #tpu.memory_space<vmem>>
    %dma_start3A_86 = arith.constant 0 : i32
    %dma_start3A_87 = arith.constant 0 : i32
    %dma_start3A_88 = tpu.memref_slice %arg2[%dma_start3A_86, %dma_start3A_87] : memref<1024x128xf32, #tpu.memory_space<hbm>> -> memref<1024x128xf32, #tpu.memory_space<hbm>>
    tpu.enqueue_indirect_dma source(%dma_start3A_88 : memref<1024x128xf32, #tpu.memory_space<hbm>>) target(%dma_start3A_84 : memref<48x128xf32, #tpu.memory_space<vmem>>) offsets(%dma_start3A_85 : memref<48xi32, #tpu.memory_space<vmem>>) semaphore(%arg11 : memref<!tpu.dma_semaphore, #tpu.memory_space<semaphore_mem>>)
    %multiple_of3A_89 = arith.constant 4848 : i32
    %multiple_of3A_90 = tpu.assume_multiple %multiple_of3A_89, 8 : i32
    %dma_start3A_91 = arith.constant 1 : i32
    %dma_start3A_92 = arith.constant 2 : i32
    %dma_start3A_93 = arith.constant 0 : i32
    %dma_start3A_94 = arith.constant 0 : i32
    %dma_start3A_95 = tpu.memref_slice %arg8[%dma_start3A_91, %dma_start3A_92, %dma_start3A_93, %dma_start3A_94] : memref<2x3x48x128xf32, #tpu.memory_space<vmem>> -> memref<1x1x48x128xf32, #tpu.memory_space<vmem>>
    %dma_start3A_96 = tpu.memref_squeeze %dma_start3A_95 : memref<1x1x48x128xf32, #tpu.memory_space<vmem>> -> memref<48x128xf32, #tpu.memory_space<vmem>>
    %dma_start3A_97 = tpu.memref_slice %arg6[%multiple_of3A_90] : memref<4896xi32, #tpu.memory_space<vmem>> -> memref<48xi32, #tpu.memory_space<vmem>>
    %dma_start3A_98 = arith.constant 0 : i32
    %dma_start3A_99 = arith.constant 0 : i32
    %dma_start3A_100 = tpu.memref_slice %arg2[%dma_start3A_98, %dma_start3A_99] : memref<1024x128xf32, #tpu.memory_space<hbm>> -> memref<1024x128xf32, #tpu.memory_space<hbm>>
    tpu.enqueue_indirect_dma source(%dma_start3A_100 : memref<1024x128xf32, #tpu.memory_space<hbm>>) target(%dma_start3A_96 : memref<48x128xf32, #tpu.memory_space<vmem>>) offsets(%dma_start3A_97 : memref<48xi32, #tpu.memory_space<vmem>>) semaphore(%arg11 : memref<!tpu.dma_semaphore, #tpu.memory_space<semaphore_mem>>)
    %add3A_101 = arith.constant 1584 : i32
    %add3A_102 = arith.addi %mul3A_2, %add3A_101 : i32
    %mul3A_103 = arith.constant 48 : i32
    %mul3A_104 = arith.muli %add3A_102, %mul3A_103 : i32
    %multiple_of3A_105 = tpu.assume_multiple %mul3A_104, 8 : i32
    %dma_start3A_106 = arith.constant 1 : i32
    %dma_start3A_107 = arith.constant 0 : i32
    %dma_start3A_108 = tpu.memref_slice %arg7[%dma_start3A_106, %dma_start3A_107] : memref<2x2304xf32, #tpu.memory_space<vmem>> -> memref<1x2304xf32, #tpu.memory_space<vmem>>
    %dma_start3A_109 = tpu.memref_squeeze %dma_start3A_108 : memref<1x2304xf32, #tpu.memory_space<vmem>> -> memref<2304xf32, #tpu.memory_space<vmem>>
    %dma_start3A_110 = tpu.memref_slice %arg4[%multiple_of3A_105] : memref<2506752xf32, #tpu.memory_space<hbm>> -> memref<2304xf32, #tpu.memory_space<hbm>>
    %dma_start3A_111 = arith.constant 0 : i32
    %dma_start3A_112 = tpu.memref_slice %arg7[%dma_start3A_106, %dma_start3A_111] : memref<2x2304xf32, #tpu.memory_space<vmem>> -> memref<1x2304xf32, #tpu.memory_space<vmem>>
    %dma_start3A_113 = tpu.memref_squeeze %dma_start3A_112 : memref<1x2304xf32, #tpu.memory_space<vmem>> -> memref<2304xf32, #tpu.memory_space<vmem>>
    %dma_start3A_114 = tpu.memref_slice %arg4[%multiple_of3A_105] : memref<2506752xf32, #tpu.memory_space<hbm>> -> memref<2304xf32, #tpu.memory_space<hbm>>
    tpu.enqueue_dma source(%dma_start3A_114 : memref<2304xf32, #tpu.memory_space<hbm>>) target(%dma_start3A_113 : memref<2304xf32, #tpu.memory_space<vmem>>) target_semaphore(%arg11 : memref<!tpu.dma_semaphore, #tpu.memory_space<semaphore_mem>>)
    %dma_wait3A = arith.constant 0 : i32
    %dma_wait3A_115 = arith.constant 0 : i32
    %dma_wait3A_116 = arith.constant 0 : i32
    %dma_wait3A_117 = arith.constant 0 : i32
    %dma_wait3A_118 = tpu.memref_slice %arg8[%dma_wait3A, %dma_wait3A_115, %dma_wait3A_116, %dma_wait3A_117] : memref<2x3x48x128xf32, #tpu.memory_space<vmem>> -> memref<1x1x48x128xf32, #tpu.memory_space<vmem>>
    %dma_wait3A_119 = tpu.memref_squeeze %dma_wait3A_118 : memref<1x1x48x128xf32, #tpu.memory_space<vmem>> -> memref<48x128xf32, #tpu.memory_space<vmem>>
    %dma_wait3A_120 = arith.constant 0 : i32
    %dma_wait3A_121 = arith.constant 0 : i32
    %dma_wait3A_122 = tpu.memref_slice %arg2[%dma_wait3A_120, %dma_wait3A_121] : memref<1024x128xf32, #tpu.memory_space<hbm>> -> memref<48x128xf32, #tpu.memory_space<hbm>>
    %dma_wait3A_123 = arith.constant 0 : i32
    %dma_wait3A_124 = arith.constant 0 : i32
    %dma_wait3A_125 = tpu.memref_slice %arg8[%dma_wait3A, %dma_wait3A_115, %dma_wait3A_123, %dma_wait3A_124] : memref<2x3x48x128xf32, #tpu.memory_space<vmem>> -> memref<1x1x48x128xf32, #tpu.memory_space<vmem>>
    %dma_wait3A_126 = tpu.memref_squeeze %dma_wait3A_125 : memref<1x1x48x128xf32, #tpu.memory_space<vmem>> -> memref<48x128xf32, #tpu.memory_space<vmem>>
    %dma_wait3A_127 = arith.constant 0 : i32
    %dma_wait3A_128 = arith.constant 0 : i32
    %dma_wait3A_129 = tpu.memref_slice %arg2[%dma_wait3A_127, %dma_wait3A_128] : memref<1024x128xf32, #tpu.memory_space<hbm>> -> memref<48x128xf32, #tpu.memory_space<hbm>>
    tpu.wait_dma2 semaphore(%arg10 : memref<!tpu.dma_semaphore, #tpu.memory_space<semaphore_mem>>) src(%dma_wait3A_129 : memref<48x128xf32, #tpu.memory_space<hbm>>) dst(%dma_wait3A_126 : memref<48x128xf32, #tpu.memory_space<vmem>>)
    %dma_wait3A_130 = arith.constant 0 : i32
    %dma_wait3A_131 = arith.constant 1 : i32
    %dma_wait3A_132 = arith.constant 0 : i32
    %dma_wait3A_133 = arith.constant 0 : i32
    %dma_wait3A_134 = tpu.memref_slice %arg8[%dma_wait3A_130, %dma_wait3A_131, %dma_wait3A_132, %dma_wait3A_133] : memref<2x3x48x128xf32, #tpu.memory_space<vmem>> -> memref<1x1x48x128xf32, #tpu.memory_space<vmem>>
    %dma_wait3A_135 = tpu.memref_squeeze %dma_wait3A_134 : memref<1x1x48x128xf32, #tpu.memory_space<vmem>> -> memref<48x128xf32, #tpu.memory_space<vmem>>
    %dma_wait3A_136 = arith.constant 0 : i32
    %dma_wait3A_137 = arith.constant 0 : i32
    %dma_wait3A_138 = tpu.memref_slice %arg2[%dma_wait3A_136, %dma_wait3A_137] : memref<1024x128xf32, #tpu.memory_space<hbm>> -> memref<48x128xf32, #tpu.memory_space<hbm>>
    %dma_wait3A_139 = arith.constant 0 : i32
    %dma_wait3A_140 = arith.constant 0 : i32
    %dma_wait3A_141 = tpu.memref_slice %arg8[%dma_wait3A_130, %dma_wait3A_131, %dma_wait3A_139, %dma_wait3A_140] : memref<2x3x48x128xf32, #tpu.memory_space<vmem>> -> memref<1x1x48x128xf32, #tpu.memory_space<vmem>>
    %dma_wait3A_142 = tpu.memref_squeeze %dma_wait3A_141 : memref<1x1x48x128xf32, #tpu.memory_space<vmem>> -> memref<48x128xf32, #tpu.memory_space<vmem>>
    %dma_wait3A_143 = arith.constant 0 : i32
    %dma_wait3A_144 = arith.constant 0 : i32
    %dma_wait3A_145 = tpu.memref_slice %arg2[%dma_wait3A_143, %dma_wait3A_144] : memref<1024x128xf32, #tpu.memory_space<hbm>> -> memref<48x128xf32, #tpu.memory_space<hbm>>
    tpu.wait_dma2 semaphore(%arg10 : memref<!tpu.dma_semaphore, #tpu.memory_space<semaphore_mem>>) src(%dma_wait3A_145 : memref<48x128xf32, #tpu.memory_space<hbm>>) dst(%dma_wait3A_142 : memref<48x128xf32, #tpu.memory_space<vmem>>)
    %dma_wait3A_146 = arith.constant 0 : i32
    %dma_wait3A_147 = arith.constant 2 : i32
    %dma_wait3A_148 = arith.constant 0 : i32
    %dma_wait3A_149 = arith.constant 0 : i32
    %dma_wait3A_150 = tpu.memref_slice %arg8[%dma_wait3A_146, %dma_wait3A_147, %dma_wait3A_148, %dma_wait3A_149] : memref<2x3x48x128xf32, #tpu.memory_space<vmem>> -> memref<1x1x48x128xf32, #tpu.memory_space<vmem>>
    %dma_wait3A_151 = tpu.memref_squeeze %dma_wait3A_150 : memref<1x1x48x128xf32, #tpu.memory_space<vmem>> -> memref<48x128xf32, #tpu.memory_space<vmem>>
    %dma_wait3A_152 = arith.constant 0 : i32
    %dma_wait3A_153 = arith.constant 0 : i32
    %dma_wait3A_154 = tpu.memref_slice %arg2[%dma_wait3A_152, %dma_wait3A_153] : memref<1024x128xf32, #tpu.memory_space<hbm>> -> memref<48x128xf32, #tpu.memory_space<hbm>>
    %dma_wait3A_155 = arith.constant 0 : i32
    %dma_wait3A_156 = arith.constant 0 : i32
    %dma_wait3A_157 = tpu.memref_slice %arg8[%dma_wait3A_146, %dma_wait3A_147, %dma_wait3A_155, %dma_wait3A_156] : memref<2x3x48x128xf32, #tpu.memory_space<vmem>> -> memref<1x1x48x128xf32, #tpu.memory_space<vmem>>
    %dma_wait3A_158 = tpu.memref_squeeze %dma_wait3A_157 : memref<1x1x48x128xf32, #tpu.memory_space<vmem>> -> memref<48x128xf32, #tpu.memory_space<vmem>>
    %dma_wait3A_159 = arith.constant 0 : i32
    %dma_wait3A_160 = arith.constant 0 : i32
    %dma_wait3A_161 = tpu.memref_slice %arg2[%dma_wait3A_159, %dma_wait3A_160] : memref<1024x128xf32, #tpu.memory_space<hbm>> -> memref<48x128xf32, #tpu.memory_space<hbm>>
    tpu.wait_dma2 semaphore(%arg10 : memref<!tpu.dma_semaphore, #tpu.memory_space<semaphore_mem>>) src(%dma_wait3A_161 : memref<48x128xf32, #tpu.memory_space<hbm>>) dst(%dma_wait3A_158 : memref<48x128xf32, #tpu.memory_space<vmem>>)
    %dma_wait3A_162 = arith.constant 0 : i32
    %dma_wait3A_163 = arith.constant 0 : i32
    %dma_wait3A_164 = tpu.memref_slice %arg7[%dma_wait3A_162, %dma_wait3A_163] : memref<2x2304xf32, #tpu.memory_space<vmem>> -> memref<1x2304xf32, #tpu.memory_space<vmem>>
    %dma_wait3A_165 = tpu.memref_squeeze %dma_wait3A_164 : memref<1x2304xf32, #tpu.memory_space<vmem>> -> memref<2304xf32, #tpu.memory_space<vmem>>
    %dma_wait3A_166 = arith.constant 0 : i32
    %dma_wait3A_167 = tpu.memref_slice %arg4[%dma_wait3A_166] : memref<2506752xf32, #tpu.memory_space<hbm>> -> memref<2304xf32, #tpu.memory_space<hbm>>
    %dma_wait3A_168 = arith.constant 0 : i32
    %dma_wait3A_169 = tpu.memref_slice %arg7[%dma_wait3A_162, %dma_wait3A_168] : memref<2x2304xf32, #tpu.memory_space<vmem>> -> memref<1x2304xf32, #tpu.memory_space<vmem>>
    %dma_wait3A_170 = tpu.memref_squeeze %dma_wait3A_169 : memref<1x2304xf32, #tpu.memory_space<vmem>> -> memref<2304xf32, #tpu.memory_space<vmem>>
    %dma_wait3A_171 = arith.constant 0 : i32
    %dma_wait3A_172 = tpu.memref_slice %arg4[%dma_wait3A_171] : memref<2506752xf32, #tpu.memory_space<hbm>> -> memref<2304xf32, #tpu.memory_space<hbm>>
    tpu.wait_dma2 semaphore(%arg10 : memref<!tpu.dma_semaphore, #tpu.memory_space<semaphore_mem>>) src(%dma_wait3A_172 : memref<2304xf32, #tpu.memory_space<hbm>>) dst(%dma_wait3A_170 : memref<2304xf32, #tpu.memory_space<vmem>>)
    %scan3A_173 = arith.constant 0 : i32
    %scan3A_174 = arith.constant 0 : i32
    %scan3A_175 = arith.constant 48 : i32
    %scan3A_176 = arith.addi %scan3A_174, %scan3A_175 : i32
    %scan3A_177 = arith.constant 1 : i32
    scf.for %scan3A_360 = %scan3A_174 to %scan3A_176 step %scan3A_177  : i32 {
      %mul3A_361 = arith.constant 48 : i32
      %mul3A_362 = arith.muli %scan3A_360, %mul3A_361 : i32
      %get3A = arith.constant 0 : i32
      %get3A_363 = arith.index_cast %get3A : i32 to index
      %get3A_364 = arith.index_cast %mul3A_362 : i32 to index
      %get3A_365 = tpu.vector_load %arg7[%get3A_363, %get3A_364] {strides = array<i32>} : memref<2x2304xf32, #tpu.memory_space<vmem>>, vector<1x16xf32>,
      %get3A_366 = vector.shape_cast %get3A_365 : vector<1x16xf32> to vector<16xf32>
      %add3A_367 = arith.constant 16 : i32
      %add3A_368 = arith.addi %mul3A_362, %add3A_367 : i32
      %get3A_369 = arith.constant 0 : i32
      %get3A_370 = arith.index_cast %get3A_369 : i32 to index
      %get3A_371 = arith.index_cast %add3A_368 : i32 to index
      %get3A_372 = tpu.vector_load %arg7[%get3A_370, %get3A_371] {strides = array<i32>} : memref<2x2304xf32, #tpu.memory_space<vmem>>, vector<1x16xf32>,
      %get3A_373 = vector.shape_cast %get3A_372 : vector<1x16xf32> to vector<16xf32>
      %add3A_374 = arith.constant 32 : i32
      %add3A_375 = arith.addi %mul3A_362, %add3A_374 : i32
      %get3A_376 = arith.constant 0 : i32
      %get3A_377 = arith.index_cast %get3A_376 : i32 to index
      %get3A_378 = arith.index_cast %add3A_375 : i32 to index
      %get3A_379 = tpu.vector_load %arg7[%get3A_377, %get3A_378] {strides = array<i32>} : memref<2x2304xf32, #tpu.memory_space<vmem>>, vector<1x16xf32>,
      %get3A_380 = vector.shape_cast %get3A_379 : vector<1x16xf32> to vector<16xf32>
      %get3A_381 = arith.constant 0 : i32
      %get3A_382 = arith.constant 0 : i32
      %get3A_383 = arith.index_cast %get3A_381 : i32 to index
      %get3A_384 = arith.index_cast %get3A_382 : i32 to index
      %get3A_385 = arith.index_cast %scan3A_360 : i32 to index
      %get3A_386 = arith.constant 0 : index
      %get3A_387 = tpu.vector_load %arg8[%get3A_383, %get3A_384, %get3A_385, %get3A_386] {strides = array<i32>} : memref<2x3x48x128xf32, #tpu.memory_space<vmem>>, vector<1x1x1x16xf32>,
      %get3A_388 = vector.shape_cast %get3A_387 : vector<1x1x1x16xf32> to vector<16xf32>
      %mul3A_389 = arith.mulf %get3A_366, %get3A_388 : vector<16xf32>
      %get3A_390 = arith.constant 0 : i32
      %get3A_391 = arith.constant 1 : i32
      %get3A_392 = arith.index_cast %get3A_390 : i32 to index
      %get3A_393 = arith.index_cast %get3A_391 : i32 to index
      %get3A_394 = arith.index_cast %scan3A_360 : i32 to index
      %get3A_395 = arith.constant 0 : index
      %get3A_396 = tpu.vector_load %arg8[%get3A_392, %get3A_393, %get3A_394, %get3A_395] {strides = array<i32>} : memref<2x3x48x128xf32, #tpu.memory_space<vmem>>, vector<1x1x1x16xf32>,
      %get3A_397 = vector.shape_cast %get3A_396 : vector<1x1x1x16xf32> to vector<16xf32>
      %mul3A_398 = arith.mulf %get3A_373, %get3A_397 : vector<16xf32>
      %add3A_399 = arith.addf %mul3A_389, %mul3A_398 : vector<16xf32>
      %get3A_400 = arith.constant 0 : i32
      %get3A_401 = arith.constant 2 : i32
      %get3A_402 = arith.index_cast %get3A_400 : i32 to index
      %get3A_403 = arith.index_cast %get3A_401 : i32 to index
      %get3A_404 = arith.index_cast %scan3A_360 : i32 to index
      %get3A_405 = arith.constant 0 : index
      %get3A_406 = tpu.vector_load %arg8[%get3A_402, %get3A_403, %get3A_404, %get3A_405] {strides = array<i32>} : memref<2x3x48x128xf32, #tpu.memory_space<vmem>>, vector<1x1x1x16xf32>,
      %get3A_407 = vector.shape_cast %get3A_406 : vector<1x1x1x16xf32> to vector<16xf32>
      %mul3A_408 = arith.mulf %get3A_380, %get3A_407 : vector<16xf32>
      %add3A_409 = arith.addf %add3A_399, %mul3A_408 : vector<16xf32>
      %swap3A = arith.constant 0 : i32
      %swap3A_410 = arith.index_cast %swap3A : i32 to index
      %swap3A_411 = arith.index_cast %scan3A_360 : i32 to index
      %swap3A_412 = arith.constant 0 : index
      %swap3A_413 = tpu.vector_load %arg9[%swap3A_410, %swap3A_411, %swap3A_412] {strides = array<i32>} : memref<2x48x128xf32, #tpu.memory_space<vmem>>, vector<1x1x16xf32>,
      %swap3A_414 = vector.shape_cast %swap3A_413 : vector<1x1x16xf32> to vector<16xf32>
      %swap3A_415 = vector.shape_cast %add3A_409 : vector<16xf32> to vector<1x1x16xf32>
      tpu.vector_store %arg9[%swap3A_410, %swap3A_411, %swap3A_412], %swap3A_415 {strides = array<i32>} : memref<2x48x128xf32, #tpu.memory_space<vmem>>, vector<1x1x16xf32>,
      %get3A_416 = arith.constant 0 : i32
      %get3A_417 = arith.constant 0 : i32
      %get3A_418 = arith.index_cast %get3A_416 : i32 to index
      %get3A_419 = arith.index_cast %get3A_417 : i32 to index
      %get3A_420 = arith.index_cast %scan3A_360 : i32 to index
      %get3A_421 = arith.constant 16 : index
      %get3A_422 = tpu.vector_load %arg8[%get3A_418, %get3A_419, %get3A_420, %get3A_421] {strides = array<i32>} : memref<2x3x48x128xf32, #tpu.memory_space<vmem>>, vector<1x1x1x16xf32>,
      %get3A_423 = vector.shape_cast %get3A_422 : vector<1x1x1x16xf32> to vector<16xf32>
      %mul3A_424 = arith.mulf %get3A_366, %get3A_423 : vector<16xf32>
      %get3A_425 = arith.constant 0 : i32
      %get3A_426 = arith.constant 1 : i32
      %get3A_427 = arith.index_cast %get3A_425 : i32 to index
      %get3A_428 = arith.index_cast %get3A_426 : i32 to index
      %get3A_429 = arith.index_cast %scan3A_360 : i32 to index
      %get3A_430 = arith.constant 16 : index
      %get3A_431 = tpu.vector_load %arg8[%get3A_427, %get3A_428, %get3A_429, %get3A_430] {strides = array<i32>} : memref<2x3x48x128xf32, #tpu.memory_space<vmem>>, vector<1x1x1x16xf32>,
      %get3A_432 = vector.shape_cast %get3A_431 : vector<1x1x1x16xf32> to vector<16xf32>
      %mul3A_433 = arith.mulf %get3A_373, %get3A_432 : vector<16xf32>
      %add3A_434 = arith.addf %mul3A_424, %mul3A_433 : vector<16xf32>
      %get3A_435 = arith.constant 0 : i32
      %get3A_436 = arith.constant 2 : i32
      %get3A_437 = arith.index_cast %get3A_435 : i32 to index
      %get3A_438 = arith.index_cast %get3A_436 : i32 to index
      %get3A_439 = arith.index_cast %scan3A_360 : i32 to index
      %get3A_440 = arith.constant 16 : index
      %get3A_441 = tpu.vector_load %arg8[%get3A_437, %get3A_438, %get3A_439, %get3A_440] {strides = array<i32>} : memref<2x3x48x128xf32, #tpu.memory_space<vmem>>, vector<1x1x1x16xf32>,
      %get3A_442 = vector.shape_cast %get3A_441 : vector<1x1x1x16xf32> to vector<16xf32>
      %mul3A_443 = arith.mulf %get3A_380, %get3A_442 : vector<16xf32>
      %add3A_444 = arith.addf %add3A_434, %mul3A_443 : vector<16xf32>
      %swap3A_445 = arith.constant 0 : i32
      %swap3A_446 = arith.index_cast %swap3A_445 : i32 to index
      %swap3A_447 = arith.index_cast %scan3A_360 : i32 to index
      %swap3A_448 = arith.constant 16 : index
      %swap3A_449 = tpu.vector_load %arg9[%swap3A_446, %swap3A_447, %swap3A_448] {strides = array<i32>} : memref<2x48x128xf32, #tpu.memory_space<vmem>>, vector<1x1x16xf32>,
      %swap3A_450 = vector.shape_cast %swap3A_449 : vector<1x1x16xf32> to vector<16xf32>
      %swap3A_451 = vector.shape_cast %add3A_444 : vector<16xf32> to vector<1x1x16xf32>
      tpu.vector_store %arg9[%swap3A_446, %swap3A_447, %swap3A_448], %swap3A_451 {strides = array<i32>} : memref<2x48x128xf32, #tpu.memory_space<vmem>>, vector<1x1x16xf32>,
      %get3A_452 = arith.constant 0 : i32
      %get3A_453 = arith.constant 0 : i32
      %get3A_454 = arith.index_cast %get3A_452 : i32 to index
      %get3A_455 = arith.index_cast %get3A_453 : i32 to index
      %get3A_456 = arith.index_cast %scan3A_360 : i32 to index
      %get3A_457 = arith.constant 32 : index
      %get3A_458 = tpu.vector_load %arg8[%get3A_454, %get3A_455, %get3A_456, %get3A_457] {strides = array<i32>} : memref<2x3x48x128xf32, #tpu.memory_space<vmem>>, vector<1x1x1x16xf32>,
      %get3A_459 = vector.shape_cast %get3A_458 : vector<1x1x1x16xf32> to vector<16xf32>
      %mul3A_460 = arith.mulf %get3A_366, %get3A_459 : vector<16xf32>
      %get3A_461 = arith.constant 0 : i32
      %get3A_462 = arith.constant 1 : i32
      %get3A_463 = arith.index_cast %get3A_461 : i32 to index
      %get3A_464 = arith.index_cast %get3A_462 : i32 to index
      %get3A_465 = arith.index_cast %scan3A_360 : i32 to index
      %get3A_466 = arith.constant 32 : index
      %get3A_467 = tpu.vector_load %arg8[%get3A_463, %get3A_464, %get3A_465, %get3A_466] {strides = array<i32>} : memref<2x3x48x128xf32, #tpu.memory_space<vmem>>, vector<1x1x1x16xf32>,
      %get3A_468 = vector.shape_cast %get3A_467 : vector<1x1x1x16xf32> to vector<16xf32>
      %mul3A_469 = arith.mulf %get3A_373, %get3A_468 : vector<16xf32>
      %add3A_470 = arith.addf %mul3A_460, %mul3A_469 : vector<16xf32>
      %get3A_471 = arith.constant 0 : i32
      %get3A_472 = arith.constant 2 : i32
      %get3A_473 = arith.index_cast %get3A_471 : i32 to index
      %get3A_474 = arith.index_cast %get3A_472 : i32 to index
      %get3A_475 = arith.index_cast %scan3A_360 : i32 to index
      %get3A_476 = arith.constant 32 : index
      %get3A_477 = tpu.vector_load %arg8[%get3A_473, %get3A_474, %get3A_475, %get3A_476] {strides = array<i32>} : memref<2x3x48x128xf32, #tpu.memory_space<vmem>>, vector<1x1x1x16xf32>,
      %get3A_478 = vector.shape_cast %get3A_477 : vector<1x1x1x16xf32> to vector<16xf32>
      %mul3A_479 = arith.mulf %get3A_380, %get3A_478 : vector<16xf32>
      %add3A_480 = arith.addf %add3A_470, %mul3A_479 : vector<16xf32>
      %swap3A_481 = arith.constant 0 : i32
      %swap3A_482 = arith.index_cast %swap3A_481 : i32 to index
      %swap3A_483 = arith.index_cast %scan3A_360 : i32 to index
      %swap3A_484 = arith.constant 32 : index
      %swap3A_485 = tpu.vector_load %arg9[%swap3A_482, %swap3A_483, %swap3A_484] {strides = array<i32>} : memref<2x48x128xf32, #tpu.memory_space<vmem>>, vector<1x1x16xf32>,
      %swap3A_486 = vector.shape_cast %swap3A_485 : vector<1x1x16xf32> to vector<16xf32>
      %swap3A_487 = vector.shape_cast %add3A_480 : vector<16xf32> to vector<1x1x16xf32>
      tpu.vector_store %arg9[%swap3A_482, %swap3A_483, %swap3A_484], %swap3A_487 {strides = array<i32>} : memref<2x48x128xf32, #tpu.memory_space<vmem>>, vector<1x1x16xf32>,
      %get3A_488 = arith.constant 0 : i32
      %get3A_489 = arith.constant 0 : i32
      %get3A_490 = arith.index_cast %get3A_488 : i32 to index
      %get3A_491 = arith.index_cast %get3A_489 : i32 to index
      %get3A_492 = arith.index_cast %scan3A_360 : i32 to index
      %get3A_493 = arith.constant 48 : index
      %get3A_494 = tpu.vector_load %arg8[%get3A_490, %get3A_491, %get3A_492, %get3A_493] {strides = array<i32>} : memref<2x3x48x128xf32, #tpu.memory_space<vmem>>, vector<1x1x1x16xf32>,
      %get3A_495 = vector.shape_cast %get3A_494 : vector<1x1x1x16xf32> to vector<16xf32>
      %mul3A_496 = arith.mulf %get3A_366, %get3A_495 : vector<16xf32>
      %get3A_497 = arith.constant 0 : i32
      %get3A_498 = arith.constant 1 : i32
      %get3A_499 = arith.index_cast %get3A_497 : i32 to index
      %get3A_500 = arith.index_cast %get3A_498 : i32 to index
      %get3A_501 = arith.index_cast %scan3A_360 : i32 to index
      %get3A_502 = arith.constant 48 : index
      %get3A_503 = tpu.vector_load %arg8[%get3A_499, %get3A_500, %get3A_501, %get3A_502] {strides = array<i32>} : memref<2x3x48x128xf32, #tpu.memory_space<vmem>>, vector<1x1x1x16xf32>,
      %get3A_504 = vector.shape_cast %get3A_503 : vector<1x1x1x16xf32> to vector<16xf32>
      %mul3A_505 = arith.mulf %get3A_373, %get3A_504 : vector<16xf32>
      %add3A_506 = arith.addf %mul3A_496, %mul3A_505 : vector<16xf32>
      %get3A_507 = arith.constant 0 : i32
      %get3A_508 = arith.constant 2 : i32
      %get3A_509 = arith.index_cast %get3A_507 : i32 to index
      %get3A_510 = arith.index_cast %get3A_508 : i32 to index
      %get3A_511 = arith.index_cast %scan3A_360 : i32 to index
      %get3A_512 = arith.constant 48 : index
      %get3A_513 = tpu.vector_load %arg8[%get3A_509, %get3A_510, %get3A_511, %get3A_512] {strides = array<i32>} : memref<2x3x48x128xf32, #tpu.memory_space<vmem>>, vector<1x1x1x16xf32>,
      %get3A_514 = vector.shape_cast %get3A_513 : vector<1x1x1x16xf32> to vector<16xf32>
      %mul3A_515 = arith.mulf %get3A_380, %get3A_514 : vector<16xf32>
      %add3A_516 = arith.addf %add3A_506, %mul3A_515 : vector<16xf32>
      %swap3A_517 = arith.constant 0 : i32
      %swap3A_518 = arith.index_cast %swap3A_517 : i32 to index
      %swap3A_519 = arith.index_cast %scan3A_360 : i32 to index
      %swap3A_520 = arith.constant 48 : index
      %swap3A_521 = tpu.vector_load %arg9[%swap3A_518, %swap3A_519, %swap3A_520] {strides = array<i32>} : memref<2x48x128xf32, #tpu.memory_space<vmem>>, vector<1x1x16xf32>,
      %swap3A_522 = vector.shape_cast %swap3A_521 : vector<1x1x16xf32> to vector<16xf32>
      %swap3A_523 = vector.shape_cast %add3A_516 : vector<16xf32> to vector<1x1x16xf32>
      tpu.vector_store %arg9[%swap3A_518, %swap3A_519, %swap3A_520], %swap3A_523 {strides = array<i32>} : memref<2x48x128xf32, #tpu.memory_space<vmem>>, vector<1x1x16xf32>,
      %get3A_524 = arith.constant 0 : i32
      %get3A_525 = arith.constant 0 : i32
      %get3A_526 = arith.index_cast %get3A_524 : i32 to index
      %get3A_527 = arith.index_cast %get3A_525 : i32 to index
      %get3A_528 = arith.index_cast %scan3A_360 : i32 to index
      %get3A_529 = arith.constant 64 : index
      %get3A_530 = tpu.vector_load %arg8[%get3A_526, %get3A_527, %get3A_528, %get3A_529] {strides = array<i32>} : memref<2x3x48x128xf32, #tpu.memory_space<vmem>>, vector<1x1x1x16xf32>,
      %get3A_531 = vector.shape_cast %get3A_530 : vector<1x1x1x16xf32> to vector<16xf32>
      %mul3A_532 = arith.mulf %get3A_366, %get3A_531 : vector<16xf32>
      %get3A_533 = arith.constant 0 : i32
      %get3A_534 = arith.constant 1 : i32
      %get3A_535 = arith.index_cast %get3A_533 : i32 to index
      %get3A_536 = arith.index_cast %get3A_534 : i32 to index
      %get3A_537 = arith.index_cast %scan3A_360 : i32 to index
      %get3A_538 = arith.constant 64 : index
      %get3A_539 = tpu.vector_load %arg8[%get3A_535, %get3A_536, %get3A_537, %get3A_538] {strides = array<i32>} : memref<2x3x48x128xf32, #tpu.memory_space<vmem>>, vector<1x1x1x16xf32>,
      %get3A_540 = vector.shape_cast %get3A_539 : vector<1x1x1x16xf32> to vector<16xf32>
      %mul3A_541 = arith.mulf %get3A_373, %get3A_540 : vector<16xf32>
      %add3A_542 = arith.addf %mul3A_532, %mul3A_541 : vector<16xf32>
      %get3A_543 = arith.constant 0 : i32
      %get3A_544 = arith.constant 2 : i32
      %get3A_545 = arith.index_cast %get3A_543 : i32 to index
      %get3A_546 = arith.index_cast %get3A_544 : i32 to index
      %get3A_547 = arith.index_cast %scan3A_360 : i32 to index
      %get3A_548 = arith.constant 64 : index
      %get3A_549 = tpu.vector_load %arg8[%get3A_545, %get3A_546, %get3A_547, %get3A_548] {strides = array<i32>} : memref<2x3x48x128xf32, #tpu.memory_space<vmem>>, vector<1x1x1x16xf32>,
      %get3A_550 = vector.shape_cast %get3A_549 : vector<1x1x1x16xf32> to vector<16xf32>
      %mul3A_551 = arith.mulf %get3A_380, %get3A_550 : vector<16xf32>
      %add3A_552 = arith.addf %add3A_542, %mul3A_551 : vector<16xf32>
      %swap3A_553 = arith.constant 0 : i32
      %swap3A_554 = arith.index_cast %swap3A_553 : i32 to index
      %swap3A_555 = arith.index_cast %scan3A_360 : i32 to index
      %swap3A_556 = arith.constant 64 : index
      %swap3A_557 = tpu.vector_load %arg9[%swap3A_554, %swap3A_555, %swap3A_556] {strides = array<i32>} : memref<2x48x128xf32, #tpu.memory_space<vmem>>, vector<1x1x16xf32>,
      %swap3A_558 = vector.shape_cast %swap3A_557 : vector<1x1x16xf32> to vector<16xf32>
      %swap3A_559 = vector.shape_cast %add3A_552 : vector<16xf32> to vector<1x1x16xf32>
      tpu.vector_store %arg9[%swap3A_554, %swap3A_555, %swap3A_556], %swap3A_559 {strides = array<i32>} : memref<2x48x128xf32, #tpu.memory_space<vmem>>, vector<1x1x16xf32>,
      %get3A_560 = arith.constant 0 : i32
      %get3A_561 = arith.constant 0 : i32
      %get3A_562 = arith.index_cast %get3A_560 : i32 to index
      %get3A_563 = arith.index_cast %get3A_561 : i32 to index
      %get3A_564 = arith.index_cast %scan3A_360 : i32 to index
      %get3A_565 = arith.constant 80 : index
      %get3A_566 = tpu.vector_load %arg8[%get3A_562, %get3A_563, %get3A_564, %get3A_565] {strides = array<i32>} : memref<2x3x48x128xf32, #tpu.memory_space<vmem>>, vector<1x1x1x16xf32>,
      %get3A_567 = vector.shape_cast %get3A_566 : vector<1x1x1x16xf32> to vector<16xf32>
      %mul3A_568 = arith.mulf %get3A_366, %get3A_567 : vector<16xf32>
      %get3A_569 = arith.constant 0 : i32
      %get3A_570 = arith.constant 1 : i32
      %get3A_571 = arith.index_cast %get3A_569 : i32 to index
      %get3A_572 = arith.index_cast %get3A_570 : i32 to index
      %get3A_573 = arith.index_cast %scan3A_360 : i32 to index
      %get3A_574 = arith.constant 80 : index
      %get3A_575 = tpu.vector_load %arg8[%get3A_571, %get3A_572, %get3A_573, %get3A_574] {strides = array<i32>} : memref<2x3x48x128xf32, #tpu.memory_space<vmem>>, vector<1x1x1x16xf32>,
      %get3A_576 = vector.shape_cast %get3A_575 : vector<1x1x1x16xf32> to vector<16xf32>
      %mul3A_577 = arith.mulf %get3A_373, %get3A_576 : vector<16xf32>
      %add3A_578 = arith.addf %mul3A_568, %mul3A_577 : vector<16xf32>
      %get3A_579 = arith.constant 0 : i32
      %get3A_580 = arith.constant 2 : i32
      %get3A_581 = arith.index_cast %get3A_579 : i32 to index
      %get3A_582 = arith.index_cast %get3A_580 : i32 to index
      %get3A_583 = arith.index_cast %scan3A_360 : i32 to index
      %get3A_584 = arith.constant 80 : index
      %get3A_585 = tpu.vector_load %arg8[%get3A_581, %get3A_582, %get3A_583, %get3A_584] {strides = array<i32>} : memref<2x3x48x128xf32, #tpu.memory_space<vmem>>, vector<1x1x1x16xf32>,
      %get3A_586 = vector.shape_cast %get3A_585 : vector<1x1x1x16xf32> to vector<16xf32>
      %mul3A_587 = arith.mulf %get3A_380, %get3A_586 : vector<16xf32>
      %add3A_588 = arith.addf %add3A_578, %mul3A_587 : vector<16xf32>
      %swap3A_589 = arith.constant 0 : i32
      %swap3A_590 = arith.index_cast %swap3A_589 : i32 to index
      %swap3A_591 = arith.index_cast %scan3A_360 : i32 to index
      %swap3A_592 = arith.constant 80 : index
      %swap3A_593 = tpu.vector_load %arg9[%swap3A_590, %swap3A_591, %swap3A_592] {strides = array<i32>} : memref<2x48x128xf32, #tpu.memory_space<vmem>>, vector<1x1x16xf32>,
      %swap3A_594 = vector.shape_cast %swap3A_593 : vector<1x1x16xf32> to vector<16xf32>
      %swap3A_595 = vector.shape_cast %add3A_588 : vector<16xf32> to vector<1x1x16xf32>
      tpu.vector_store %arg9[%swap3A_590, %swap3A_591, %swap3A_592], %swap3A_595 {strides = array<i32>} : memref<2x48x128xf32, #tpu.memory_space<vmem>>, vector<1x1x16xf32>,
      %get3A_596 = arith.constant 0 : i32
      %get3A_597 = arith.constant 0 : i32
      %get3A_598 = arith.index_cast %get3A_596 : i32 to index
      %get3A_599 = arith.index_cast %get3A_597 : i32 to index
      %get3A_600 = arith.index_cast %scan3A_360 : i32 to index
      %get3A_601 = arith.constant 96 : index
      %get3A_602 = tpu.vector_load %arg8[%get3A_598, %get3A_599, %get3A_600, %get3A_601] {strides = array<i32>} : memref<2x3x48x128xf32, #tpu.memory_space<vmem>>, vector<1x1x1x16xf32>,
      %get3A_603 = vector.shape_cast %get3A_602 : vector<1x1x1x16xf32> to vector<16xf32>
      %mul3A_604 = arith.mulf %get3A_366, %get3A_603 : vector<16xf32>
      %get3A_605 = arith.constant 0 : i32
      %get3A_606 = arith.constant 1 : i32
      %get3A_607 = arith.index_cast %get3A_605 : i32 to index
      %get3A_608 = arith.index_cast %get3A_606 : i32 to index
      %get3A_609 = arith.index_cast %scan3A_360 : i32 to index
      %get3A_610 = arith.constant 96 : index
      %get3A_611 = tpu.vector_load %arg8[%get3A_607, %get3A_608, %get3A_609, %get3A_610] {strides = array<i32>} : memref<2x3x48x128xf32, #tpu.memory_space<vmem>>, vector<1x1x1x16xf32>,
      %get3A_612 = vector.shape_cast %get3A_611 : vector<1x1x1x16xf32> to vector<16xf32>
      %mul3A_613 = arith.mulf %get3A_373, %get3A_612 : vector<16xf32>
      %add3A_614 = arith.addf %mul3A_604, %mul3A_613 : vector<16xf32>
      %get3A_615 = arith.constant 0 : i32
      %get3A_616 = arith.constant 2 : i32
      %get3A_617 = arith.index_cast %get3A_615 : i32 to index
      %get3A_618 = arith.index_cast %get3A_616 : i32 to index
      %get3A_619 = arith.index_cast %scan3A_360 : i32 to index
      %get3A_620 = arith.constant 96 : index
      %get3A_621 = tpu.vector_load %arg8[%get3A_617, %get3A_618, %get3A_619, %get3A_620] {strides = array<i32>} : memref<2x3x48x128xf32, #tpu.memory_space<vmem>>, vector<1x1x1x16xf32>,
      %get3A_622 = vector.shape_cast %get3A_621 : vector<1x1x1x16xf32> to vector<16xf32>
      %mul3A_623 = arith.mulf %get3A_380, %get3A_622 : vector<16xf32>
      %add3A_624 = arith.addf %add3A_614, %mul3A_623 : vector<16xf32>
      %swap3A_625 = arith.constant 0 : i32
      %swap3A_626 = arith.index_cast %swap3A_625 : i32 to index
      %swap3A_627 = arith.index_cast %scan3A_360 : i32 to index
      %swap3A_628 = arith.constant 96 : index
      %swap3A_629 = tpu.vector_load %arg9[%swap3A_626, %swap3A_627, %swap3A_628] {strides = array<i32>} : memref<2x48x128xf32, #tpu.memory_space<vmem>>, vector<1x1x16xf32>,
      %swap3A_630 = vector.shape_cast %swap3A_629 : vector<1x1x16xf32> to vector<16xf32>
      %swap3A_631 = vector.shape_cast %add3A_624 : vector<16xf32> to vector<1x1x16xf32>
      tpu.vector_store %arg9[%swap3A_626, %swap3A_627, %swap3A_628], %swap3A_631 {strides = array<i32>} : memref<2x48x128xf32, #tpu.memory_space<vmem>>, vector<1x1x16xf32>,
      %get3A_632 = arith.constant 0 : i32
      %get3A_633 = arith.constant 0 : i32
      %get3A_634 = arith.index_cast %get3A_632 : i32 to index
      %get3A_635 = arith.index_cast %get3A_633 : i32 to index
      %get3A_636 = arith.index_cast %scan3A_360 : i32 to index
      %get3A_637 = arith.constant 112 : index
      %get3A_638 = tpu.vector_load %arg8[%get3A_634, %get3A_635, %get3A_636, %get3A_637] {strides = array<i32>} : memref<2x3x48x128xf32, #tpu.memory_space<vmem>>, vector<1x1x1x16xf32>,
      %get3A_639 = vector.shape_cast %get3A_638 : vector<1x1x1x16xf32> to vector<16xf32>
      %mul3A_640 = arith.mulf %get3A_366, %get3A_639 : vector<16xf32>
      %get3A_641 = arith.constant 0 : i32
      %get3A_642 = arith.constant 1 : i32
      %get3A_643 = arith.index_cast %get3A_641 : i32 to index
      %get3A_644 = arith.index_cast %get3A_642 : i32 to index
      %get3A_645 = arith.index_cast %scan3A_360 : i32 to index
      %get3A_646 = arith.constant 112 : index
      %get3A_647 = tpu.vector_load %arg8[%get3A_643, %get3A_644, %get3A_645, %get3A_646] {strides = array<i32>} : memref<2x3x48x128xf32, #tpu.memory_space<vmem>>, vector<1x1x1x16xf32>,
      %get3A_648 = vector.shape_cast %get3A_647 : vector<1x1x1x16xf32> to vector<16xf32>
      %mul3A_649 = arith.mulf %get3A_373, %get3A_648 : vector<16xf32>
      %add3A_650 = arith.addf %mul3A_640, %mul3A_649 : vector<16xf32>
      %get3A_651 = arith.constant 0 : i32
      %get3A_652 = arith.constant 2 : i32
      %get3A_653 = arith.index_cast %get3A_651 : i32 to index
      %get3A_654 = arith.index_cast %get3A_652 : i32 to index
      %get3A_655 = arith.index_cast %scan3A_360 : i32 to index
      %get3A_656 = arith.constant 112 : index
      %get3A_657 = tpu.vector_load %arg8[%get3A_653, %get3A_654, %get3A_655, %get3A_656] {strides = array<i32>} : memref<2x3x48x128xf32, #tpu.memory_space<vmem>>, vector<1x1x1x16xf32>,
      %get3A_658 = vector.shape_cast %get3A_657 : vector<1x1x1x16xf32> to vector<16xf32>
      %mul3A_659 = arith.mulf %get3A_380, %get3A_658 : vector<16xf32>
      %add3A_660 = arith.addf %add3A_650, %mul3A_659 : vector<16xf32>
      %swap3A_661 = arith.constant 0 : i32
      %swap3A_662 = arith.index_cast %swap3A_661 : i32 to index
      %swap3A_663 = arith.index_cast %scan3A_360 : i32 to index
      %swap3A_664 = arith.constant 112 : index
      %swap3A_665 = tpu.vector_load %arg9[%swap3A_662, %swap3A_663, %swap3A_664] {strides = array<i32>} : memref<2x48x128xf32, #tpu.memory_space<vmem>>, vector<1x1x16xf32>,
      %swap3A_666 = vector.shape_cast %swap3A_665 : vector<1x1x16xf32> to vector<16xf32>
      %swap3A_667 = vector.shape_cast %add3A_660 : vector<16xf32> to vector<1x1x16xf32>
      tpu.vector_store %arg9[%swap3A_662, %swap3A_663, %swap3A_664], %swap3A_667 {strides = array<i32>} : memref<2x48x128xf32, #tpu.memory_space<vmem>>, vector<1x1x16xf32>,
    }
    %scan3A_178 = arith.constant 48 : i32
    %add3A_179 = arith.constant 1536 : i32
    %add3A_180 = arith.addi %mul3A_2, %add3A_179 : i32
    %multiple_of3A_181 = tpu.assume_multiple %add3A_180, 8 : i32
    %run_scoped3A = arith.constant 0 : i32
    "tpu.region"() ({
      %run_scoped3A_360 = tpu.sem_alloc : memref<!tpu.dma_semaphore, #tpu.memory_space<semaphore_mem>>
      %dma_start3A_361 = arith.constant 0 : i32
      %dma_start3A_362 = arith.constant 0 : i32
      %dma_start3A_363 = tpu.memref_slice %arg9[%run_scoped3A, %dma_start3A_361, %dma_start3A_362] : memref<2x48x128xf32, #tpu.memory_space<vmem>> -> memref<1x48x128xf32, #tpu.memory_space<vmem>>
      %dma_start3A_364 = tpu.memref_squeeze %dma_start3A_363 : memref<1x48x128xf32, #tpu.memory_space<vmem>> -> memref<48x128xf32, #tpu.memory_space<vmem>>
      %dma_start3A_365 = arith.constant 0 : i32
      %dma_start3A_366 = tpu.memref_slice %arg5[%multiple_of3A_181, %dma_start3A_365] : memref<52224x128xf32, #tpu.memory_space<hbm>> -> memref<48x128xf32, #tpu.memory_space<hbm>>
      %dma_start3A_367 = arith.constant 0 : i32
      %dma_start3A_368 = tpu.memref_slice %arg5[%multiple_of3A_181, %dma_start3A_367] : memref<52224x128xf32, #tpu.memory_space<hbm>> -> memref<48x128xf32, #tpu.memory_space<hbm>>
      %dma_start3A_369 = arith.constant 0 : i32
      %dma_start3A_370 = arith.constant 0 : i32
      %dma_start3A_371 = tpu.memref_slice %arg9[%run_scoped3A, %dma_start3A_369, %dma_start3A_370] : memref<2x48x128xf32, #tpu.memory_space<vmem>> -> memref<1x48x128xf32, #tpu.memory_space<vmem>>
      %dma_start3A_372 = tpu.memref_squeeze %dma_start3A_371 : memref<1x48x128xf32, #tpu.memory_space<vmem>> -> memref<48x128xf32, #tpu.memory_space<vmem>>
      tpu.enqueue_dma source(%dma_start3A_372 : memref<48x128xf32, #tpu.memory_space<vmem>>) target(%dma_start3A_368 : memref<48x128xf32, #tpu.memory_space<hbm>>) target_semaphore(%run_scoped3A_360 : memref<!tpu.dma_semaphore, #tpu.memory_space<semaphore_mem>>)
      %dma_wait3A_373 = arith.constant 0 : i32
      %dma_wait3A_374 = arith.constant 0 : i32
      %dma_wait3A_375 = tpu.memref_slice %arg9[%run_scoped3A, %dma_wait3A_373, %dma_wait3A_374] : memref<2x48x128xf32, #tpu.memory_space<vmem>> -> memref<1x48x128xf32, #tpu.memory_space<vmem>>
      %dma_wait3A_376 = tpu.memref_squeeze %dma_wait3A_375 : memref<1x48x128xf32, #tpu.memory_space<vmem>> -> memref<48x128xf32, #tpu.memory_space<vmem>>
      %dma_wait3A_377 = arith.constant 0 : i32
      %dma_wait3A_378 = tpu.memref_slice %arg5[%multiple_of3A_181, %dma_wait3A_377] : memref<52224x128xf32, #tpu.memory_space<hbm>> -> memref<48x128xf32, #tpu.memory_space<hbm>>
      %dma_wait3A_379 = arith.constant 0 : i32
      %dma_wait3A_380 = tpu.memref_slice %arg5[%multiple_of3A_181, %dma_wait3A_379] : memref<52224x128xf32, #tpu.memory_space<hbm>> -> memref<48x128xf32, #tpu.memory_space<hbm>>
      %dma_wait3A_381 = arith.constant 0 : i32
      %dma_wait3A_382 = arith.constant 0 : i32
      %dma_wait3A_383 = tpu.memref_slice %arg9[%run_scoped3A, %dma_wait3A_381, %dma_wait3A_382] : memref<2x48x128xf32, #tpu.memory_space<vmem>> -> memref<1x48x128xf32, #tpu.memory_space<vmem>>
      %dma_wait3A_384 = tpu.memref_squeeze %dma_wait3A_383 : memref<1x48x128xf32, #tpu.memory_space<vmem>> -> memref<48x128xf32, #tpu.memory_space<vmem>>
      tpu.wait_dma2 semaphore(%run_scoped3A_360 : memref<!tpu.dma_semaphore, #tpu.memory_space<semaphore_mem>>) src(%dma_wait3A_384 : memref<48x128xf32, #tpu.memory_space<vmem>>) dst(%dma_wait3A_380 : memref<48x128xf32, #tpu.memory_space<hbm>>)
      tpu.yield
    }) : () -> ()
    %multiple_of3A_182 = arith.constant 1584 : i32
    %multiple_of3A_183 = tpu.assume_multiple %multiple_of3A_182, 8 : i32
    %dma_start3A_184 = arith.constant 0 : i32
    %dma_start3A_185 = arith.constant 0 : i32
    %dma_start3A_186 = arith.constant 0 : i32
    %dma_start3A_187 = arith.constant 0 : i32
    %dma_start3A_188 = tpu.memref_slice %arg8[%dma_start3A_184, %dma_start3A_185, %dma_start3A_186, %dma_start3A_187] : memref<2x3x48x128xf32, #tpu.memory_space<vmem>> -> memref<1x1x48x128xf32, #tpu.memory_space<vmem>>
    %dma_start3A_189 = tpu.memref_squeeze %dma_start3A_188 : memref<1x1x48x128xf32, #tpu.memory_space<vmem>> -> memref<48x128xf32, #tpu.memory_space<vmem>>
    %dma_start3A_190 = tpu.memref_slice %arg6[%multiple_of3A_183] : memref<4896xi32, #tpu.memory_space<vmem>> -> memref<48xi32, #tpu.memory_space<vmem>>
    %dma_start3A_191 = arith.constant 0 : i32
    %dma_start3A_192 = arith.constant 0 : i32
    %dma_start3A_193 = tpu.memref_slice %arg2[%dma_start3A_191, %dma_start3A_192] : memref<1024x128xf32, #tpu.memory_space<hbm>> -> memref<1024x128xf32, #tpu.memory_space<hbm>>
    tpu.enqueue_indirect_dma source(%dma_start3A_193 : memref<1024x128xf32, #tpu.memory_space<hbm>>) target(%dma_start3A_189 : memref<48x128xf32, #tpu.memory_space<vmem>>) offsets(%dma_start3A_190 : memref<48xi32, #tpu.memory_space<vmem>>) semaphore(%arg10 : memref<!tpu.dma_semaphore, #tpu.memory_space<semaphore_mem>>)
    %multiple_of3A_194 = arith.constant 3216 : i32
    %multiple_of3A_195 = tpu.assume_multiple %multiple_of3A_194, 8 : i32
    %dma_start3A_196 = arith.constant 0 : i32
    %dma_start3A_197 = arith.constant 1 : i32
    %dma_start3A_198 = arith.constant 0 : i32
    %dma_start3A_199 = arith.constant 0 : i32
    %dma_start3A_200 = tpu.memref_slice %arg8[%dma_start3A_196, %dma_start3A_197, %dma_start3A_198, %dma_start3A_199] : memref<2x3x48x128xf32, #tpu.memory_space<vmem>> -> memref<1x1x48x128xf32, #tpu.memory_space<vmem>>
    %dma_start3A_201 = tpu.memref_squeeze %dma_start3A_200 : memref<1x1x48x128xf32, #tpu.memory_space<vmem>> -> memref<48x128xf32, #tpu.memory_space<vmem>>
    %dma_start3A_202 = tpu.memref_slice %arg6[%multiple_of3A_195] : memref<4896xi32, #tpu.memory_space<vmem>> -> memref<48xi32, #tpu.memory_space<vmem>>
    %dma_start3A_203 = arith.constant 0 : i32
    %dma_start3A_204 = arith.constant 0 : i32
    %dma_start3A_205 = tpu.memref_slice %arg2[%dma_start3A_203, %dma_start3A_204] : memref<1024x128xf32, #tpu.memory_space<hbm>> -> memref<1024x128xf32, #tpu.memory_space<hbm>>
    tpu.enqueue_indirect_dma source(%dma_start3A_205 : memref<1024x128xf32, #tpu.memory_space<hbm>>) target(%dma_start3A_201 : memref<48x128xf32, #tpu.memory_space<vmem>>) offsets(%dma_start3A_202 : memref<48xi32, #tpu.memory_space<vmem>>) semaphore(%arg10 : memref<!tpu.dma_semaphore, #tpu.memory_space<semaphore_mem>>)
    %multiple_of3A_206 = arith.constant 4848 : i32
    %multiple_of3A_207 = tpu.assume_multiple %multiple_of3A_206, 8 : i32
    %dma_start3A_208 = arith.constant 0 : i32
    %dma_start3A_209 = arith.constant 2 : i32
    %dma_start3A_210 = arith.constant 0 : i32
    %dma_start3A_211 = arith.constant 0 : i32
    %dma_start3A_212 = tpu.memref_slice %arg8[%dma_start3A_208, %dma_start3A_209, %dma_start3A_210, %dma_start3A_211] : memref<2x3x48x128xf32, #tpu.memory_space<vmem>> -> memref<1x1x48x128xf32, #tpu.memory_space<vmem>>
    %dma_start3A_213 = tpu.memref_squeeze %dma_start3A_212 : memref<1x1x48x128xf32, #tpu.memory_space<vmem>> -> memref<48x128xf32, #tpu.memory_space<vmem>>
    %dma_start3A_214 = tpu.memref_slice %arg6[%multiple_of3A_207] : memref<4896xi32, #tpu.memory_space<vmem>> -> memref<48xi32, #tpu.memory_space<vmem>>
    %dma_start3A_215 = arith.constant 0 : i32
    %dma_start3A_216 = arith.constant 0 : i32
    %dma_start3A_217 = tpu.memref_slice %arg2[%dma_start3A_215, %dma_start3A_216] : memref<1024x128xf32, #tpu.memory_space<hbm>> -> memref<1024x128xf32, #tpu.memory_space<hbm>>
    tpu.enqueue_indirect_dma source(%dma_start3A_217 : memref<1024x128xf32, #tpu.memory_space<hbm>>) target(%dma_start3A_213 : memref<48x128xf32, #tpu.memory_space<vmem>>) offsets(%dma_start3A_214 : memref<48xi32, #tpu.memory_space<vmem>>) semaphore(%arg10 : memref<!tpu.dma_semaphore, #tpu.memory_space<semaphore_mem>>)
    %add3A_218 = arith.constant 1584 : i32
    %add3A_219 = arith.addi %mul3A_2, %add3A_218 : i32
    %mul3A_220 = arith.constant 48 : i32
    %mul3A_221 = arith.muli %add3A_219, %mul3A_220 : i32
    %multiple_of3A_222 = tpu.assume_multiple %mul3A_221, 8 : i32
    %dma_start3A_223 = arith.constant 0 : i32
    %dma_start3A_224 = arith.constant 0 : i32
    %dma_start3A_225 = tpu.memref_slice %arg7[%dma_start3A_223, %dma_start3A_224] : memref<2x2304xf32, #tpu.memory_space<vmem>> -> memref<1x2304xf32, #tpu.memory_space<vmem>>
    %dma_start3A_226 = tpu.memref_squeeze %dma_start3A_225 : memref<1x2304xf32, #tpu.memory_space<vmem>> -> memref<2304xf32, #tpu.memory_space<vmem>>
    %dma_start3A_227 = tpu.memref_slice %arg4[%multiple_of3A_222] : memref<2506752xf32, #tpu.memory_space<hbm>> -> memref<2304xf32, #tpu.memory_space<hbm>>
    %dma_start3A_228 = arith.constant 0 : i32
    %dma_start3A_229 = tpu.memref_slice %arg7[%dma_start3A_223, %dma_start3A_228] : memref<2x2304xf32, #tpu.memory_space<vmem>> -> memref<1x2304xf32, #tpu.memory_space<vmem>>
    %dma_start3A_230 = tpu.memref_squeeze %dma_start3A_229 : memref<1x2304xf32, #tpu.memory_space<vmem>> -> memref<2304xf32, #tpu.memory_space<vmem>>
    %dma_start3A_231 = tpu.memref_slice %arg4[%multiple_of3A_222] : memref<2506752xf32, #tpu.memory_space<hbm>> -> memref<2304xf32, #tpu.memory_space<hbm>>
    tpu.enqueue_dma source(%dma_start3A_231 : memref<2304xf32, #tpu.memory_space<hbm>>) target(%dma_start3A_230 : memref<2304xf32, #tpu.memory_space<vmem>>) target_semaphore(%arg10 : memref<!tpu.dma_semaphore, #tpu.memory_space<semaphore_mem>>)
    %dma_wait3A_232 = arith.constant 1 : i32
    %dma_wait3A_233 = arith.constant 0 : i32
    %dma_wait3A_234 = arith.constant 0 : i32
    %dma_wait3A_235 = arith.constant 0 : i32
    %dma_wait3A_236 = tpu.memref_slice %arg8[%dma_wait3A_232, %dma_wait3A_233, %dma_wait3A_234, %dma_wait3A_235] : memref<2x3x48x128xf32, #tpu.memory_space<vmem>> -> memref<1x1x48x128xf32, #tpu.memory_space<vmem>>
    %dma_wait3A_237 = tpu.memref_squeeze %dma_wait3A_236 : memref<1x1x48x128xf32, #tpu.memory_space<vmem>> -> memref<48x128xf32, #tpu.memory_space<vmem>>
    %dma_wait3A_238 = arith.constant 0 : i32
    %dma_wait3A_239 = arith.constant 0 : i32
    %dma_wait3A_240 = tpu.memref_slice %arg2[%dma_wait3A_238, %dma_wait3A_239] : memref<1024x128xf32, #tpu.memory_space<hbm>> -> memref<48x128xf32, #tpu.memory_space<hbm>>
    %dma_wait3A_241 = arith.constant 0 : i32
    %dma_wait3A_242 = arith.constant 0 : i32
    %dma_wait3A_243 = tpu.memref_slice %arg8[%dma_wait3A_232, %dma_wait3A_233, %dma_wait3A_241, %dma_wait3A_242] : memref<2x3x48x128xf32, #tpu.memory_space<vmem>> -> memref<1x1x48x128xf32, #tpu.memory_space<vmem>>
    %dma_wait3A_244 = tpu.memref_squeeze %dma_wait3A_243 : memref<1x1x48x128xf32, #tpu.memory_space<vmem>> -> memref<48x128xf32, #tpu.memory_space<vmem>>
    %dma_wait3A_245 = arith.constant 0 : i32
    %dma_wait3A_246 = arith.constant 0 : i32
    %dma_wait3A_247 = tpu.memref_slice %arg2[%dma_wait3A_245, %dma_wait3A_246] : memref<1024x128xf32, #tpu.memory_space<hbm>> -> memref<48x128xf32, #tpu.memory_space<hbm>>
    tpu.wait_dma2 semaphore(%arg11 : memref<!tpu.dma_semaphore, #tpu.memory_space<semaphore_mem>>) src(%dma_wait3A_247 : memref<48x128xf32, #tpu.memory_space<hbm>>) dst(%dma_wait3A_244 : memref<48x128xf32, #tpu.memory_space<vmem>>)
    %dma_wait3A_248 = arith.constant 1 : i32
    %dma_wait3A_249 = arith.constant 1 : i32
    %dma_wait3A_250 = arith.constant 0 : i32
    %dma_wait3A_251 = arith.constant 0 : i32
    %dma_wait3A_252 = tpu.memref_slice %arg8[%dma_wait3A_248, %dma_wait3A_249, %dma_wait3A_250, %dma_wait3A_251] : memref<2x3x48x128xf32, #tpu.memory_space<vmem>> -> memref<1x1x48x128xf32, #tpu.memory_space<vmem>>
    %dma_wait3A_253 = tpu.memref_squeeze %dma_wait3A_252 : memref<1x1x48x128xf32, #tpu.memory_space<vmem>> -> memref<48x128xf32, #tpu.memory_space<vmem>>
    %dma_wait3A_254 = arith.constant 0 : i32
    %dma_wait3A_255 = arith.constant 0 : i32
    %dma_wait3A_256 = tpu.memref_slice %arg2[%dma_wait3A_254, %dma_wait3A_255] : memref<1024x128xf32, #tpu.memory_space<hbm>> -> memref<48x128xf32, #tpu.memory_space<hbm>>
    %dma_wait3A_257 = arith.constant 0 : i32
    %dma_wait3A_258 = arith.constant 0 : i32
    %dma_wait3A_259 = tpu.memref_slice %arg8[%dma_wait3A_248, %dma_wait3A_249, %dma_wait3A_257, %dma_wait3A_258] : memref<2x3x48x128xf32, #tpu.memory_space<vmem>> -> memref<1x1x48x128xf32, #tpu.memory_space<vmem>>
    %dma_wait3A_260 = tpu.memref_squeeze %dma_wait3A_259 : memref<1x1x48x128xf32, #tpu.memory_space<vmem>> -> memref<48x128xf32, #tpu.memory_space<vmem>>
    %dma_wait3A_261 = arith.constant 0 : i32
    %dma_wait3A_262 = arith.constant 0 : i32
    %dma_wait3A_263 = tpu.memref_slice %arg2[%dma_wait3A_261, %dma_wait3A_262] : memref<1024x128xf32, #tpu.memory_space<hbm>> -> memref<48x128xf32, #tpu.memory_space<hbm>>
    tpu.wait_dma2 semaphore(%arg11 : memref<!tpu.dma_semaphore, #tpu.memory_space<semaphore_mem>>) src(%dma_wait3A_263 : memref<48x128xf32, #tpu.memory_space<hbm>>) dst(%dma_wait3A_260 : memref<48x128xf32, #tpu.memory_space<vmem>>)
    %dma_wait3A_264 = arith.constant 1 : i32
    %dma_wait3A_265 = arith.constant 2 : i32
    %dma_wait3A_266 = arith.constant 0 : i32
    %dma_wait3A_267 = arith.constant 0 : i32
    %dma_wait3A_268 = tpu.memref_slice %arg8[%dma_wait3A_264, %dma_wait3A_265, %dma_wait3A_266, %dma_wait3A_267] : memref<2x3x48x128xf32, #tpu.memory_space<vmem>> -> memref<1x1x48x128xf32, #tpu.memory_space<vmem>>
    %dma_wait3A_269 = tpu.memref_squeeze %dma_wait3A_268 : memref<1x1x48x128xf32, #tpu.memory_space<vmem>> -> memref<48x128xf32, #tpu.memory_space<vmem>>
    %dma_wait3A_270 = arith.constant 0 : i32
    %dma_wait3A_271 = arith.constant 0 : i32
    %dma_wait3A_272 = tpu.memref_slice %arg2[%dma_wait3A_270, %dma_wait3A_271] : memref<1024x128xf32, #tpu.memory_space<hbm>> -> memref<48x128xf32, #tpu.memory_space<hbm>>
    %dma_wait3A_273 = arith.constant 0 : i32
    %dma_wait3A_274 = arith.constant 0 : i32
    %dma_wait3A_275 = tpu.memref_slice %arg8[%dma_wait3A_264, %dma_wait3A_265, %dma_wait3A_273, %dma_wait3A_274] : memref<2x3x48x128xf32, #tpu.memory_space<vmem>> -> memref<1x1x48x128xf32, #tpu.memory_space<vmem>>
    %dma_wait3A_276 = tpu.memref_squeeze %dma_wait3A_275 : memref<1x1x48x128xf32, #tpu.memory_space<vmem>> -> memref<48x128xf32, #tpu.memory_space<vmem>>
    %dma_wait3A_277 = arith.constant 0 : i32
    %dma_wait3A_278 = arith.constant 0 : i32
    %dma_wait3A_279 = tpu.memref_slice %arg2[%dma_wait3A_277, %dma_wait3A_278] : memref<1024x128xf32, #tpu.memory_space<hbm>> -> memref<48x128xf32, #tpu.memory_space<hbm>>
    tpu.wait_dma2 semaphore(%arg11 : memref<!tpu.dma_semaphore, #tpu.memory_space<semaphore_mem>>) src(%dma_wait3A_279 : memref<48x128xf32, #tpu.memory_space<hbm>>) dst(%dma_wait3A_276 : memref<48x128xf32, #tpu.memory_space<vmem>>)
    %dma_wait3A_280 = arith.constant 1 : i32
    %dma_wait3A_281 = arith.constant 0 : i32
    %dma_wait3A_282 = tpu.memref_slice %arg7[%dma_wait3A_280, %dma_wait3A_281] : memref<2x2304xf32, #tpu.memory_space<vmem>> -> memref<1x2304xf32, #tpu.memory_space<vmem>>
    %dma_wait3A_283 = tpu.memref_squeeze %dma_wait3A_282 : memref<1x2304xf32, #tpu.memory_space<vmem>> -> memref<2304xf32, #tpu.memory_space<vmem>>
    %dma_wait3A_284 = arith.constant 0 : i32
    %dma_wait3A_285 = tpu.memref_slice %arg4[%dma_wait3A_284] : memref<2506752xf32, #tpu.memory_space<hbm>> -> memref<2304xf32, #tpu.memory_space<hbm>>
    %dma_wait3A_286 = arith.constant 0 : i32
    %dma_wait3A_287 = tpu.memref_slice %arg7[%dma_wait3A_280, %dma_wait3A_286] : memref<2x2304xf32, #tpu.memory_space<vmem>> -> memref<1x2304xf32, #tpu.memory_space<vmem>>
    %dma_wait3A_288 = tpu.memref_squeeze %dma_wait3A_287 : memref<1x2304xf32, #tpu.memory_space<vmem>> -> memref<2304xf32, #tpu.memory_space<vmem>>
    %dma_wait3A_289 = arith.constant 0 : i32
    %dma_wait3A_290 = tpu.memref_slice %arg4[%dma_wait3A_289] : memref<2506752xf32, #tpu.memory_space<hbm>> -> memref<2304xf32, #tpu.memory_space<hbm>>
    tpu.wait_dma2 semaphore(%arg11 : memref<!tpu.dma_semaphore, #tpu.memory_space<semaphore_mem>>) src(%dma_wait3A_290 : memref<2304xf32, #tpu.memory_space<hbm>>) dst(%dma_wait3A_288 : memref<2304xf32, #tpu.memory_space<vmem>>)
    %scan3A_291 = arith.constant 0 : i32
    %scan3A_292 = arith.constant 0 : i32
    %scan3A_293 = arith.constant 48 : i32
    %scan3A_294 = arith.addi %scan3A_292, %scan3A_293 : i32
    %scan3A_295 = arith.constant 1 : i32
    scf.for %scan3A_360 = %scan3A_292 to %scan3A_294 step %scan3A_295  : i32 {
      %mul3A_361 = arith.constant 48 : i32
      %mul3A_362 = arith.muli %scan3A_360, %mul3A_361 : i32
      %get3A = arith.constant 1 : i32
      %get3A_363 = arith.index_cast %get3A : i32 to index
      %get3A_364 = arith.index_cast %mul3A_362 : i32 to index
      %get3A_365 = tpu.vector_load %arg7[%get3A_363, %get3A_364] {strides = array<i32>} : memref<2x2304xf32, #tpu.memory_space<vmem>>, vector<1x16xf32>,
      %get3A_366 = vector.shape_cast %get3A_365 : vector<1x16xf32> to vector<16xf32>
      %add3A_367 = arith.constant 16 : i32
      %add3A_368 = arith.addi %mul3A_362, %add3A_367 : i32
      %get3A_369 = arith.constant 1 : i32
      %get3A_370 = arith.index_cast %get3A_369 : i32 to index
      %get3A_371 = arith.index_cast %add3A_368 : i32 to index
      %get3A_372 = tpu.vector_load %arg7[%get3A_370, %get3A_371] {strides = array<i32>} : memref<2x2304xf32, #tpu.memory_space<vmem>>, vector<1x16xf32>,
      %get3A_373 = vector.shape_cast %get3A_372 : vector<1x16xf32> to vector<16xf32>
      %add3A_374 = arith.constant 32 : i32
      %add3A_375 = arith.addi %mul3A_362, %add3A_374 : i32
      %get3A_376 = arith.constant 1 : i32
      %get3A_377 = arith.index_cast %get3A_376 : i32 to index
      %get3A_378 = arith.index_cast %add3A_375 : i32 to index
      %get3A_379 = tpu.vector_load %arg7[%get3A_377, %get3A_378] {strides = array<i32>} : memref<2x2304xf32, #tpu.memory_space<vmem>>, vector<1x16xf32>,
      %get3A_380 = vector.shape_cast %get3A_379 : vector<1x16xf32> to vector<16xf32>
      %get3A_381 = arith.constant 1 : i32
      %get3A_382 = arith.constant 0 : i32
      %get3A_383 = arith.index_cast %get3A_381 : i32 to index
      %get3A_384 = arith.index_cast %get3A_382 : i32 to index
      %get3A_385 = arith.index_cast %scan3A_360 : i32 to index
      %get3A_386 = arith.constant 0 : index
      %get3A_387 = tpu.vector_load %arg8[%get3A_383, %get3A_384, %get3A_385, %get3A_386] {strides = array<i32>} : memref<2x3x48x128xf32, #tpu.memory_space<vmem>>, vector<1x1x1x16xf32>,
      %get3A_388 = vector.shape_cast %get3A_387 : vector<1x1x1x16xf32> to vector<16xf32>
      %mul3A_389 = arith.mulf %get3A_366, %get3A_388 : vector<16xf32>
      %get3A_390 = arith.constant 1 : i32
      %get3A_391 = arith.constant 1 : i32
      %get3A_392 = arith.index_cast %get3A_390 : i32 to index
      %get3A_393 = arith.index_cast %get3A_391 : i32 to index
      %get3A_394 = arith.index_cast %scan3A_360 : i32 to index
      %get3A_395 = arith.constant 0 : index
      %get3A_396 = tpu.vector_load %arg8[%get3A_392, %get3A_393, %get3A_394, %get3A_395] {strides = array<i32>} : memref<2x3x48x128xf32, #tpu.memory_space<vmem>>, vector<1x1x1x16xf32>,
      %get3A_397 = vector.shape_cast %get3A_396 : vector<1x1x1x16xf32> to vector<16xf32>
      %mul3A_398 = arith.mulf %get3A_373, %get3A_397 : vector<16xf32>
      %add3A_399 = arith.addf %mul3A_389, %mul3A_398 : vector<16xf32>
      %get3A_400 = arith.constant 1 : i32
      %get3A_401 = arith.constant 2 : i32
      %get3A_402 = arith.index_cast %get3A_400 : i32 to index
      %get3A_403 = arith.index_cast %get3A_401 : i32 to index
      %get3A_404 = arith.index_cast %scan3A_360 : i32 to index
      %get3A_405 = arith.constant 0 : index
      %get3A_406 = tpu.vector_load %arg8[%get3A_402, %get3A_403, %get3A_404, %get3A_405] {strides = array<i32>} : memref<2x3x48x128xf32, #tpu.memory_space<vmem>>, vector<1x1x1x16xf32>,
      %get3A_407 = vector.shape_cast %get3A_406 : vector<1x1x1x16xf32> to vector<16xf32>
      %mul3A_408 = arith.mulf %get3A_380, %get3A_407 : vector<16xf32>
      %add3A_409 = arith.addf %add3A_399, %mul3A_408 : vector<16xf32>
      %swap3A = arith.constant 1 : i32
      %swap3A_410 = arith.index_cast %swap3A : i32 to index
      %swap3A_411 = arith.index_cast %scan3A_360 : i32 to index
      %swap3A_412 = arith.constant 0 : index
      %swap3A_413 = tpu.vector_load %arg9[%swap3A_410, %swap3A_411, %swap3A_412] {strides = array<i32>} : memref<2x48x128xf32, #tpu.memory_space<vmem>>, vector<1x1x16xf32>,
      %swap3A_414 = vector.shape_cast %swap3A_413 : vector<1x1x16xf32> to vector<16xf32>
      %swap3A_415 = vector.shape_cast %add3A_409 : vector<16xf32> to vector<1x1x16xf32>
      tpu.vector_store %arg9[%swap3A_410, %swap3A_411, %swap3A_412], %swap3A_415 {strides = array<i32>} : memref<2x48x128xf32, #tpu.memory_space<vmem>>, vector<1x1x16xf32>,
      %get3A_416 = arith.constant 1 : i32
      %get3A_417 = arith.constant 0 : i32
      %get3A_418 = arith.index_cast %get3A_416 : i32 to index
      %get3A_419 = arith.index_cast %get3A_417 : i32 to index
      %get3A_420 = arith.index_cast %scan3A_360 : i32 to index
      %get3A_421 = arith.constant 16 : index
      %get3A_422 = tpu.vector_load %arg8[%get3A_418, %get3A_419, %get3A_420, %get3A_421] {strides = array<i32>} : memref<2x3x48x128xf32, #tpu.memory_space<vmem>>, vector<1x1x1x16xf32>,
      %get3A_423 = vector.shape_cast %get3A_422 : vector<1x1x1x16xf32> to vector<16xf32>
      %mul3A_424 = arith.mulf %get3A_366, %get3A_423 : vector<16xf32>
      %get3A_425 = arith.constant 1 : i32
      %get3A_426 = arith.constant 1 : i32
      %get3A_427 = arith.index_cast %get3A_425 : i32 to index
      %get3A_428 = arith.index_cast %get3A_426 : i32 to index
      %get3A_429 = arith.index_cast %scan3A_360 : i32 to index
      %get3A_430 = arith.constant 16 : index
      %get3A_431 = tpu.vector_load %arg8[%get3A_427, %get3A_428, %get3A_429, %get3A_430] {strides = array<i32>} : memref<2x3x48x128xf32, #tpu.memory_space<vmem>>, vector<1x1x1x16xf32>,
      %get3A_432 = vector.shape_cast %get3A_431 : vector<1x1x1x16xf32> to vector<16xf32>
      %mul3A_433 = arith.mulf %get3A_373, %get3A_432 : vector<16xf32>
      %add3A_434 = arith.addf %mul3A_424, %mul3A_433 : vector<16xf32>
      %get3A_435 = arith.constant 1 : i32
      %get3A_436 = arith.constant 2 : i32
      %get3A_437 = arith.index_cast %get3A_435 : i32 to index
      %get3A_438 = arith.index_cast %get3A_436 : i32 to index
      %get3A_439 = arith.index_cast %scan3A_360 : i32 to index
      %get3A_440 = arith.constant 16 : index
      %get3A_441 = tpu.vector_load %arg8[%get3A_437, %get3A_438, %get3A_439, %get3A_440] {strides = array<i32>} : memref<2x3x48x128xf32, #tpu.memory_space<vmem>>, vector<1x1x1x16xf32>,
      %get3A_442 = vector.shape_cast %get3A_441 : vector<1x1x1x16xf32> to vector<16xf32>
      %mul3A_443 = arith.mulf %get3A_380, %get3A_442 : vector<16xf32>
      %add3A_444 = arith.addf %add3A_434, %mul3A_443 : vector<16xf32>
      %swap3A_445 = arith.constant 1 : i32
      %swap3A_446 = arith.index_cast %swap3A_445 : i32 to index
      %swap3A_447 = arith.index_cast %scan3A_360 : i32 to index
      %swap3A_448 = arith.constant 16 : index
      %swap3A_449 = tpu.vector_load %arg9[%swap3A_446, %swap3A_447, %swap3A_448] {strides = array<i32>} : memref<2x48x128xf32, #tpu.memory_space<vmem>>, vector<1x1x16xf32>,
      %swap3A_450 = vector.shape_cast %swap3A_449 : vector<1x1x16xf32> to vector<16xf32>
      %swap3A_451 = vector.shape_cast %add3A_444 : vector<16xf32> to vector<1x1x16xf32>
      tpu.vector_store %arg9[%swap3A_446, %swap3A_447, %swap3A_448], %swap3A_451 {strides = array<i32>} : memref<2x48x128xf32, #tpu.memory_space<vmem>>, vector<1x1x16xf32>,
      %get3A_452 = arith.constant 1 : i32
      %get3A_453 = arith.constant 0 : i32
      %get3A_454 = arith.index_cast %get3A_452 : i32 to index
      %get3A_455 = arith.index_cast %get3A_453 : i32 to index
      %get3A_456 = arith.index_cast %scan3A_360 : i32 to index
      %get3A_457 = arith.constant 32 : index
      %get3A_458 = tpu.vector_load %arg8[%get3A_454, %get3A_455, %get3A_456, %get3A_457] {strides = array<i32>} : memref<2x3x48x128xf32, #tpu.memory_space<vmem>>, vector<1x1x1x16xf32>,
      %get3A_459 = vector.shape_cast %get3A_458 : vector<1x1x1x16xf32> to vector<16xf32>
      %mul3A_460 = arith.mulf %get3A_366, %get3A_459 : vector<16xf32>
      %get3A_461 = arith.constant 1 : i32
      %get3A_462 = arith.constant 1 : i32
      %get3A_463 = arith.index_cast %get3A_461 : i32 to index
      %get3A_464 = arith.index_cast %get3A_462 : i32 to index
      %get3A_465 = arith.index_cast %scan3A_360 : i32 to index
      %get3A_466 = arith.constant 32 : index
      %get3A_467 = tpu.vector_load %arg8[%get3A_463, %get3A_464, %get3A_465, %get3A_466] {strides = array<i32>} : memref<2x3x48x128xf32, #tpu.memory_space<vmem>>, vector<1x1x1x16xf32>,
      %get3A_468 = vector.shape_cast %get3A_467 : vector<1x1x1x16xf32> to vector<16xf32>
      %mul3A_469 = arith.mulf %get3A_373, %get3A_468 : vector<16xf32>
      %add3A_470 = arith.addf %mul3A_460, %mul3A_469 : vector<16xf32>
      %get3A_471 = arith.constant 1 : i32
      %get3A_472 = arith.constant 2 : i32
      %get3A_473 = arith.index_cast %get3A_471 : i32 to index
      %get3A_474 = arith.index_cast %get3A_472 : i32 to index
      %get3A_475 = arith.index_cast %scan3A_360 : i32 to index
      %get3A_476 = arith.constant 32 : index
      %get3A_477 = tpu.vector_load %arg8[%get3A_473, %get3A_474, %get3A_475, %get3A_476] {strides = array<i32>} : memref<2x3x48x128xf32, #tpu.memory_space<vmem>>, vector<1x1x1x16xf32>,
      %get3A_478 = vector.shape_cast %get3A_477 : vector<1x1x1x16xf32> to vector<16xf32>
      %mul3A_479 = arith.mulf %get3A_380, %get3A_478 : vector<16xf32>
      %add3A_480 = arith.addf %add3A_470, %mul3A_479 : vector<16xf32>
      %swap3A_481 = arith.constant 1 : i32
      %swap3A_482 = arith.index_cast %swap3A_481 : i32 to index
      %swap3A_483 = arith.index_cast %scan3A_360 : i32 to index
      %swap3A_484 = arith.constant 32 : index
      %swap3A_485 = tpu.vector_load %arg9[%swap3A_482, %swap3A_483, %swap3A_484] {strides = array<i32>} : memref<2x48x128xf32, #tpu.memory_space<vmem>>, vector<1x1x16xf32>,
      %swap3A_486 = vector.shape_cast %swap3A_485 : vector<1x1x16xf32> to vector<16xf32>
      %swap3A_487 = vector.shape_cast %add3A_480 : vector<16xf32> to vector<1x1x16xf32>
      tpu.vector_store %arg9[%swap3A_482, %swap3A_483, %swap3A_484], %swap3A_487 {strides = array<i32>} : memref<2x48x128xf32, #tpu.memory_space<vmem>>, vector<1x1x16xf32>,
      %get3A_488 = arith.constant 1 : i32
      %get3A_489 = arith.constant 0 : i32
      %get3A_490 = arith.index_cast %get3A_488 : i32 to index
      %get3A_491 = arith.index_cast %get3A_489 : i32 to index
      %get3A_492 = arith.index_cast %scan3A_360 : i32 to index
      %get3A_493 = arith.constant 48 : index
      %get3A_494 = tpu.vector_load %arg8[%get3A_490, %get3A_491, %get3A_492, %get3A_493] {strides = array<i32>} : memref<2x3x48x128xf32, #tpu.memory_space<vmem>>, vector<1x1x1x16xf32>,
      %get3A_495 = vector.shape_cast %get3A_494 : vector<1x1x1x16xf32> to vector<16xf32>
      %mul3A_496 = arith.mulf %get3A_366, %get3A_495 : vector<16xf32>
      %get3A_497 = arith.constant 1 : i32
      %get3A_498 = arith.constant 1 : i32
      %get3A_499 = arith.index_cast %get3A_497 : i32 to index
      %get3A_500 = arith.index_cast %get3A_498 : i32 to index
      %get3A_501 = arith.index_cast %scan3A_360 : i32 to index
      %get3A_502 = arith.constant 48 : index
      %get3A_503 = tpu.vector_load %arg8[%get3A_499, %get3A_500, %get3A_501, %get3A_502] {strides = array<i32>} : memref<2x3x48x128xf32, #tpu.memory_space<vmem>>, vector<1x1x1x16xf32>,
      %get3A_504 = vector.shape_cast %get3A_503 : vector<1x1x1x16xf32> to vector<16xf32>
      %mul3A_505 = arith.mulf %get3A_373, %get3A_504 : vector<16xf32>
      %add3A_506 = arith.addf %mul3A_496, %mul3A_505 : vector<16xf32>
      %get3A_507 = arith.constant 1 : i32
      %get3A_508 = arith.constant 2 : i32
      %get3A_509 = arith.index_cast %get3A_507 : i32 to index
      %get3A_510 = arith.index_cast %get3A_508 : i32 to index
      %get3A_511 = arith.index_cast %scan3A_360 : i32 to index
      %get3A_512 = arith.constant 48 : index
      %get3A_513 = tpu.vector_load %arg8[%get3A_509, %get3A_510, %get3A_511, %get3A_512] {strides = array<i32>} : memref<2x3x48x128xf32, #tpu.memory_space<vmem>>, vector<1x1x1x16xf32>,
      %get3A_514 = vector.shape_cast %get3A_513 : vector<1x1x1x16xf32> to vector<16xf32>
      %mul3A_515 = arith.mulf %get3A_380, %get3A_514 : vector<16xf32>
      %add3A_516 = arith.addf %add3A_506, %mul3A_515 : vector<16xf32>
      %swap3A_517 = arith.constant 1 : i32
      %swap3A_518 = arith.index_cast %swap3A_517 : i32 to index
      %swap3A_519 = arith.index_cast %scan3A_360 : i32 to index
      %swap3A_520 = arith.constant 48 : index
      %swap3A_521 = tpu.vector_load %arg9[%swap3A_518, %swap3A_519, %swap3A_520] {strides = array<i32>} : memref<2x48x128xf32, #tpu.memory_space<vmem>>, vector<1x1x16xf32>,
      %swap3A_522 = vector.shape_cast %swap3A_521 : vector<1x1x16xf32> to vector<16xf32>
      %swap3A_523 = vector.shape_cast %add3A_516 : vector<16xf32> to vector<1x1x16xf32>
      tpu.vector_store %arg9[%swap3A_518, %swap3A_519, %swap3A_520], %swap3A_523 {strides = array<i32>} : memref<2x48x128xf32, #tpu.memory_space<vmem>>, vector<1x1x16xf32>,
      %get3A_524 = arith.constant 1 : i32
      %get3A_525 = arith.constant 0 : i32
      %get3A_526 = arith.index_cast %get3A_524 : i32 to index
      %get3A_527 = arith.index_cast %get3A_525 : i32 to index
      %get3A_528 = arith.index_cast %scan3A_360 : i32 to index
      %get3A_529 = arith.constant 64 : index
      %get3A_530 = tpu.vector_load %arg8[%get3A_526, %get3A_527, %get3A_528, %get3A_529] {strides = array<i32>} : memref<2x3x48x128xf32, #tpu.memory_space<vmem>>, vector<1x1x1x16xf32>,
      %get3A_531 = vector.shape_cast %get3A_530 : vector<1x1x1x16xf32> to vector<16xf32>
      %mul3A_532 = arith.mulf %get3A_366, %get3A_531 : vector<16xf32>
      %get3A_533 = arith.constant 1 : i32
      %get3A_534 = arith.constant 1 : i32
      %get3A_535 = arith.index_cast %get3A_533 : i32 to index
      %get3A_536 = arith.index_cast %get3A_534 : i32 to index
      %get3A_537 = arith.index_cast %scan3A_360 : i32 to index
      %get3A_538 = arith.constant 64 : index
      %get3A_539 = tpu.vector_load %arg8[%get3A_535, %get3A_536, %get3A_537, %get3A_538] {strides = array<i32>} : memref<2x3x48x128xf32, #tpu.memory_space<vmem>>, vector<1x1x1x16xf32>,
      %get3A_540 = vector.shape_cast %get3A_539 : vector<1x1x1x16xf32> to vector<16xf32>
      %mul3A_541 = arith.mulf %get3A_373, %get3A_540 : vector<16xf32>
      %add3A_542 = arith.addf %mul3A_532, %mul3A_541 : vector<16xf32>
      %get3A_543 = arith.constant 1 : i32
      %get3A_544 = arith.constant 2 : i32
      %get3A_545 = arith.index_cast %get3A_543 : i32 to index
      %get3A_546 = arith.index_cast %get3A_544 : i32 to index
      %get3A_547 = arith.index_cast %scan3A_360 : i32 to index
      %get3A_548 = arith.constant 64 : index
      %get3A_549 = tpu.vector_load %arg8[%get3A_545, %get3A_546, %get3A_547, %get3A_548] {strides = array<i32>} : memref<2x3x48x128xf32, #tpu.memory_space<vmem>>, vector<1x1x1x16xf32>,
      %get3A_550 = vector.shape_cast %get3A_549 : vector<1x1x1x16xf32> to vector<16xf32>
      %mul3A_551 = arith.mulf %get3A_380, %get3A_550 : vector<16xf32>
      %add3A_552 = arith.addf %add3A_542, %mul3A_551 : vector<16xf32>
      %swap3A_553 = arith.constant 1 : i32
      %swap3A_554 = arith.index_cast %swap3A_553 : i32 to index
      %swap3A_555 = arith.index_cast %scan3A_360 : i32 to index
      %swap3A_556 = arith.constant 64 : index
      %swap3A_557 = tpu.vector_load %arg9[%swap3A_554, %swap3A_555, %swap3A_556] {strides = array<i32>} : memref<2x48x128xf32, #tpu.memory_space<vmem>>, vector<1x1x16xf32>,
      %swap3A_558 = vector.shape_cast %swap3A_557 : vector<1x1x16xf32> to vector<16xf32>
      %swap3A_559 = vector.shape_cast %add3A_552 : vector<16xf32> to vector<1x1x16xf32>
      tpu.vector_store %arg9[%swap3A_554, %swap3A_555, %swap3A_556], %swap3A_559 {strides = array<i32>} : memref<2x48x128xf32, #tpu.memory_space<vmem>>, vector<1x1x16xf32>,
      %get3A_560 = arith.constant 1 : i32
      %get3A_561 = arith.constant 0 : i32
      %get3A_562 = arith.index_cast %get3A_560 : i32 to index
      %get3A_563 = arith.index_cast %get3A_561 : i32 to index
      %get3A_564 = arith.index_cast %scan3A_360 : i32 to index
      %get3A_565 = arith.constant 80 : index
      %get3A_566 = tpu.vector_load %arg8[%get3A_562, %get3A_563, %get3A_564, %get3A_565] {strides = array<i32>} : memref<2x3x48x128xf32, #tpu.memory_space<vmem>>, vector<1x1x1x16xf32>,
      %get3A_567 = vector.shape_cast %get3A_566 : vector<1x1x1x16xf32> to vector<16xf32>
      %mul3A_568 = arith.mulf %get3A_366, %get3A_567 : vector<16xf32>
      %get3A_569 = arith.constant 1 : i32
      %get3A_570 = arith.constant 1 : i32
      %get3A_571 = arith.index_cast %get3A_569 : i32 to index
      %get3A_572 = arith.index_cast %get3A_570 : i32 to index
      %get3A_573 = arith.index_cast %scan3A_360 : i32 to index
      %get3A_574 = arith.constant 80 : index
      %get3A_575 = tpu.vector_load %arg8[%get3A_571, %get3A_572, %get3A_573, %get3A_574] {strides = array<i32>} : memref<2x3x48x128xf32, #tpu.memory_space<vmem>>, vector<1x1x1x16xf32>,
      %get3A_576 = vector.shape_cast %get3A_575 : vector<1x1x1x16xf32> to vector<16xf32>
      %mul3A_577 = arith.mulf %get3A_373, %get3A_576 : vector<16xf32>
      %add3A_578 = arith.addf %mul3A_568, %mul3A_577 : vector<16xf32>
      %get3A_579 = arith.constant 1 : i32
      %get3A_580 = arith.constant 2 : i32
      %get3A_581 = arith.index_cast %get3A_579 : i32 to index
      %get3A_582 = arith.index_cast %get3A_580 : i32 to index
      %get3A_583 = arith.index_cast %scan3A_360 : i32 to index
      %get3A_584 = arith.constant 80 : index
      %get3A_585 = tpu.vector_load %arg8[%get3A_581, %get3A_582, %get3A_583, %get3A_584] {strides = array<i32>} : memref<2x3x48x128xf32, #tpu.memory_space<vmem>>, vector<1x1x1x16xf32>,
      %get3A_586 = vector.shape_cast %get3A_585 : vector<1x1x1x16xf32> to vector<16xf32>
      %mul3A_587 = arith.mulf %get3A_380, %get3A_586 : vector<16xf32>
      %add3A_588 = arith.addf %add3A_578, %mul3A_587 : vector<16xf32>
      %swap3A_589 = arith.constant 1 : i32
      %swap3A_590 = arith.index_cast %swap3A_589 : i32 to index
      %swap3A_591 = arith.index_cast %scan3A_360 : i32 to index
      %swap3A_592 = arith.constant 80 : index
      %swap3A_593 = tpu.vector_load %arg9[%swap3A_590, %swap3A_591, %swap3A_592] {strides = array<i32>} : memref<2x48x128xf32, #tpu.memory_space<vmem>>, vector<1x1x16xf32>,
      %swap3A_594 = vector.shape_cast %swap3A_593 : vector<1x1x16xf32> to vector<16xf32>
      %swap3A_595 = vector.shape_cast %add3A_588 : vector<16xf32> to vector<1x1x16xf32>
      tpu.vector_store %arg9[%swap3A_590, %swap3A_591, %swap3A_592], %swap3A_595 {strides = array<i32>} : memref<2x48x128xf32, #tpu.memory_space<vmem>>, vector<1x1x16xf32>,
      %get3A_596 = arith.constant 1 : i32
      %get3A_597 = arith.constant 0 : i32
      %get3A_598 = arith.index_cast %get3A_596 : i32 to index
      %get3A_599 = arith.index_cast %get3A_597 : i32 to index
      %get3A_600 = arith.index_cast %scan3A_360 : i32 to index
      %get3A_601 = arith.constant 96 : index
      %get3A_602 = tpu.vector_load %arg8[%get3A_598, %get3A_599, %get3A_600, %get3A_601] {strides = array<i32>} : memref<2x3x48x128xf32, #tpu.memory_space<vmem>>, vector<1x1x1x16xf32>,
      %get3A_603 = vector.shape_cast %get3A_602 : vector<1x1x1x16xf32> to vector<16xf32>
      %mul3A_604 = arith.mulf %get3A_366, %get3A_603 : vector<16xf32>
      %get3A_605 = arith.constant 1 : i32
      %get3A_606 = arith.constant 1 : i32
      %get3A_607 = arith.index_cast %get3A_605 : i32 to index
      %get3A_608 = arith.index_cast %get3A_606 : i32 to index
      %get3A_609 = arith.index_cast %scan3A_360 : i32 to index
      %get3A_610 = arith.constant 96 : index
      %get3A_611 = tpu.vector_load %arg8[%get3A_607, %get3A_608, %get3A_609, %get3A_610] {strides = array<i32>} : memref<2x3x48x128xf32, #tpu.memory_space<vmem>>, vector<1x1x1x16xf32>,
      %get3A_612 = vector.shape_cast %get3A_611 : vector<1x1x1x16xf32> to vector<16xf32>
      %mul3A_613 = arith.mulf %get3A_373, %get3A_612 : vector<16xf32>
      %add3A_614 = arith.addf %mul3A_604, %mul3A_613 : vector<16xf32>
      %get3A_615 = arith.constant 1 : i32
      %get3A_616 = arith.constant 2 : i32
      %get3A_617 = arith.index_cast %get3A_615 : i32 to index
      %get3A_618 = arith.index_cast %get3A_616 : i32 to index
      %get3A_619 = arith.index_cast %scan3A_360 : i32 to index
      %get3A_620 = arith.constant 96 : index
      %get3A_621 = tpu.vector_load %arg8[%get3A_617, %get3A_618, %get3A_619, %get3A_620] {strides = array<i32>} : memref<2x3x48x128xf32, #tpu.memory_space<vmem>>, vector<1x1x1x16xf32>,
      %get3A_622 = vector.shape_cast %get3A_621 : vector<1x1x1x16xf32> to vector<16xf32>
      %mul3A_623 = arith.mulf %get3A_380, %get3A_622 : vector<16xf32>
      %add3A_624 = arith.addf %add3A_614, %mul3A_623 : vector<16xf32>
      %swap3A_625 = arith.constant 1 : i32
      %swap3A_626 = arith.index_cast %swap3A_625 : i32 to index
      %swap3A_627 = arith.index_cast %scan3A_360 : i32 to index
      %swap3A_628 = arith.constant 96 : index
      %swap3A_629 = tpu.vector_load %arg9[%swap3A_626, %swap3A_627, %swap3A_628] {strides = array<i32>} : memref<2x48x128xf32, #tpu.memory_space<vmem>>, vector<1x1x16xf32>,
      %swap3A_630 = vector.shape_cast %swap3A_629 : vector<1x1x16xf32> to vector<16xf32>
      %swap3A_631 = vector.shape_cast %add3A_624 : vector<16xf32> to vector<1x1x16xf32>
      tpu.vector_store %arg9[%swap3A_626, %swap3A_627, %swap3A_628], %swap3A_631 {strides = array<i32>} : memref<2x48x128xf32, #tpu.memory_space<vmem>>, vector<1x1x16xf32>,
      %get3A_632 = arith.constant 1 : i32
      %get3A_633 = arith.constant 0 : i32
      %get3A_634 = arith.index_cast %get3A_632 : i32 to index
      %get3A_635 = arith.index_cast %get3A_633 : i32 to index
      %get3A_636 = arith.index_cast %scan3A_360 : i32 to index
      %get3A_637 = arith.constant 112 : index
      %get3A_638 = tpu.vector_load %arg8[%get3A_634, %get3A_635, %get3A_636, %get3A_637] {strides = array<i32>} : memref<2x3x48x128xf32, #tpu.memory_space<vmem>>, vector<1x1x1x16xf32>,
      %get3A_639 = vector.shape_cast %get3A_638 : vector<1x1x1x16xf32> to vector<16xf32>
      %mul3A_640 = arith.mulf %get3A_366, %get3A_639 : vector<16xf32>
      %get3A_641 = arith.constant 1 : i32
      %get3A_642 = arith.constant 1 : i32
      %get3A_643 = arith.index_cast %get3A_641 : i32 to index
      %get3A_644 = arith.index_cast %get3A_642 : i32 to index
      %get3A_645 = arith.index_cast %scan3A_360 : i32 to index
      %get3A_646 = arith.constant 112 : index
      %get3A_647 = tpu.vector_load %arg8[%get3A_643, %get3A_644, %get3A_645, %get3A_646] {strides = array<i32>} : memref<2x3x48x128xf32, #tpu.memory_space<vmem>>, vector<1x1x1x16xf32>,
      %get3A_648 = vector.shape_cast %get3A_647 : vector<1x1x1x16xf32> to vector<16xf32>
      %mul3A_649 = arith.mulf %get3A_373, %get3A_648 : vector<16xf32>
      %add3A_650 = arith.addf %mul3A_640, %mul3A_649 : vector<16xf32>
      %get3A_651 = arith.constant 1 : i32
      %get3A_652 = arith.constant 2 : i32
      %get3A_653 = arith.index_cast %get3A_651 : i32 to index
      %get3A_654 = arith.index_cast %get3A_652 : i32 to index
      %get3A_655 = arith.index_cast %scan3A_360 : i32 to index
      %get3A_656 = arith.constant 112 : index
      %get3A_657 = tpu.vector_load %arg8[%get3A_653, %get3A_654, %get3A_655, %get3A_656] {strides = array<i32>} : memref<2x3x48x128xf32, #tpu.memory_space<vmem>>, vector<1x1x1x16xf32>,
      %get3A_658 = vector.shape_cast %get3A_657 : vector<1x1x1x16xf32> to vector<16xf32>
      %mul3A_659 = arith.mulf %get3A_380, %get3A_658 : vector<16xf32>
      %add3A_660 = arith.addf %add3A_650, %mul3A_659 : vector<16xf32>
      %swap3A_661 = arith.constant 1 : i32
      %swap3A_662 = arith.index_cast %swap3A_661 : i32 to index
      %swap3A_663 = arith.index_cast %scan3A_360 : i32 to index
      %swap3A_664 = arith.constant 112 : index
      %swap3A_665 = tpu.vector_load %arg9[%swap3A_662, %swap3A_663, %swap3A_664] {strides = array<i32>} : memref<2x48x128xf32, #tpu.memory_space<vmem>>, vector<1x1x16xf32>,
      %swap3A_666 = vector.shape_cast %swap3A_665 : vector<1x1x16xf32> to vector<16xf32>
      %swap3A_667 = vector.shape_cast %add3A_660 : vector<16xf32> to vector<1x1x16xf32>
      tpu.vector_store %arg9[%swap3A_662, %swap3A_663, %swap3A_664], %swap3A_667 {strides = array<i32>} : memref<2x48x128xf32, #tpu.memory_space<vmem>>, vector<1x1x16xf32>,
    }
    %scan3A_296 = arith.constant 48 : i32
    %add3A_297 = arith.constant 1584 : i32
    %add3A_298 = arith.addi %mul3A_2, %add3A_297 : i32
    %multiple_of3A_299 = tpu.assume_multiple %add3A_298, 8 : i32
    %run_scoped3A_300 = arith.constant 1 : i32
    "tpu.region"() ({
      %run_scoped3A_360 = tpu.sem_alloc : memref<!tpu.dma_semaphore, #tpu.memory_space<semaphore_mem>>
      %dma_start3A_361 = arith.constant 0 : i32
      %dma_start3A_362 = arith.constant 0 : i32
      %dma_start3A_363 = tpu.memref_slice %arg9[%run_scoped3A_300, %dma_start3A_361, %dma_start3A_362] : memref<2x48x128xf32, #tpu.memory_space<vmem>> -> memref<1x48x128xf32, #tpu.memory_space<vmem>>
      %dma_start3A_364 = tpu.memref_squeeze %dma_start3A_363 : memref<1x48x128xf32, #tpu.memory_space<vmem>> -> memref<48x128xf32, #tpu.memory_space<vmem>>
      %dma_start3A_365 = arith.constant 0 : i32
      %dma_start3A_366 = tpu.memref_slice %arg5[%multiple_of3A_299, %dma_start3A_365] : memref<52224x128xf32, #tpu.memory_space<hbm>> -> memref<48x128xf32, #tpu.memory_space<hbm>>
      %dma_start3A_367 = arith.constant 0 : i32
      %dma_start3A_368 = tpu.memref_slice %arg5[%multiple_of3A_299, %dma_start3A_367] : memref<52224x128xf32, #tpu.memory_space<hbm>> -> memref<48x128xf32, #tpu.memory_space<hbm>>
      %dma_start3A_369 = arith.constant 0 : i32
      %dma_start3A_370 = arith.constant 0 : i32
      %dma_start3A_371 = tpu.memref_slice %arg9[%run_scoped3A_300, %dma_start3A_369, %dma_start3A_370] : memref<2x48x128xf32, #tpu.memory_space<vmem>> -> memref<1x48x128xf32, #tpu.memory_space<vmem>>
      %dma_start3A_372 = tpu.memref_squeeze %dma_start3A_371 : memref<1x48x128xf32, #tpu.memory_space<vmem>> -> memref<48x128xf32, #tpu.memory_space<vmem>>
      tpu.enqueue_dma source(%dma_start3A_372 : memref<48x128xf32, #tpu.memory_space<vmem>>) target(%dma_start3A_368 : memref<48x128xf32, #tpu.memory_space<hbm>>) target_semaphore(%run_scoped3A_360 : memref<!tpu.dma_semaphore, #tpu.memory_space<semaphore_mem>>)
      %dma_wait3A_373 = arith.constant 0 : i32
      %dma_wait3A_374 = arith.constant 0 : i32
      %dma_wait3A_375 = tpu.memref_slice %arg9[%run_scoped3A_300, %dma_wait3A_373, %dma_wait3A_374] : memref<2x48x128xf32, #tpu.memory_space<vmem>> -> memref<1x48x128xf32, #tpu.memory_space<vmem>>
      %dma_wait3A_376 = tpu.memref_squeeze %dma_wait3A_375 : memref<1x48x128xf32, #tpu.memory_space<vmem>> -> memref<48x128xf32, #tpu.memory_space<vmem>>
      %dma_wait3A_377 = arith.constant 0 : i32
      %dma_wait3A_378 = tpu.memref_slice %arg5[%multiple_of3A_299, %dma_wait3A_377] : memref<52224x128xf32, #tpu.memory_space<hbm>> -> memref<48x128xf32, #tpu.memory_space<hbm>>
      %dma_wait3A_379 = arith.constant 0 : i32
      %dma_wait3A_380 = tpu.memref_slice %arg5[%multiple_of3A_299, %dma_wait3A_379] : memref<52224x128xf32, #tpu.memory_space<hbm>> -> memref<48x128xf32, #tpu.memory_space<hbm>>
      %dma_wait3A_381 = arith.constant 0 : i32
      %dma_wait3A_382 = arith.constant 0 : i32
      %dma_wait3A_383 = tpu.memref_slice %arg9[%run_scoped3A_300, %dma_wait3A_381, %dma_wait3A_382] : memref<2x48x128xf32, #tpu.memory_space<vmem>> -> memref<1x48x128xf32, #tpu.memory_space<vmem>>
      %dma_wait3A_384 = tpu.memref_squeeze %dma_wait3A_383 : memref<1x48x128xf32, #tpu.memory_space<vmem>> -> memref<48x128xf32, #tpu.memory_space<vmem>>
      tpu.wait_dma2 semaphore(%run_scoped3A_360 : memref<!tpu.dma_semaphore, #tpu.memory_space<semaphore_mem>>) src(%dma_wait3A_384 : memref<48x128xf32, #tpu.memory_space<vmem>>) dst(%dma_wait3A_380 : memref<48x128xf32, #tpu.memory_space<hbm>>)
      tpu.yield
    }) : () -> ()
    %dma_wait3A_301 = arith.constant 0 : i32
    %dma_wait3A_302 = arith.constant 0 : i32
    %dma_wait3A_303 = arith.constant 0 : i32
    %dma_wait3A_304 = arith.constant 0 : i32
    %dma_wait3A_305 = tpu.memref_slice %arg8[%dma_wait3A_301, %dma_wait3A_302, %dma_wait3A_303, %dma_wait3A_304] : memref<2x3x48x128xf32, #tpu.memory_space<vmem>> -> memref<1x1x48x128xf32, #tpu.memory_space<vmem>>
    %dma_wait3A_306 = tpu.memref_squeeze %dma_wait3A_305 : memref<1x1x48x128xf32, #tpu.memory_space<vmem>> -> memref<48x128xf32, #tpu.memory_space<vmem>>
    %dma_wait3A_307 = arith.constant 0 : i32
    %dma_wait3A_308 = arith.constant 0 : i32
    %dma_wait3A_309 = tpu.memref_slice %arg2[%dma_wait3A_307, %dma_wait3A_308] : memref<1024x128xf32, #tpu.memory_space<hbm>> -> memref<48x128xf32, #tpu.memory_space<hbm>>
    %dma_wait3A_310 = arith.constant 0 : i32
    %dma_wait3A_311 = arith.constant 0 : i32
    %dma_wait3A_312 = tpu.memref_slice %arg8[%dma_wait3A_301, %dma_wait3A_302, %dma_wait3A_310, %dma_wait3A_311] : memref<2x3x48x128xf32, #tpu.memory_space<vmem>> -> memref<1x1x48x128xf32, #tpu.memory_space<vmem>>
    %dma_wait3A_313 = tpu.memref_squeeze %dma_wait3A_312 : memref<1x1x48x128xf32, #tpu.memory_space<vmem>> -> memref<48x128xf32, #tpu.memory_space<vmem>>
    %dma_wait3A_314 = arith.constant 0 : i32
    %dma_wait3A_315 = arith.constant 0 : i32
    %dma_wait3A_316 = tpu.memref_slice %arg2[%dma_wait3A_314, %dma_wait3A_315] : memref<1024x128xf32, #tpu.memory_space<hbm>> -> memref<48x128xf32, #tpu.memory_space<hbm>>
    tpu.wait_dma2 semaphore(%arg10 : memref<!tpu.dma_semaphore, #tpu.memory_space<semaphore_mem>>) src(%dma_wait3A_316 : memref<48x128xf32, #tpu.memory_space<hbm>>) dst(%dma_wait3A_313 : memref<48x128xf32, #tpu.memory_space<vmem>>)
    %dma_wait3A_317 = arith.constant 0 : i32
    %dma_wait3A_318 = arith.constant 1 : i32
    %dma_wait3A_319 = arith.constant 0 : i32
    %dma_wait3A_320 = arith.constant 0 : i32
    %dma_wait3A_321 = tpu.memref_slice %arg8[%dma_wait3A_317, %dma_wait3A_318, %dma_wait3A_319, %dma_wait3A_320] : memref<2x3x48x128xf32, #tpu.memory_space<vmem>> -> memref<1x1x48x128xf32, #tpu.memory_space<vmem>>
    %dma_wait3A_322 = tpu.memref_squeeze %dma_wait3A_321 : memref<1x1x48x128xf32, #tpu.memory_space<vmem>> -> memref<48x128xf32, #tpu.memory_space<vmem>>
    %dma_wait3A_323 = arith.constant 0 : i32
    %dma_wait3A_324 = arith.constant 0 : i32
    %dma_wait3A_325 = tpu.memref_slice %arg2[%dma_wait3A_323, %dma_wait3A_324] : memref<1024x128xf32, #tpu.memory_space<hbm>> -> memref<48x128xf32, #tpu.memory_space<hbm>>
    %dma_wait3A_326 = arith.constant 0 : i32
    %dma_wait3A_327 = arith.constant 0 : i32
    %dma_wait3A_328 = tpu.memref_slice %arg8[%dma_wait3A_317, %dma_wait3A_318, %dma_wait3A_326, %dma_wait3A_327] : memref<2x3x48x128xf32, #tpu.memory_space<vmem>> -> memref<1x1x48x128xf32, #tpu.memory_space<vmem>>
    %dma_wait3A_329 = tpu.memref_squeeze %dma_wait3A_328 : memref<1x1x48x128xf32, #tpu.memory_space<vmem>> -> memref<48x128xf32, #tpu.memory_space<vmem>>
    %dma_wait3A_330 = arith.constant 0 : i32
    %dma_wait3A_331 = arith.constant 0 : i32
    %dma_wait3A_332 = tpu.memref_slice %arg2[%dma_wait3A_330, %dma_wait3A_331] : memref<1024x128xf32, #tpu.memory_space<hbm>> -> memref<48x128xf32, #tpu.memory_space<hbm>>
    tpu.wait_dma2 semaphore(%arg10 : memref<!tpu.dma_semaphore, #tpu.memory_space<semaphore_mem>>) src(%dma_wait3A_332 : memref<48x128xf32, #tpu.memory_space<hbm>>) dst(%dma_wait3A_329 : memref<48x128xf32, #tpu.memory_space<vmem>>)
    %dma_wait3A_333 = arith.constant 0 : i32
    %dma_wait3A_334 = arith.constant 2 : i32
    %dma_wait3A_335 = arith.constant 0 : i32
    %dma_wait3A_336 = arith.constant 0 : i32
    %dma_wait3A_337 = tpu.memref_slice %arg8[%dma_wait3A_333, %dma_wait3A_334, %dma_wait3A_335, %dma_wait3A_336] : memref<2x3x48x128xf32, #tpu.memory_space<vmem>> -> memref<1x1x48x128xf32, #tpu.memory_space<vmem>>
    %dma_wait3A_338 = tpu.memref_squeeze %dma_wait3A_337 : memref<1x1x48x128xf32, #tpu.memory_space<vmem>> -> memref<48x128xf32, #tpu.memory_space<vmem>>
    %dma_wait3A_339 = arith.constant 0 : i32
    %dma_wait3A_340 = arith.constant 0 : i32
    %dma_wait3A_341 = tpu.memref_slice %arg2[%dma_wait3A_339, %dma_wait3A_340] : memref<1024x128xf32, #tpu.memory_space<hbm>> -> memref<48x128xf32, #tpu.memory_space<hbm>>
    %dma_wait3A_342 = arith.constant 0 : i32
    %dma_wait3A_343 = arith.constant 0 : i32
    %dma_wait3A_344 = tpu.memref_slice %arg8[%dma_wait3A_333, %dma_wait3A_334, %dma_wait3A_342, %dma_wait3A_343] : memref<2x3x48x128xf32, #tpu.memory_space<vmem>> -> memref<1x1x48x128xf32, #tpu.memory_space<vmem>>
    %dma_wait3A_345 = tpu.memref_squeeze %dma_wait3A_344 : memref<1x1x48x128xf32, #tpu.memory_space<vmem>> -> memref<48x128xf32, #tpu.memory_space<vmem>>
    %dma_wait3A_346 = arith.constant 0 : i32
    %dma_wait3A_347 = arith.constant 0 : i32
    %dma_wait3A_348 = tpu.memref_slice %arg2[%dma_wait3A_346, %dma_wait3A_347] : memref<1024x128xf32, #tpu.memory_space<hbm>> -> memref<48x128xf32, #tpu.memory_space<hbm>>
    tpu.wait_dma2 semaphore(%arg10 : memref<!tpu.dma_semaphore, #tpu.memory_space<semaphore_mem>>) src(%dma_wait3A_348 : memref<48x128xf32, #tpu.memory_space<hbm>>) dst(%dma_wait3A_345 : memref<48x128xf32, #tpu.memory_space<vmem>>)
    %dma_wait3A_349 = arith.constant 0 : i32
    %dma_wait3A_350 = arith.constant 0 : i32
    %dma_wait3A_351 = tpu.memref_slice %arg7[%dma_wait3A_349, %dma_wait3A_350] : memref<2x2304xf32, #tpu.memory_space<vmem>> -> memref<1x2304xf32, #tpu.memory_space<vmem>>
    %dma_wait3A_352 = tpu.memref_squeeze %dma_wait3A_351 : memref<1x2304xf32, #tpu.memory_space<vmem>> -> memref<2304xf32, #tpu.memory_space<vmem>>
    %dma_wait3A_353 = arith.constant 0 : i32
    %dma_wait3A_354 = tpu.memref_slice %arg4[%dma_wait3A_353] : memref<2506752xf32, #tpu.memory_space<hbm>> -> memref<2304xf32, #tpu.memory_space<hbm>>
    %dma_wait3A_355 = arith.constant 0 : i32
    %dma_wait3A_356 = tpu.memref_slice %arg7[%dma_wait3A_349, %dma_wait3A_355] : memref<2x2304xf32, #tpu.memory_space<vmem>> -> memref<1x2304xf32, #tpu.memory_space<vmem>>
    %dma_wait3A_357 = tpu.memref_squeeze %dma_wait3A_356 : memref<1x2304xf32, #tpu.memory_space<vmem>> -> memref<2304xf32, #tpu.memory_space<vmem>>
    %dma_wait3A_358 = arith.constant 0 : i32
    %dma_wait3A_359 = tpu.memref_slice %arg4[%dma_wait3A_358] : memref<2506752xf32, #tpu.memory_space<hbm>> -> memref<2304xf32, #tpu.memory_space<hbm>>
    tpu.wait_dma2 semaphore(%arg10 : memref<!tpu.dma_semaphore, #tpu.memory_space<semaphore_mem>>) src(%dma_wait3A_359 : memref<2304xf32, #tpu.memory_space<hbm>>) dst(%dma_wait3A_357 : memref<2304xf32, #tpu.memory_space<vmem>>)
    return
  }
}

module attributes {stable_mosaic.version = 14 : i64} {
  func.func @_topk_body(%arg0: i32, %arg1: memref<1024x8xf32, #tpu.memory_space<vmem>>, %arg2: memref<8x1024xf32, #tpu.memory_space<vmem>>, %arg3: memref<1024x128xf32, #tpu.memory_space<vmem>>, %arg4: memref<128x128xf32, #tpu.memory_space<vmem>>, %arg5: memref<1x128xf32, #tpu.memory_space<vmem>>, %arg6: memref<1024x3xi32, #tpu.memory_space<vmem>>, %arg7: memref<1024x48xf32, #tpu.memory_space<vmem>>, %arg8: memref<1024x128xf32, #tpu.memory_space<vmem>>) attributes {dimension_semantics = [#tpu.dimension_semantics<arbitrary>], iteration_bounds = array<i64: 51>, scalar_prefetch = 0 : i64, scratch_operands = 0 : i64, tpu.core_type = #tpu.core_type<tc>, window_params = [{transform_indices = @transform_0, window_bounds = array<i64: 1024, 8>}, {pipeline_mode = #tpu.pipeline_mode<synchronous>, transform_indices = @transform_1, window_bounds = array<i64: 8, 1024>}, {pipeline_mode = #tpu.pipeline_mode<synchronous>, transform_indices = @transform_2, window_bounds = array<i64: 1024, 128>}, {pipeline_mode = #tpu.pipeline_mode<synchronous>, transform_indices = @transform_3, window_bounds = array<i64: 128, 128>}, {pipeline_mode = #tpu.pipeline_mode<synchronous>, transform_indices = @transform_4, window_bounds = array<i64: 1, 128>}, {transform_indices = @transform_5, window_bounds = array<i64: 1024, 3>}, {transform_indices = @transform_6, window_bounds = array<i64: 1024, 48>}, {pipeline_mode = #tpu.pipeline_mode<synchronous>, transform_indices = @transform_7, window_bounds = array<i64: 1024, 128>}]} {
    %eq3A = arith.constant 0 : i32
    %eq3A_0 = arith.cmpi eq, %arg0, %eq3A : i32
    %convert_element_type3A = arith.extui %eq3A_0 : i1 to i32
    %cond3A = arith.constant 0 : i32
    %cond3A_1 = arith.cmpi ne, %convert_element_type3A, %cond3A : i32
    scf.if %cond3A_1 {
      %get3A_141 = arith.constant 0 : index
      %get3A_142 = arith.constant 0 : index
      %get3A_143 = vector.load %arg5[%get3A_141, %get3A_142] : memref<1x128xf32, #tpu.memory_space<vmem>>, vector<1x128xf32>
      %get3A_144 = arith.constant 0 : index
      %get3A_145 = arith.constant 0 : index
      %get3A_146 = vector.load %arg3[%get3A_144, %get3A_145] : memref<1024x128xf32, #tpu.memory_space<vmem>>, vector<1024x128xf32>
      %get3A_147 = arith.constant 0 : index
      %get3A_148 = arith.constant 0 : index
      %get3A_149 = vector.load %arg4[%get3A_147, %get3A_148] : memref<128x128xf32, #tpu.memory_space<vmem>>, vector<128x128xf32>
      %dot_general3A = arith.constant dense<0.000000e+00> : vector<1024x128xf32>
      %dot_general3A_150 = tpu.matmul %get3A_146, %get3A_149, %dot_general3A {dimension_numbers = #tpu.dot_dimension_numbers<[1], [1], [0], [0], [0, 0, 1, 0], [], []>, transpose_lhs_hint = false} : vector<1024x128xf32>, vector<128x128xf32>, vector<1024x128xf32> -> vector<1024x128xf32>
      %add3A_151 = vector.broadcast %get3A_143 : vector<1x128xf32> to vector<1024x128xf32>
      %add3A_152 = arith.addf %add3A_151, %dot_general3A_150 : vector<1024x128xf32>
      %swap3A_153 = arith.constant 0 : index
      %swap3A_154 = arith.constant 0 : index
      %swap3A_155 = vector.load %arg8[%swap3A_153, %swap3A_154] : memref<1024x128xf32, #tpu.memory_space<vmem>>, vector<1024x128xf32>
      tpu.vector_store %arg8[%swap3A_153, %swap3A_154], %add3A_152 {strides = array<i32>} : memref<1024x128xf32, #tpu.memory_space<vmem>>, vector<1024x128xf32>,
    } else {
    }
    %get3A = arith.constant 0 : index
    %get3A_2 = arith.constant 0 : index
    %get3A_3 = vector.load %arg1[%get3A, %get3A_2] : memref<1024x8xf32, #tpu.memory_space<vmem>>, vector<1024x1xf32>
    %get3A_4 = arith.constant 0 : index
    %get3A_5 = arith.constant 0 : index
    %get3A_6 = vector.load %arg2[%get3A_4, %get3A_5] : memref<8x1024xf32, #tpu.memory_space<vmem>>, vector<1x1024xf32>
    %sub3A = vector.broadcast %get3A_3 : vector<1024x1xf32> to vector<1024x1024xf32>
    %sub3A_7 = vector.broadcast %get3A_6 : vector<1x1024xf32> to vector<1024x1024xf32>
    %sub3A_8 = arith.subf %sub3A, %sub3A_7 : vector<1024x1024xf32>
    %mul3A = arith.mulf %sub3A_8, %sub3A_8 : vector<1024x1024xf32>
    %get3A_9 = arith.constant 0 : index
    %get3A_10 = arith.constant 1 : index
    %get3A_11 = vector.load %arg1[%get3A_9, %get3A_10] : memref<1024x8xf32, #tpu.memory_space<vmem>>, vector<1024x1xf32>
    %get3A_12 = arith.constant 1 : index
    %get3A_13 = arith.constant 0 : index
    %get3A_14 = vector.load %arg2[%get3A_12, %get3A_13] : memref<8x1024xf32, #tpu.memory_space<vmem>>, vector<1x1024xf32>
    %sub3A_15 = vector.broadcast %get3A_11 : vector<1024x1xf32> to vector<1024x1024xf32>
    %sub3A_16 = vector.broadcast %get3A_14 : vector<1x1024xf32> to vector<1024x1024xf32>
    %sub3A_17 = arith.subf %sub3A_15, %sub3A_16 : vector<1024x1024xf32>
    %mul3A_18 = arith.mulf %sub3A_17, %sub3A_17 : vector<1024x1024xf32>
    %add3A = arith.addf %mul3A, %mul3A_18 : vector<1024x1024xf32>
    %get3A_19 = arith.constant 0 : index
    %get3A_20 = arith.constant 2 : index
    %get3A_21 = vector.load %arg1[%get3A_19, %get3A_20] : memref<1024x8xf32, #tpu.memory_space<vmem>>, vector<1024x1xf32>
    %get3A_22 = arith.constant 2 : index
    %get3A_23 = arith.constant 0 : index
    %get3A_24 = vector.load %arg2[%get3A_22, %get3A_23] : memref<8x1024xf32, #tpu.memory_space<vmem>>, vector<1x1024xf32>
    %sub3A_25 = vector.broadcast %get3A_21 : vector<1024x1xf32> to vector<1024x1024xf32>
    %sub3A_26 = vector.broadcast %get3A_24 : vector<1x1024xf32> to vector<1024x1024xf32>
    %sub3A_27 = arith.subf %sub3A_25, %sub3A_26 : vector<1024x1024xf32>
    %mul3A_28 = arith.mulf %sub3A_27, %sub3A_27 : vector<1024x1024xf32>
    %add3A_29 = arith.addf %add3A, %mul3A_28 : vector<1024x1024xf32>
    %iota3A = tpu.iota {dimensions = array<i32: 1>} : vector<1024x1024xi32>
    %convert_element_type3A_30 = arith.sitofp %iota3A : vector<1024x1024xi32> to vector<1024x1024xf32>
    %reduce_min3A = arith.constant dense<0x7F800000> : vector<1024xf32>
    %reduce_min3A_31 = vector.multi_reduction <minimumf>, %add3A_29, %reduce_min3A [1] : vector<1024x1024xf32> to vector<1024xf32>
    %broadcast_in_dim3A = vector.shape_cast %reduce_min3A_31 : vector<1024xf32> to vector<1024x1xf32>
    %eq3A_32 = vector.broadcast %broadcast_in_dim3A : vector<1024x1xf32> to vector<1024x1024xf32>
    %eq3A_33 = arith.cmpf oeq, %add3A_29, %eq3A_32 : vector<1024x1024xf32>
    %jit3A = arith.constant 3.000000e+09 : f32
    %broadcast_in_dim3A_34 = vector.broadcast %jit3A : f32 to vector<1024x1024xf32>
    %select_n3A = arith.select %eq3A_33, %convert_element_type3A_30, %broadcast_in_dim3A_34 : vector<1024x1024xi1>, vector<1024x1024xf32>
    %reduce_min3A_35 = arith.constant dense<0x7F800000> : vector<1024xf32>
    %reduce_min3A_36 = vector.multi_reduction <minimumf>, %select_n3A, %reduce_min3A_35 [1] : vector<1024x1024xf32> to vector<1024xf32>
    %broadcast_in_dim3A_37 = vector.shape_cast %reduce_min3A_36 : vector<1024xf32> to vector<1024x1xf32>
    %convert_element_type3A_38 = arith.fptosi %broadcast_in_dim3A_37 : vector<1024x1xf32> to vector<1024x1xi32>
    %jit3A_39 = arith.constant 0x7F800000 : f32
    %broadcast_in_dim3A_40 = vector.broadcast %jit3A_39 : f32 to vector<1024x1024xf32>
    %select_n3A_41 = arith.select %eq3A_33, %broadcast_in_dim3A_40, %add3A_29 : vector<1024x1024xi1>, vector<1024x1024xf32>
    %reduce_min3A_42 = arith.constant dense<0x7F800000> : vector<1024xf32>
    %reduce_min3A_43 = vector.multi_reduction <minimumf>, %select_n3A_41, %reduce_min3A_42 [1] : vector<1024x1024xf32> to vector<1024xf32>
    %broadcast_in_dim3A_44 = vector.shape_cast %reduce_min3A_43 : vector<1024xf32> to vector<1024x1xf32>
    %eq3A_45 = vector.broadcast %broadcast_in_dim3A_44 : vector<1024x1xf32> to vector<1024x1024xf32>
    %eq3A_46 = arith.cmpf oeq, %select_n3A_41, %eq3A_45 : vector<1024x1024xf32>
    %jit3A_47 = arith.constant 3.000000e+09 : f32
    %broadcast_in_dim3A_48 = vector.broadcast %jit3A_47 : f32 to vector<1024x1024xf32>
    %select_n3A_49 = arith.select %eq3A_46, %convert_element_type3A_30, %broadcast_in_dim3A_48 : vector<1024x1024xi1>, vector<1024x1024xf32>
    %reduce_min3A_50 = arith.constant dense<0x7F800000> : vector<1024xf32>
    %reduce_min3A_51 = vector.multi_reduction <minimumf>, %select_n3A_49, %reduce_min3A_50 [1] : vector<1024x1024xf32> to vector<1024xf32>
    %broadcast_in_dim3A_52 = vector.shape_cast %reduce_min3A_51 : vector<1024xf32> to vector<1024x1xf32>
    %convert_element_type3A_53 = arith.fptosi %broadcast_in_dim3A_52 : vector<1024x1xf32> to vector<1024x1xi32>
    %jit3A_54 = arith.constant 0x7F800000 : f32
    %broadcast_in_dim3A_55 = vector.broadcast %jit3A_54 : f32 to vector<1024x1024xf32>
    %select_n3A_56 = arith.select %eq3A_46, %broadcast_in_dim3A_55, %select_n3A_41 : vector<1024x1024xi1>, vector<1024x1024xf32>
    %reduce_min3A_57 = arith.constant dense<0x7F800000> : vector<1024xf32>
    %reduce_min3A_58 = vector.multi_reduction <minimumf>, %select_n3A_56, %reduce_min3A_57 [1] : vector<1024x1024xf32> to vector<1024xf32>
    %broadcast_in_dim3A_59 = vector.shape_cast %reduce_min3A_58 : vector<1024xf32> to vector<1024x1xf32>
    %eq3A_60 = vector.broadcast %broadcast_in_dim3A_59 : vector<1024x1xf32> to vector<1024x1024xf32>
    %eq3A_61 = arith.cmpf oeq, %select_n3A_56, %eq3A_60 : vector<1024x1024xf32>
    %jit3A_62 = arith.constant 3.000000e+09 : f32
    %broadcast_in_dim3A_63 = vector.broadcast %jit3A_62 : f32 to vector<1024x1024xf32>
    %select_n3A_64 = arith.select %eq3A_61, %convert_element_type3A_30, %broadcast_in_dim3A_63 : vector<1024x1024xi1>, vector<1024x1024xf32>
    %reduce_min3A_65 = arith.constant dense<0x7F800000> : vector<1024xf32>
    %reduce_min3A_66 = vector.multi_reduction <minimumf>, %select_n3A_64, %reduce_min3A_65 [1] : vector<1024x1024xf32> to vector<1024xf32>
    %broadcast_in_dim3A_67 = vector.shape_cast %reduce_min3A_66 : vector<1024xf32> to vector<1024x1xf32>
    %convert_element_type3A_68 = arith.fptosi %broadcast_in_dim3A_67 : vector<1024x1xf32> to vector<1024x1xi32>
    %ne3A = arith.constant 0.000000e+00 : f32
    %ne3A_69 = vector.broadcast %ne3A : f32 to vector<1024x1xf32>
    %ne3A_70 = arith.cmpf one, %broadcast_in_dim3A, %ne3A_69 : vector<1024x1xf32>
    %eq3A_71 = arith.constant 0.000000e+00 : f32
    %eq3A_72 = vector.broadcast %eq3A_71 : f32 to vector<1024x1xf32>
    %eq3A_73 = arith.cmpf oeq, %broadcast_in_dim3A, %eq3A_72 : vector<1024x1xf32>
    %jit3A_74 = arith.constant 1.000000e+00 : f32
    %broadcast_in_dim3A_75 = vector.broadcast %jit3A_74 : f32 to vector<1024x1xf32>
    %select_n3A_76 = arith.select %eq3A_73, %broadcast_in_dim3A_75, %broadcast_in_dim3A : vector<1024x1xi1>, vector<1024x1xf32>
    %div3A = arith.constant 1.000000e+00 : f32
    %div3A_77 = vector.broadcast %div3A : f32 to vector<1024x1xf32>
    %div3A_78 = arith.divf %div3A_77, %select_n3A_76 : vector<1024x1xf32>
    %eq3A_79 = arith.constant 0.000000e+00 : f32
    %eq3A_80 = vector.broadcast %eq3A_79 : f32 to vector<1024x1xf32>
    %eq3A_81 = arith.cmpf oeq, %broadcast_in_dim3A, %eq3A_80 : vector<1024x1xf32>
    %jit3A_82 = arith.constant 1.000000e+00 : f32
    %jit3A_83 = arith.constant 0.000000e+00 : f32
    %broadcast_in_dim3A_84 = vector.broadcast %jit3A_82 : f32 to vector<1024x1xf32>
    %broadcast_in_dim3A_85 = vector.broadcast %jit3A_83 : f32 to vector<1024x1xf32>
    %select_n3A_86 = arith.select %eq3A_81, %broadcast_in_dim3A_84, %broadcast_in_dim3A_85 : vector<1024x1xi1>, vector<1024x1xf32>
    %select_n3A_87 = arith.select %ne3A_70, %div3A_78, %select_n3A_86 : vector<1024x1xi1>, vector<1024x1xf32>
    %eq3A_88 = arith.constant 0.000000e+00 : f32
    %eq3A_89 = vector.broadcast %eq3A_88 : f32 to vector<1024x1xf32>
    %eq3A_90 = arith.cmpf oeq, %broadcast_in_dim3A_44, %eq3A_89 : vector<1024x1xf32>
    %jit3A_91 = arith.constant 1.000000e+00 : f32
    %broadcast_in_dim3A_92 = vector.broadcast %jit3A_91 : f32 to vector<1024x1xf32>
    %select_n3A_93 = arith.select %eq3A_90, %broadcast_in_dim3A_92, %broadcast_in_dim3A_44 : vector<1024x1xi1>, vector<1024x1xf32>
    %div3A_94 = arith.constant 1.000000e+00 : f32
    %div3A_95 = vector.broadcast %div3A_94 : f32 to vector<1024x1xf32>
    %div3A_96 = arith.divf %div3A_95, %select_n3A_93 : vector<1024x1xf32>
    %eq3A_97 = arith.constant 0.000000e+00 : f32
    %eq3A_98 = vector.broadcast %eq3A_97 : f32 to vector<1024x1xf32>
    %eq3A_99 = arith.cmpf oeq, %broadcast_in_dim3A_44, %eq3A_98 : vector<1024x1xf32>
    %jit3A_100 = arith.constant 1.000000e+00 : f32
    %jit3A_101 = arith.constant 0.000000e+00 : f32
    %broadcast_in_dim3A_102 = vector.broadcast %jit3A_100 : f32 to vector<1024x1xf32>
    %broadcast_in_dim3A_103 = vector.broadcast %jit3A_101 : f32 to vector<1024x1xf32>
    %select_n3A_104 = arith.select %eq3A_99, %broadcast_in_dim3A_102, %broadcast_in_dim3A_103 : vector<1024x1xi1>, vector<1024x1xf32>
    %select_n3A_105 = arith.select %ne3A_70, %div3A_96, %select_n3A_104 : vector<1024x1xi1>, vector<1024x1xf32>
    %eq3A_106 = arith.constant 0.000000e+00 : f32
    %eq3A_107 = vector.broadcast %eq3A_106 : f32 to vector<1024x1xf32>
    %eq3A_108 = arith.cmpf oeq, %broadcast_in_dim3A_59, %eq3A_107 : vector<1024x1xf32>
    %jit3A_109 = arith.constant 1.000000e+00 : f32
    %broadcast_in_dim3A_110 = vector.broadcast %jit3A_109 : f32 to vector<1024x1xf32>
    %select_n3A_111 = arith.select %eq3A_108, %broadcast_in_dim3A_110, %broadcast_in_dim3A_59 : vector<1024x1xi1>, vector<1024x1xf32>
    %div3A_112 = arith.constant 1.000000e+00 : f32
    %div3A_113 = vector.broadcast %div3A_112 : f32 to vector<1024x1xf32>
    %div3A_114 = arith.divf %div3A_113, %select_n3A_111 : vector<1024x1xf32>
    %eq3A_115 = arith.constant 0.000000e+00 : f32
    %eq3A_116 = vector.broadcast %eq3A_115 : f32 to vector<1024x1xf32>
    %eq3A_117 = arith.cmpf oeq, %broadcast_in_dim3A_59, %eq3A_116 : vector<1024x1xf32>
    %jit3A_118 = arith.constant 1.000000e+00 : f32
    %jit3A_119 = arith.constant 0.000000e+00 : f32
    %broadcast_in_dim3A_120 = vector.broadcast %jit3A_118 : f32 to vector<1024x1xf32>
    %broadcast_in_dim3A_121 = vector.broadcast %jit3A_119 : f32 to vector<1024x1xf32>
    %select_n3A_122 = arith.select %eq3A_117, %broadcast_in_dim3A_120, %broadcast_in_dim3A_121 : vector<1024x1xi1>, vector<1024x1xf32>
    %select_n3A_123 = arith.select %ne3A_70, %div3A_114, %select_n3A_122 : vector<1024x1xi1>, vector<1024x1xf32>
    %add3A_124 = arith.addf %select_n3A_87, %select_n3A_105 : vector<1024x1xf32>
    %add3A_125 = arith.addf %add3A_124, %select_n3A_123 : vector<1024x1xf32>
    %concatenate3A = tpu.concatenate %convert_element_type3A_38, %convert_element_type3A_53, %convert_element_type3A_68 in 1 : vector<1024x1xi32>, vector<1024x1xi32>, vector<1024x1xi32> -> vector<1024x3xi32>
    %swap3A = arith.constant 0 : index
    %swap3A_126 = arith.constant 0 : index
    %swap3A_127 = vector.load %arg6[%swap3A, %swap3A_126] : memref<1024x3xi32, #tpu.memory_space<vmem>>, vector<1024x3xi32>
    tpu.vector_store %arg6[%swap3A, %swap3A_126], %concatenate3A {strides = array<i32>} : memref<1024x3xi32, #tpu.memory_space<vmem>>, vector<1024x3xi32>,
    %div3A_128 = arith.divf %select_n3A_87, %add3A_125 : vector<1024x1xf32>
    %broadcast_in_dim3A_129 = vector.shape_cast %div3A_128 : vector<1024x1xf32> to vector<1024x1xf32>
    %broadcast_in_dim3A_130 = vector.broadcast %broadcast_in_dim3A_129 : vector<1024x1xf32> to vector<1024x16xf32>
    %div3A_131 = arith.divf %select_n3A_105, %add3A_125 : vector<1024x1xf32>
    %broadcast_in_dim3A_132 = vector.shape_cast %div3A_131 : vector<1024x1xf32> to vector<1024x1xf32>
    %broadcast_in_dim3A_133 = vector.broadcast %broadcast_in_dim3A_132 : vector<1024x1xf32> to vector<1024x16xf32>
    %div3A_134 = arith.divf %select_n3A_123, %add3A_125 : vector<1024x1xf32>
    %broadcast_in_dim3A_135 = vector.shape_cast %div3A_134 : vector<1024x1xf32> to vector<1024x1xf32>
    %broadcast_in_dim3A_136 = vector.broadcast %broadcast_in_dim3A_135 : vector<1024x1xf32> to vector<1024x16xf32>
    %concatenate3A_137 = tpu.concatenate %broadcast_in_dim3A_130, %broadcast_in_dim3A_133, %broadcast_in_dim3A_136 in 1 : vector<1024x16xf32>, vector<1024x16xf32>, vector<1024x16xf32> -> vector<1024x48xf32>
    %swap3A_138 = arith.constant 0 : index
    %swap3A_139 = arith.constant 0 : index
    %swap3A_140 = vector.load %arg7[%swap3A_138, %swap3A_139] : memref<1024x48xf32, #tpu.memory_space<vmem>>, vector<1024x48xf32>
    tpu.vector_store %arg7[%swap3A_138, %swap3A_139], %concatenate3A_137 {strides = array<i32>} : memref<1024x48xf32, #tpu.memory_space<vmem>>, vector<1024x48xf32>,
    return
  }
  func.func @transform_0(%arg0: i32) -> (i32, i32) {
    %c0_i32 = arith.constant 0 : i32
    %c0_i32_0 = arith.constant 0 : i32
    return %arg0, %c0_i32 : i32, i32
  }
  func.func @transform_1(%arg0: i32) -> (i32, i32) {
    %c0_i32 = arith.constant 0 : i32
    %c0_i32_0 = arith.constant 0 : i32
    %c0_i32_1 = arith.constant 0 : i32
    return %c0_i32, %c0_i32_0 : i32, i32
  }
  func.func @transform_2(%arg0: i32) -> (i32, i32) {
    %c0_i32 = arith.constant 0 : i32
    %c0_i32_0 = arith.constant 0 : i32
    %c0_i32_1 = arith.constant 0 : i32
    return %c0_i32, %c0_i32_0 : i32, i32
  }
  func.func @transform_3(%arg0: i32) -> (i32, i32) {
    %c0_i32 = arith.constant 0 : i32
    %c0_i32_0 = arith.constant 0 : i32
    %c0_i32_1 = arith.constant 0 : i32
    return %c0_i32, %c0_i32_0 : i32, i32
  }
  func.func @transform_4(%arg0: i32) -> (i32, i32) {
    %c0_i32 = arith.constant 0 : i32
    %c0_i32_0 = arith.constant 0 : i32
    %c0_i32_1 = arith.constant 0 : i32
    return %c0_i32, %c0_i32_0 : i32, i32
  }
  func.func @transform_5(%arg0: i32) -> (i32, i32) {
    %c0_i32 = arith.constant 0 : i32
    %c0_i32_0 = arith.constant 0 : i32
    return %arg0, %c0_i32 : i32, i32
  }
  func.func @transform_6(%arg0: i32) -> (i32, i32) {
    %c0_i32 = arith.constant 0 : i32
    %c0_i32_0 = arith.constant 0 : i32
    return %arg0, %c0_i32 : i32, i32
  }
  func.func @transform_7(%arg0: i32) -> (i32, i32) {
    %c0_i32 = arith.constant 0 : i32
    %c0_i32_0 = arith.constant 0 : i32
    %c0_i32_1 = arith.constant 0 : i32
    return %c0_i32, %c0_i32_0 : i32, i32
  }
}

</mosaic_0001>

<sc_bundles>
// kernel: kernel.4.cloned.1.call-start
scs
__scs_entry_jumppad:
0x0: {  	(pc) =	sbr.rel $0x88, $3  }
0x1: {  	(tag) =	ssettag $0x0;
	lr =	simm.s32 $0x1  }
0x2: {  	[smem:$0x3F9C] =	sst lr;
	_ =	strace $0xD0000000  }
0x3: {  	_ = 	snop  }
0x4: {  	_ = 	snop  }
0x5: {  	_ = 	snop  }
0x6: {  	_ = 	snop  }
0x7: {  	_ = 	snop  }
__scs_overlays_trampoline_lowered:
0x8: {  	[smem:$0x3FAB] =	sst s0  }
0x9: {  	[smem:$0x3FAC] =	sst s1  }
0xa: {  	[smem:$0x3FAD] =	sst s2  }
0xb: {  	[smem:$0x3FAE] =	sst s3  }
0xc: {  	[smem:$0x3FAF] =	sst s4  }
0xd: {  	[smem:$0x3FB0] =	sst s5  }
0xe: {  	[smem:$0x3FB1] =	sst s6  }
0xf: {  	[smem:$0x3FB2] =	sst s7  }
0x10: {  	[smem:$0x3FB3] =	sst s8  }
0x11: {  	[smem:$0x3FB4] =	sst s9;
	s0 =	simm.s32 @!p0 $0x0  }
0x12: {  	s1 =	sld [smem:$0x3F9A];
	s0 =	simm.s32 @p0 $0x1  }
0x13: {  	[smem:$0x3FB5] =	sst s0;
	s0 =	simm.s32 @!p1 $0x0  }
0x14: {  	s2 =	sld [smem:$0x3F99];
	s0 =	simm.s32 @p1 $0x1  }
0x15: {  	[smem:$0x3FB6] =	sst s0;
	s0 =	simm.s32 @!p2 $0x0  }
0x16: {  	s3 =	sld [smem:$0x3FDB];
	s0 =	simm.s32 @p2 $0x1  }
0x17: {  	s4 =	simm.s32 $0x1BF5;
	[smem:$0x3FB8] =	sst s0  }
0x18: {  	s0 =	sld [smem:$0x3F9B];
	_ =	swait.ge [sflag:s4], $0x0  }
0x19: {  	s7 =	sld [smem:$0x3F9C]  }
0x1a: {  	s8 =	sadd.s32 $0xFFFFE003, lr  }
0x1b: {  	s9 =	sadd.s32 $0xFFFFFEF7, lr;
	s5 =	simm.s32 $0xFFFFFFFF;
	p2 =	slt.u32 s8, $0xFFFFF086  }
0x1c: {  	p1 =	slt.u32 s9, $0xF7A;
	s5 =	simm.s32 @!p2 $0x0  }
0x1d: {  	s5 =	simm.s32 @p1 $0x1;
	p0 =	seq.s32 s7, s2  }
0x1e: {  	s7 =	smul.u32 @!p0 $0xF7A, s2;
	p2 =	seq.s32 @!p0 s5, $0x0  }
0x1f: {  	s9 =	smul.u32 $0xF7A, s1;
	s8 =	simm.s32 @!p0 $0x1BF5;
	p2 =	por !p2, p0  }
0x20: {  	[sflag:s8] =	ssyncset.s32 @!p0 $0xFFFFF086;
	s6 =	sadd.s32 @!p0 s3, s7;
	s7 =	simm.s32 @!p0 $0x108  }
0x21: {  	s3 =	sadd.s32 s3, s9;
	s6 =	sadd.s32 @!p0 $0x88, s6;
	s7 =	simm.s32 @p2 $0x1082  }
0x22: {  	[simem:s7], [sflag:s8] =	dma.local @!p0 [hbm:s6], $0xF7A  }
0x23: {  	s9 =	sor.u32 $0xD0000000, s2;
	s6 =	simm.s32 $0x108;
	_ =	swait.ge @!p0 [sflag:s8], $0x0  }
0x24: {  	s3 =	sadd.s32 $0x88, s3;
	s6 =	simm.s32 @!p1 $0x1082;
	[sflag:s4] =	ssyncset.s32 $0xFFFFF086  }
0x25: {  	[simem:s6], [sflag:s4] =	dma.local [hbm:s3], $0xF7A  }
0x26: {  	[smem:$0x3F9C] =	sst s1;
	(tag) =	ssettag s2;
	_ =	strace s9  }
0x27: {  	s1 =	sld [smem:$0x3FAC]  }
0x28: {  	s2 =	sld [smem:$0x3FAD]  }
0x29: {  	s4 =	sld [smem:$0x3FAF]  }
0x2a: {  	p0 =	seq.s32 s5, $0x0;
	s5 =	sld [smem:$0x3FB0]  }
0x2b: {  	s6 =	sld [smem:$0x3FB1]  }
0x2c: {  	s7 =	sld [smem:$0x3FB2]  }
0x2d: {  	s3 =	simm.s32 $0x108;
	s8 =	sld [smem:$0x3FB3]  }
0x2e: {  	s3 =	simm.s32 @!p0 $0x1082;
	s9 =	sld [smem:$0x3FB4]  }
0x2f: {  	lr =	sadd.s32 s0, s3;
	s0 =	sld [smem:$0x3FAB]  }
0x30: {  	s3 =	sld [smem:$0x3FAE]  }
0x31: {  	[smem:$0x3FB7] =	sst s10  }
0x32: {  	s10 =	sld [smem:$0x3FB5];
	_ =	sdelay $0x3  }
0x33: {  	p0 =	seq.s32 s10, $0x1;
	s10 =	sld [smem:$0x3FB7];
	_ =	sdelay $0x3  }
0x34: {  	[smem:$0x3FB7] =	sst s10  }
0x35: {  	s10 =	sld [smem:$0x3FB6];
	_ =	sdelay $0x3  }
0x36: {  	p1 =	seq.s32 s10, $0x1;
	s10 =	sld [smem:$0x3FB7];
	_ =	sdelay $0x3  }
0x37: {  	[smem:$0x3FB7] =	sst s10  }
0x38: {  	s10 =	sld [smem:$0x3FB8]  }
0x39: {  	_ = 	snop;
	(pc) =	sbr.ind lr, $3  }
0x3a: {  	_ = 	snop  }
0x3b: {  	_ = 	snop  }
0x3c: {  	p2 =	seq.s32 s10, $0x1;
	s10 =	sld [smem:$0x3FB7]  }
0x3d: {  	_ =	shalt  }
0x3e: {  	_ =	shalt  }
0x3f: {  	_ =	shalt  }
0x40: {  	_ =	shalt  }
0x41: {  	_ =	shalt  }
0x42: {  	_ =	shalt  }
0x43: {  	_ =	shalt  }
0x44: {  	_ =	shalt  }
0x45: {  	_ =	shalt  }
0x46: {  	_ =	shalt  }
0x47: {  	_ =	shalt  }
0x48: {  	_ =	shalt  }
0x49: {  	_ =	shalt  }
0x4a: {  	_ =	shalt  }
0x4b: {  	_ =	shalt  }
0x4c: {  	_ =	shalt  }
0x4d: {  	_ =	shalt  }
0x4e: {  	_ =	shalt  }
0x4f: {  	_ =	shalt  }
0x50: {  	_ =	shalt  }
0x51: {  	_ =	shalt  }
0x52: {  	_ =	shalt  }
0x53: {  	_ =	shalt  }
0x54: {  	_ =	shalt  }
0x55: {  	_ =	shalt  }
0x56: {  	_ =	shalt  }
0x57: {  	_ =	shalt  }
0x58: {  	_ =	shalt  }
0x59: {  	_ =	shalt  }
0x5a: {  	_ =	shalt  }
0x5b: {  	_ =	shalt  }
0x5c: {  	_ =	shalt  }
0x5d: {  	_ =	shalt  }
0x5e: {  	_ =	shalt  }
0x5f: {  	_ =	shalt  }
0x60: {  	_ =	shalt  }
0x61: {  	_ =	shalt  }
0x62: {  	_ =	shalt  }
0x63: {  	_ =	shalt  }
0x64: {  	_ =	shalt  }
0x65: {  	_ =	shalt  }
0x66: {  	_ =	shalt  }
0x67: {  	_ =	shalt  }
0x68: {  	_ =	shalt  }
0x69: {  	_ =	shalt  }
0x6a: {  	_ =	shalt  }
0x6b: {  	_ =	shalt  }
0x6c: {  	_ =	shalt  }
0x6d: {  	_ =	shalt  }
0x6e: {  	_ =	shalt  }
0x6f: {  	_ =	shalt  }
0x70: {  	_ =	shalt  }
0x71: {  	_ =	shalt  }
0x72: {  	_ =	shalt  }
0x73: {  	_ =	shalt  }
0x74: {  	_ =	shalt  }
0x75: {  	_ =	shalt  }
0x76: {  	_ =	shalt  }
0x77: {  	_ =	shalt  }
0x78: {  	_ =	shalt  }
0x79: {  	_ =	shalt  }
0x7a: {  	_ =	shalt  }
0x7b: {  	_ =	shalt  }
0x7c: {  	_ =	shalt  }
0x7d: {  	_ =	shalt  }
0x7e: {  	_ =	shalt  }
0x7f: {  	_ =	shalt  }
0x80: {  	_ =	shalt  }
0x81: {  	_ =	shalt  }
0x82: {  	_ =	shalt  }
0x83: {  	_ =	shalt  }
0x84: {  	_ =	shalt  }
0x85: {  	_ =	shalt  }
0x86: {  	_ =	shalt  }
0x87: {  	_ =	shalt  }
.Lfunc_end0:
.L_simem_size_0:
called_computation_lowered:
.L_overlay_start_0:
0x88: {  	s2 =	sld [smem:$0x3FD9]  }
0x89: {  	s3 =	sld [smem:$0x3FFE];
	_ =	sdelay $0x1  }
0x8a: {  	s1 =	srdreg.scid  }
0x8b: {  	s0 =	sand.u32 $0x1, s1  }
0x8c: {  	s17 =	sshll.u32 s0, $0xA;
	s2 =	sadd.s32 s3, s2  }
0x8d: {  	s2 =	sadd.s32 s2, s17  }
0x8e: {  	[smem:$0x3FC3] =	sst s2  }
0x8f: {  	_ = 	snop  }
0x90: {  	s2 =	sld [smem:$0x3FD0];
	(tm) =	ssettm $0x1  }
0x91: {  	s18 =	sld [smem:$0x3FFB];
	_ =	sdelay $0x3  }
0x92: {  	_ =	strace s18  }
0x93: {  	s3 =	sld [smem:$0x3FFC];
	_ =	sdelay $0x3  }
0x94: {  	_ =	strace s3  }
0x95: {  	s3 =	sld [smem:$0x3FFD];
	_ =	sdelay $0x3  }
0x96: {  	_ =	strace s3  }
0x97: {  	_ =	strace $0x8FFFFFFF  }
0x98: {  	s19 =	sld [smem:$0x3FDB];
	_ =	sdelay $0x1  }
0x99: {  	s4 =	simm.s32 $_scs_section_size  }
0x9a: {  	s5 =	simm.s32 $_size__tile_overlayer_lowered;
	s6 =	simm.s32 $_tile_overlayer_lowered  }
0x9b: {  	s22 =	simm.s32 $0x1BFF;
	s21 =	sshll.u32 s6, $0x1;
	s3 =	sadd.s32 s4, s19  }
0x9c: {  	s7 =	simm.s32 $0x0;
	s20 =	sshll.u32 s5, $0x1;
	s5 =	sadd.s32 s21, s3  }
0x9d: {  	[timem:s7], [sflag:s22] =	dma.local [hbm:s5], s20  }
0x9e: {  	_ =	swait.ge [sflag:s22], s20  }
0x9f: {  	s4 =	ssub.s32 $0x0, s20;
	[sflag:s22] =	ssyncset.done $0x0  }
0xa0: {  	[sflag:s22] =	ssyncadd.s32 s4;
	_ =	sdelay $0x1  }
0xa1: {  	s23 =	simm.s32 $0x1B8B  }
0xa2: {  	_ =	swait.ge [sflag:s23], $0x1  }
0xa3: {  	[sflag:s23] =	ssyncset.done $0x0  }
0xa4: {  	s25 =	simm.s32 $0x1B8E;
	s24 =	sld [smem:$0x3FFE];
	[sflag:s23] =	ssyncadd.s32 $0xFFFFFFFF  }
0xa5: {  	s26 =	simm.s32 $execute0_lowered;
	[smem:$0x3FD2] =	sst s25  }
0xa6: {  	s5 =	sshll.u32 s26, $0x1;
	_ =	strace $0x80000046;
	[dreg:$0x1] =	wrdreg $0xFFFFFFFF  }
0xa7: {  	s28 =	simm.s32 $_size_execute0_lowered;
	s3 =	sadd.s32 s3, s5;
	[dreg:$0x0] =	wrdreg $0x0  }
0xa8: {  	s5 =	sshll.u32 s28, $0x1;
	[dreg:$0x2] =	wrdreg s3  }
0xa9: {  	[dreg:$0x3] =	wrdreg s5  }
0xaa: {  	[dreg:$0x4] =	wrdreg $0xC0  }
0xab: {  	_ =	task [dreg:s7], $0x5FFFF  }
0xac: {  	[dreg:$0x1] =	wrdreg $0xFFFFFFFF  }
0xad: {  	[dreg:$0x0] =	wrdreg $0x60  }
0xae: {  	[dreg:$0x2] =	wrdreg s24  }
0xaf: {  	[dreg:$0x3] =	wrdreg s2  }
0xb0: {  	[dreg:$0x4] =	wrdreg $0x9  }
0xb1: {  	_ =	task.clear_ibuf [dreg:s7], $0x5FFFF;
	_ =	strace $0x90000046  }
0xb2: {  	s29 =	simm.s32 $0x9;
	_ =	strace $0x80000048  }
0xb3: {  	_ =	swait.ge [sflag:s29], $0x1  }
0xb4: {  	[sflag:s29] =	ssyncadd.s32 $0xFFFFFFFF  }
0xb5: {  	_ =	strace $0x90000048  }
0xb6: {  	_ =	sfence  }
0xb7: {  	s30 =	sld [smem:$0x0];
	_ =	sdelay $0x2  }
0xb8: {  	s31 =	sshll.u32 s1, $0xD;
	s1 =	sshrl.u32 s1, $0x2  }
0xb9: {  	s3 =	sand.u32 $0x4000, s31;
	s1 =	sadd.s32 s1, s30  }
0xba: {  	s0 =	sor.u32 s3, s0;
	s1 =	sshll.u32 s1, $0x11  }
0xbb: {  	s0 =	sor.u32 s1, s0  }
0xbc: {  	s0 =	sadd.s32 $0x8F2B, s0  }
0xbd: {  	[sflag:s0] =	ssyncadd.remote.s32 $0x1  }
0xbe: {  	_ =	sfence.sel $0xFFFF  }
0xbf: {  	[dreg:$0x0] =	wrdreg $0xFFFFFFFF;
	(pc) =	sbr.abs _section_cstart, $3  }
0xc0: {  	[dreg:$0x1] =	wrdreg $0xFFFFFFFF  }
0xc1: {  	_ =	task.clear_ibuf [dreg:s7], $0x2FFFF;
	_ =	strace $0x9FFFFFFF  }
0xc2: {  	(tm) =	ssettm $0x7FFFFFFF  }
0xc3: {  	_ =	shalt  }
tec
execute0_lowered:
.L_overlay_start_1:
0x0: {  	(tag) =	ssettag $0x1  }
0x1: {  	s0 =	srdreg.scid;
	s2 =	stileid.u32  }
0x2: {  	s1 =	rddreg [dreg:$0x0];
	s15 =	simm.s32 $0x3;
	s18 =	simm.s32 $0x30  }
0x3: {  	s16 =	simm.s32 $0x1D80;
	s17 =	simm.s32 $0x1E80;
	s12 =	simm.s32 $0x2280  }
0x4: {  	s13 =	simm.s32 $0x2380;
	s14 =	simm.s32 $0x2480;
	s23 =	simm.s32 $0x1  }
0x5: {  	s20 =	simm.s32 $0x2;
	s0 =	sand.u32 $0x1, s0;
	s3 =	sshll.u32 s2, $0x1  }
0x6: {  	s2 =	rddreg [dreg:$0x1];
	s5 =	sadd.s32 $0xE00, s1;
	s7 =	sor.u32 s0, s3  }
0x7: {  	s3 =	simm.s32 $0x0;
	s0 =	ssub.s32 $0x2, s0;
	s4 =	smul.u32 $0x660, s7  }
0x8: {  	[smem:$0x7FF] =	sst s3;
	s9 =	sshrl.u32 s0, $0x1;
	s25 =	smul.u32 $0x33000, s7  }
0x9: {  	s7 =	smul.u32 $0x2640, s7;
	_ =	strace $0x80000047;
	s0 =	ssub.s32 s0, s9  }
0xa: {  	s9 =	simm.s32 $0x2180;
	s6 =	sshrl.u32 s4, $0x3;
	s28 =	sadd.s32 $0x630, s4  }
0xb: {  	s7 =	sadd.s32 s2, s7;
	s0 =	smax.u32 s0, $0x1;
	s8 =	sadd.s32 s6, s1  }
0xc: {  	s6 =	sadd.s32 $0x9C00, s1;
	s29 =	smul.u32 $0x6, s28;
	[dreg:$0x9] =	wrdreg s0  }
0xd: {  	s1 =	sshrl.u32 s25, $0x3;
	[dreg:$0x6] =	wrdreg s7;
	s31 =	sadd.s32 $0x10, s7  }
0xe: {  	s30 =	sshll.u32 s28, $0x4;
	s26 =	sadd.s32 $0x4E00, s8;
	[dreg:$0xa] =	wrdreg s31  }
0xf: {  	s0 =	simm.s32 $0x1C80;
	s10 =	sadd.s32 $0x6780, s8;
	[dreg:$0x3] =	wrdreg s26  }
0x10: {  	s8 =	sadd.s32 $0x8100, s8;
	s1 =	sadd.s32 s6, s1;
	[dreg:$0x4] =	wrdreg s10  }
0x11: {  	s7 =	simm.s32 $0x1F80;
	[dreg:$0x5] =	wrdreg s8;
	s1 =	sadd.s32 $0x6000, s1  }
0x12: {  	s11 =	sadd.s32 s2, s29;
	[dreg:$0x7] =	wrdreg s1;
	s1 =	sadd.s32 s6, s30  }
0x13: {  	s8 =	simm.s32 $0x2080;
	s10 =	simm.s32 $0x0;
	[dreg:$0x8] =	wrdreg s1  }
.LBB2_1:
0x14: {  	[dreg:$0xb] =	wrdreg s10  }
0x15: {  	s1 =	rddreg [dreg:$0x3]  }
0x16: {  	[tilespmem:s3], [sflag:$0x3] =	stream.linear.gather [hbm4b:s1+s3], $0x660, $0x38;
	[tilespmem:$0xE580] =	vst v63  }
0x17: {  	_ =	swait.ge [sflag:s15], $0x660  }
0x18: {  	[sflag:s15] =	ssyncset.done $0x0  }
0x19: {  	s29 =	simm.s32 $0x660;
	s28 =	rddreg [dreg:$0x4];
	[sflag:s15] =	ssyncadd.s32 $0xFFFFF9A0  }
0x1a: {  	[tilespmem:s29], [sflag:$0x3] =	stream.linear.gather [hbm4b:s28+s3], $0x660, $0x38;
	[tilespmem:$0xE580] =	vst v63  }
0x1b: {  	_ =	swait.ge [sflag:s15], $0x660  }
0x1c: {  	[sflag:s15] =	ssyncset.done $0x0  }
0x1d: {  	s19 =	simm.s32 $0xCC0;
	s30 =	rddreg [dreg:$0x5];
	[sflag:s15] =	ssyncadd.s32 $0xFFFFF9A0  }
0x1e: {  	[tilespmem:s19], [sflag:$0x3] =	stream.linear.gather [hbm4b:s30+s3], $0x660, $0x38;
	[tilespmem:$0xE580] =	vst v63  }
0x1f: {  	_ =	swait.ge [sflag:s15], $0x660  }
0x20: {  	[sflag:s15] =	ssyncset.done $0x0  }
0x21: {  	s31 =	simm.s32 $0x2580;
	[sflag:s15] =	ssyncadd.s32 $0xFFFFF9A0  }
0x22: {  	[tilespmem:s31], [sflag:$0x1] =	stream.indirect.gather [hbm4b:s5+s18], $0x80, s3, s18, $0xb8;
	[tilespmem:$0xE580] =	vst v63  }
0x23: {  	s21 =	simm.s32 $0x3D80  }
0x24: {  	[tilespmem:s21], [sflag:$0x1] =	stream.indirect.gather [hbm4b:s5+s18], $0x80, s29, s18, $0xb8;
	[tilespmem:$0xE580] =	vst v63  }
0x25: {  	s22 =	simm.s32 $0x5580  }
0x26: {  	[tilespmem:s22], [sflag:$0x1] =	stream.indirect.gather [hbm4b:s5+s18], $0x80, s19, s18, $0xb8;
	[tilespmem:$0xE580] =	vst v63  }
0x27: {  	s24 =	simm.s32 $0x1380;
	s1 =	rddreg [dreg:$0x6]  }
0x28: {  	[tilespmem:s24], [sflag:$0x1] =	stream.linear.gather [hbm4b:s1+s3], $0x80, $0x38;
	[tilespmem:$0xE580] =	vst v63  }
0x29: {  	s26 =	simm.s32 $0x1480;
	s25 =	rddreg [dreg:$0xa]  }
0x2a: {  	[tilespmem:s26], [sflag:$0x1] =	stream.linear.gather [hbm4b:s25+s3], $0x80, $0x38;
	[tilespmem:$0xE580] =	vst v63  }
0x2b: {  	s28 =	sadd.s32 $0x20, s1;
	s29 =	simm.s32 $0x1580  }
0x2c: {  	[tilespmem:s29], [sflag:$0x1] =	stream.linear.gather [hbm4b:s28+s3], $0x80, $0x38;
	[tilespmem:$0xE580] =	vst v63  }
0x2d: {  	s30 =	sadd.s32 $0x30, s1;
	s31 =	simm.s32 $0x1680  }
0x2e: {  	[tilespmem:s31], [sflag:$0x1] =	stream.linear.gather [hbm4b:s30+s3], $0x80, $0x38;
	[tilespmem:$0xE580] =	vst v63  }
0x2f: {  	s21 =	simm.s32 $0x1780;
	s19 =	sadd.s32 $0x40, s1  }
0x30: {  	[tilespmem:s21], [sflag:$0x1] =	stream.linear.gather [hbm4b:s19+s3], $0x80, $0x38;
	[tilespmem:$0xE580] =	vst v63  }
0x31: {  	s22 =	sadd.s32 $0x50, s1;
	s24 =	simm.s32 $0x1880  }
0x32: {  	[tilespmem:s24], [sflag:$0x1] =	stream.linear.gather [hbm4b:s22+s3], $0x80, $0x38;
	[tilespmem:$0xE580] =	vst v63  }
0x33: {  	s25 =	sadd.s32 $0x60, s1;
	s26 =	simm.s32 $0x1980  }
0x34: {  	[tilespmem:s26], [sflag:$0x1] =	stream.linear.gather [hbm4b:s25+s3], $0x80, $0x38;
	[tilespmem:$0xE580] =	vst v63  }
0x35: {  	s28 =	sadd.s32 $0x70, s1;
	s29 =	simm.s32 $0x1A80  }
0x36: {  	[tilespmem:s29], [sflag:$0x1] =	stream.linear.gather [hbm4b:s28+s3], $0x80, $0x38;
	[tilespmem:$0xE580] =	vst v63  }
0x37: {  	s30 =	sadd.s32 $0x80, s1;
	s31 =	simm.s32 $0x1B80  }
0x38: {  	[tilespmem:s31], [sflag:$0x1] =	stream.linear.gather [hbm4b:s30+s3], $0x80, $0x38;
	[tilespmem:$0xE580] =	vst v63  }
0x39: {  	s21 =	sadd.s32 $0x90, s1  }
0x3a: {  	[tilespmem:s0], [sflag:$0x1] =	stream.linear.gather [hbm4b:s21+s3], $0x80, $0x38;
	[tilespmem:$0xE580] =	vst v63  }
0x3b: {  	s22 =	sadd.s32 $0xA0, s1  }
0x3c: {  	[tilespmem:s16], [sflag:$0x1] =	stream.linear.gather [hbm4b:s22+s3], $0x80, $0x38;
	[tilespmem:$0xE580] =	vst v63  }
0x3d: {  	s24 =	sadd.s32 $0xB0, s1  }
0x3e: {  	[tilespmem:s17], [sflag:$0x1] =	stream.linear.gather [hbm4b:s24+s3], $0x80, $0x38;
	[tilespmem:$0xE580] =	vst v63  }
0x3f: {  	s25 =	sadd.s32 $0xC0, s1  }
0x40: {  	[tilespmem:s7], [sflag:$0x1] =	stream.linear.gather [hbm4b:s25+s3], $0x80, $0x38;
	[tilespmem:$0xE580] =	vst v63  }
0x41: {  	s26 =	sadd.s32 $0xD0, s1  }
0x42: {  	[tilespmem:s8], [sflag:$0x1] =	stream.linear.gather [hbm4b:s26+s3], $0x80, $0x38;
	[tilespmem:$0xE580] =	vst v63  }
0x43: {  	s28 =	sadd.s32 $0xE0, s1  }
0x44: {  	[tilespmem:s9], [sflag:$0x1] =	stream.linear.gather [hbm4b:s28+s3], $0x80, $0x38;
	[tilespmem:$0xE580] =	vst v63  }
0x45: {  	s29 =	sadd.s32 $0xF0, s1  }
0x46: {  	[tilespmem:s12], [sflag:$0x1] =	stream.linear.gather [hbm4b:s29+s3], $0x80, $0x38;
	[tilespmem:$0xE580] =	vst v63  }
0x47: {  	s30 =	sadd.s32 $0x100, s1  }
0x48: {  	[tilespmem:s13], [sflag:$0x1] =	stream.linear.gather [hbm4b:s30+s3], $0x80, $0x38;
	[tilespmem:$0xE580] =	vst v63  }
0x49: {  	s31 =	sadd.s32 $0x110, s1;
	s21 =	simm.s32 $0x0  }
0x4a: {  	[tilespmem:s14], [sflag:$0x1] =	stream.linear.gather [hbm4b:s31+s3], $0x80, $0x38;
	[tilespmem:$0xE580] =	vst v63  }
.LBB2_2:
0x4b: {  	s19 =	smul.u32 $0x60, s21;
	_ =	sdelay $0x1  }
0x4c: {  	s1 =	simm.s32 $0x6D80;
	s10 =	sadd.s32 $0x30, s19  }
0x4d: {  	[tilespmem:s1], [sflag:$0x2] =	stream.indirect.gather [hbm4b:s5+s18], $0x80, s10, s18, $0xb8;
	[tilespmem:$0xE580] =	vst v63  }
0x4e: {  	s25 =	simm.s32 $0x8580;
	s22 =	sadd.s32 $0x690, s19  }
0x4f: {  	[tilespmem:s25], [sflag:$0x2] =	stream.indirect.gather [hbm4b:s5+s18], $0x80, s22, s18, $0xb8;
	[tilespmem:$0xE580] =	vst v63  }
0x50: {  	s22 =	sadd.s32 s4, s10  }
0x51: {  	s29 =	simm.s32 $0x9D80;
	s26 =	sadd.s32 $0xCF0, s19;
	s24 =	smul.u32 $0x6, s22  }
0x52: {  	[tilespmem:s29], [sflag:$0x2] =	stream.indirect.gather [hbm4b:s5+s18], $0x80, s26, s18, $0xb8;
	[tilespmem:$0xE580] =	vst v63  }
0x53: {  	s30 =	simm.s32 $0x1400;
	s10 =	sadd.s32 s2, s24;
	s24 =	simm.s32 $0x0  }
0x54: {  	[tilespmem:s30], [sflag:$0x2] =	stream.linear.gather [hbm4b:s10+s24], $0x80, $0x38;
	[tilespmem:$0xE580] =	vst v63  }
0x55: {  	s31 =	simm.s32 $0x1500;
	s25 =	sadd.s32 $0x10, s10  }
0x56: {  	[tilespmem:s31], [sflag:$0x2] =	stream.linear.gather [hbm4b:s25+s24], $0x80, $0x38;
	[tilespmem:$0xE580] =	vst v63  }
0x57: {  	s29 =	simm.s32 $0x1600;
	s26 =	sadd.s32 $0x20, s10  }
0x58: {  	[tilespmem:s29], [sflag:$0x2] =	stream.linear.gather [hbm4b:s26+s24], $0x80, $0x38;
	[tilespmem:$0xE580] =	vst v63  }
0x59: {  	s30 =	sadd.s32 $0x30, s10;
	s31 =	simm.s32 $0x1700  }
0x5a: {  	[tilespmem:s31], [sflag:$0x2] =	stream.linear.gather [hbm4b:s30+s24], $0x80, $0x38;
	[tilespmem:$0xE580] =	vst v63  }
0x5b: {  	s26 =	sadd.s32 $0x40, s10;
	s29 =	simm.s32 $0x1800  }
0x5c: {  	[tilespmem:s29], [sflag:$0x2] =	stream.linear.gather [hbm4b:s26+s24], $0x80, $0x38;
	[tilespmem:$0xE580] =	vst v63  }
0x5d: {  	s30 =	sadd.s32 $0x50, s10;
	s31 =	simm.s32 $0x1900  }
0x5e: {  	[tilespmem:s31], [sflag:$0x2] =	stream.linear.gather [hbm4b:s30+s24], $0x80, $0x38;
	[tilespmem:$0xE580] =	vst v63  }
0x5f: {  	s26 =	sadd.s32 $0x60, s10;
	s29 =	simm.s32 $0x1A00  }
0x60: {  	[tilespmem:s29], [sflag:$0x2] =	stream.linear.gather [hbm4b:s26+s24], $0x80, $0x38;
	[tilespmem:$0xE580] =	vst v63  }
0x61: {  	s30 =	sadd.s32 $0x70, s10;
	s31 =	simm.s32 $0x1B00  }
0x62: {  	[tilespmem:s31], [sflag:$0x2] =	stream.linear.gather [hbm4b:s30+s24], $0x80, $0x38;
	[tilespmem:$0xE580] =	vst v63  }
0x63: {  	s26 =	sadd.s32 $0x80, s10;
	s29 =	simm.s32 $0x1C00  }
0x64: {  	[tilespmem:s29], [sflag:$0x2] =	stream.linear.gather [hbm4b:s26+s24], $0x80, $0x38;
	[tilespmem:$0xE580] =	vst v63  }
0x65: {  	s30 =	sadd.s32 $0x90, s10;
	s31 =	simm.s32 $0x1D00  }
0x66: {  	[tilespmem:s31], [sflag:$0x2] =	stream.linear.gather [hbm4b:s30+s24], $0x80, $0x38;
	[tilespmem:$0xE580] =	vst v63  }
0x67: {  	s26 =	sadd.s32 $0xA0, s10;
	s29 =	simm.s32 $0x1E00  }
0x68: {  	[tilespmem:s29], [sflag:$0x2] =	stream.linear.gather [hbm4b:s26+s24], $0x80, $0x38;
	[tilespmem:$0xE580] =	vst v63  }
0x69: {  	s30 =	sadd.s32 $0xB0, s10;
	s31 =	simm.s32 $0x1F00  }
0x6a: {  	[tilespmem:s31], [sflag:$0x2] =	stream.linear.gather [hbm4b:s30+s24], $0x80, $0x38;
	[tilespmem:$0xE580] =	vst v63  }
0x6b: {  	s26 =	sadd.s32 $0xC0, s10;
	s29 =	simm.s32 $0x2000  }
0x6c: {  	[tilespmem:s29], [sflag:$0x2] =	stream.linear.gather [hbm4b:s26+s24], $0x80, $0x38;
	[tilespmem:$0xE580] =	vst v63  }
0x6d: {  	s30 =	sadd.s32 $0xD0, s10;
	s31 =	simm.s32 $0x2100  }
0x6e: {  	[tilespmem:s31], [sflag:$0x2] =	stream.linear.gather [hbm4b:s30+s24], $0x80, $0x38;
	[tilespmem:$0xE580] =	vst v63  }
0x6f: {  	s26 =	sadd.s32 $0xE0, s10;
	s29 =	simm.s32 $0x2200  }
0x70: {  	[tilespmem:s29], [sflag:$0x2] =	stream.linear.gather [hbm4b:s26+s24], $0x80, $0x38;
	[tilespmem:$0xE580] =	vst v63  }
0x71: {  	s30 =	sadd.s32 $0xF0, s10;
	s31 =	simm.s32 $0x2300  }
0x72: {  	[tilespmem:s31], [sflag:$0x2] =	stream.linear.gather [hbm4b:s30+s24], $0x80, $0x38;
	[tilespmem:$0xE580] =	vst v63  }
0x73: {  	s26 =	sadd.s32 $0x100, s10;
	s29 =	simm.s32 $0x2400  }
0x74: {  	[tilespmem:s29], [sflag:$0x2] =	stream.linear.gather [hbm4b:s26+s24], $0x80, $0x38;
	[tilespmem:$0xE580] =	vst v63  }
0x75: {  	s10 =	sadd.s32 $0x110, s10;
	s30 =	simm.s32 $0x2500  }
0x76: {  	[tilespmem:s30], [sflag:$0x2] =	stream.linear.gather [hbm4b:s10+s24], $0x80, $0x38;
	[tilespmem:$0xE580] =	vst v63  }
0x77: {  	_ =	swait.ge [sflag:s23], $0x1800  }
0x78: {  	[sflag:s23] =	ssyncset.done $0x0  }
0x79: {  	[sflag:s23] =	ssyncadd.s32 $0xFFFFE800  }
0x7a: {  	_ =	swait.ge [sflag:s23], $0x1800  }
0x7b: {  	[sflag:s23] =	ssyncset.done $0x0  }
0x7c: {  	[sflag:s23] =	ssyncadd.s32 $0xFFFFE800  }
0x7d: {  	_ =	swait.ge [sflag:s23], $0x1800  }
0x7e: {  	[sflag:s23] =	ssyncset.done $0x0  }
0x7f: {  	[sflag:s23] =	ssyncadd.s32 $0xFFFFE800  }
0x80: {  	_ =	swait.ge [sflag:s23], $0x900  }
0x81: {  	s1 =	sand.u32 $0x1F00, s24;
	s31 =	sand.u32 $0x70, s24;
	[sflag:s23] =	ssyncset.done $0x0  }
0x82: {  	s25 =	sor.u32 s31, s1;
	[sflag:s23] =	ssyncadd.s32 $0xFFFFF700  }
0x83: {  	s28 =	simm.s32 $0x20;
	s26 =	simm.s32 $0x10;
	s10 =	simm.s32 $0x3DC0;
	v0 =	vld [tilespmem:s25+$0x1380]  }
0x84: {  	s29 =	sand.u32 $0x3F00, s28;
	s26 =	sand.u32 $0x70, s26;
	v3 =	vld [tilespmem:s10+$0xFFFFE7C0]  }
0x85: {  	s31 =	simm.s32 $0x40;
	s30 =	simm.s32 $0x20;
	s25 =	sor.u32 s26, s29;
	v4 =	vld [tilespmem:s10+$0xFFFFFFC0]  }
0x86: {  	s26 =	sand.u32 $0x3F00, s31;
	v1 =	vld [tilespmem:s25+$0x1380];
	s25 =	sand.u32 $0x70, s30  }
0x87: {  	v5 =	vld [tilespmem:s10+$0x17C0];
	s25 =	sor.u32 s25, s26  }
0x88: {  	v2 =	vld [tilespmem:s25+$0x1380];
	_ =	sdelay $0x2  }
0x89: {  	v3 =	vmul.f32 v3, v0;
	v4 =	vmul.f32 v4, v1;
	_ =	sdelay $0x1  }
0x8a: {  	v3 =	vadd.f32 v4, v3;
	v4 =	vmul.f32 v5, v2;
	_ =	sdelay $0x1  }
0x8b: {  	v3 =	vadd.f32 v4, v3  }
0x8c: {  	s25 =	simm.s32 $0xB5C0  }
0x8d: {  	[tilespmem:s25+$0xFFFFFFC0] =	vst v3  }
0x8e: {  	v3 =	vld [tilespmem:s10+$0xFFFFE7D0]  }
0x8f: {  	v4 =	vld [tilespmem:s10+$0xFFFFFFD0];
	_ =	sdelay $0x1  }
0x90: {  	v5 =	vld [tilespmem:s10+$0x17D0];
	_ =	sdelay $0x2  }
0x91: {  	v3 =	vmul.f32 v3, v0;
	v4 =	vmul.f32 v4, v1;
	_ =	sdelay $0x1  }
0x92: {  	v3 =	vadd.f32 v4, v3;
	v4 =	vmul.f32 v5, v2;
	_ =	sdelay $0x1  }
0x93: {  	v3 =	vadd.f32 v4, v3;
	_ =	sdelay $0x1  }
0x94: {  	[tilespmem:s25+$0xFFFFFFD0] =	vst v3  }
0x95: {  	v3 =	vld [tilespmem:s10+$0xFFFFE7E0]  }
0x96: {  	v4 =	vld [tilespmem:s10+$0xFFFFFFE0];
	_ =	sdelay $0x1  }
0x97: {  	v5 =	vld [tilespmem:s10+$0x17E0];
	_ =	sdelay $0x2  }
0x98: {  	v3 =	vmul.f32 v3, v0;
	v4 =	vmul.f32 v4, v1;
	_ =	sdelay $0x1  }
0x99: {  	v3 =	vadd.f32 v4, v3;
	v4 =	vmul.f32 v5, v2;
	_ =	sdelay $0x1  }
0x9a: {  	v3 =	vadd.f32 v4, v3;
	_ =	sdelay $0x1  }
0x9b: {  	[tilespmem:s25+$0xFFFFFFE0] =	vst v3  }
0x9c: {  	v3 =	vld [tilespmem:s10+$0xFFFFE7F0]  }
0x9d: {  	v4 =	vld [tilespmem:s10+$0xFFFFFFF0];
	_ =	sdelay $0x1  }
0x9e: {  	v5 =	vld [tilespmem:s10+$0x17F0];
	_ =	sdelay $0x2  }
0x9f: {  	v3 =	vmul.f32 v3, v0;
	v4 =	vmul.f32 v4, v1;
	_ =	sdelay $0x1  }
0xa0: {  	v3 =	vadd.f32 v4, v3;
	v4 =	vmul.f32 v5, v2;
	_ =	sdelay $0x1  }
0xa1: {  	v3 =	vadd.f32 v4, v3;
	_ =	sdelay $0x1  }
0xa2: {  	[tilespmem:s25+$0xFFFFFFF0] =	vst v3  }
0xa3: {  	v3 =	vld [tilespmem:s10+$0xFFFFE800]  }
0xa4: {  	v4 =	vld [tilespmem:s10+$0x0];
	_ =	sdelay $0x1  }
0xa5: {  	v5 =	vld [tilespmem:s10+$0x1800];
	_ =	sdelay $0x2  }
0xa6: {  	v3 =	vmul.f32 v3, v0;
	v4 =	vmul.f32 v4, v1;
	_ =	sdelay $0x1  }
0xa7: {  	v3 =	vadd.f32 v4, v3;
	v4 =	vmul.f32 v5, v2;
	_ =	sdelay $0x1  }
0xa8: {  	v3 =	vadd.f32 v4, v3;
	_ =	sdelay $0x1  }
0xa9: {  	[tilespmem:s25+$0x0] =	vst v3  }
0xaa: {  	v3 =	vld [tilespmem:s10+$0xFFFFE810]  }
0xab: {  	v4 =	vld [tilespmem:s10+$0x10];
	_ =	sdelay $0x1  }
0xac: {  	v5 =	vld [tilespmem:s10+$0x1810];
	_ =	sdelay $0x2  }
0xad: {  	v3 =	vmul.f32 v3, v0;
	v4 =	vmul.f32 v4, v1;
	_ =	sdelay $0x1  }
0xae: {  	v3 =	vadd.f32 v4, v3;
	v4 =	vmul.f32 v5, v2;
	_ =	sdelay $0x1  }
0xaf: {  	v3 =	vadd.f32 v4, v3;
	_ =	sdelay $0x1  }
0xb0: {  	[tilespmem:s25+$0x10] =	vst v3  }
0xb1: {  	v3 =	vld [tilespmem:s10+$0xFFFFE820]  }
0xb2: {  	v4 =	vld [tilespmem:s10+$0x20];
	_ =	sdelay $0x1  }
0xb3: {  	v5 =	vld [tilespmem:s10+$0x1820];
	_ =	sdelay $0x2  }
0xb4: {  	v3 =	vmul.f32 v3, v0;
	v4 =	vmul.f32 v4, v1;
	_ =	sdelay $0x1  }
0xb5: {  	v3 =	vadd.f32 v4, v3;
	v4 =	vmul.f32 v5, v2;
	_ =	sdelay $0x1  }
0xb6: {  	v3 =	vadd.f32 v4, v3;
	_ =	sdelay $0x1  }
0xb7: {  	[tilespmem:s25+$0x20] =	vst v3  }
0xb8: {  	v5 =	vld [tilespmem:s10+$0xFFFFE830]  }
0xb9: {  	v4 =	vld [tilespmem:s10+$0x30]  }
0xba: {  	s28 =	simm.s32 $0x60;
	s26 =	simm.s32 $0xB5C0;
	v3 =	vld [tilespmem:s10+$0x1830]  }
.LBB2_3:
0xbb: {  	_ = 	snop  }
0xbc: {  	s24 =	sadd.s32 $0x30, s24;
	s10 =	sadd.s32 $0x80, s10;
	s25 =	sadd.s32 $0x80, s25  }
0xbd: {  	p0 =	sne.s32 s28, $0x11A0;
	s29 =	smov.u32 s28;
	s28 =	sadd.s32 $0x60, s28;
	v0 =	vmul.f32 v5, v0  }
0xbe: {  	v1 =	vmul.f32 v4, v1;
	_ =	sdelay $0x1  }
0xbf: {  	v0 =	vadd.f32 v1, v0;
	v1 =	vmul.f32 v3, v2;
	_ =	sdelay $0x1  }
0xc0: {  	v0 =	vadd.f32 v1, v0  }
0xc1: {  	s30 =	sand.u32 $0x70, s24;
	s31 =	sand.u32 $0x1F00, s29  }
0xc2: {  	s1 =	sadd.s32 $0x20, s29;
	s30 =	sor.u32 s30, s31;
	s31 =	sadd.s32 $0x10, s24;
	[tilespmem:s26+$0x30] =	vst v0  }
0xc3: {  	s1 =	sand.u32 $0x3F00, s1;
	s26 =	smov.u32 s25;
	v0 =	vld [tilespmem:s30+$0x1380];
	s30 =	sand.u32 $0x70, s31  }
0xc4: {  	s1 =	sor.u32 s30, s1;
	v3 =	vld [tilespmem:s10+$0xFFFFE7C0]  }
0xc5: {  	s29 =	sadd.s32 $0x40, s29;
	v1 =	vld [tilespmem:s1+$0x1380];
	s1 =	sadd.s32 $0x20, s24  }
0xc6: {  	s29 =	sand.u32 $0x3F00, s29;
	s1 =	sand.u32 $0x70, s1;
	v4 =	vld [tilespmem:s10+$0xFFFFFFC0]  }
0xc7: {  	s1 =	sor.u32 s1, s29;
	v5 =	vld [tilespmem:s10+$0x17C0]  }
0xc8: {  	v2 =	vld [tilespmem:s1+$0x1380]  }
0xc9: {  	v3 =	vmul.f32 v3, v0;
	_ =	sdelay $0x1  }
0xca: {  	v4 =	vmul.f32 v4, v1;
	_ =	sdelay $0x1  }
0xcb: {  	v3 =	vadd.f32 v4, v3;
	v4 =	vmul.f32 v5, v2;
	_ =	sdelay $0x1  }
0xcc: {  	v3 =	vadd.f32 v4, v3;
	_ =	sdelay $0x1  }
0xcd: {  	[tilespmem:s25+$0xFFFFFFC0] =	vst v3  }
0xce: {  	v3 =	vld [tilespmem:s10+$0xFFFFE7D0]  }
0xcf: {  	v4 =	vld [tilespmem:s10+$0xFFFFFFD0];
	_ =	sdelay $0x1  }
0xd0: {  	v5 =	vld [tilespmem:s10+$0x17D0];
	_ =	sdelay $0x1  }
0xd1: {  	v3 =	vmul.f32 v3, v0  }
0xd2: {  	v4 =	vmul.f32 v4, v1;
	_ =	sdelay $0x1  }
0xd3: {  	v3 =	vadd.f32 v4, v3;
	v4 =	vmul.f32 v5, v2;
	_ =	sdelay $0x1  }
0xd4: {  	v3 =	vadd.f32 v4, v3;
	_ =	sdelay $0x1  }
0xd5: {  	[tilespmem:s25+$0xFFFFFFD0] =	vst v3  }
0xd6: {  	v3 =	vld [tilespmem:s10+$0xFFFFE7E0]  }
0xd7: {  	v4 =	vld [tilespmem:s10+$0xFFFFFFE0];
	_ =	sdelay $0x1  }
0xd8: {  	v5 =	vld [tilespmem:s10+$0x17E0];
	_ =	sdelay $0x1  }
0xd9: {  	v3 =	vmul.f32 v3, v0  }
0xda: {  	v4 =	vmul.f32 v4, v1;
	_ =	sdelay $0x1  }
0xdb: {  	v3 =	vadd.f32 v4, v3;
	v4 =	vmul.f32 v5, v2;
	_ =	sdelay $0x1  }
0xdc: {  	v3 =	vadd.f32 v4, v3;
	_ =	sdelay $0x1  }
0xdd: {  	[tilespmem:s25+$0xFFFFFFE0] =	vst v3  }
0xde: {  	v3 =	vld [tilespmem:s10+$0xFFFFE7F0]  }
0xdf: {  	v4 =	vld [tilespmem:s10+$0xFFFFFFF0]  }
0xe0: {  	v5 =	vld [tilespmem:s10+$0x17F0];
	_ =	sdelay $0x2  }
0xe1: {  	v3 =	vmul.f32 v3, v0  }
0xe2: {  	v4 =	vmul.f32 v4, v1;
	_ =	sdelay $0x1  }
0xe3: {  	v3 =	vadd.f32 v4, v3;
	v4 =	vmul.f32 v5, v2;
	_ =	sdelay $0x1  }
0xe4: {  	v3 =	vadd.f32 v4, v3;
	_ =	sdelay $0x1  }
0xe5: {  	[tilespmem:s25+$0xFFFFFFF0] =	vst v3  }
0xe6: {  	v3 =	vld [tilespmem:s10+$0xFFFFE800]  }
0xe7: {  	v4 =	vld [tilespmem:s10+$0x0];
	_ =	sdelay $0x1  }
0xe8: {  	v5 =	vld [tilespmem:s10+$0x1800];
	_ =	sdelay $0x1  }
0xe9: {  	v3 =	vmul.f32 v3, v0  }
0xea: {  	v4 =	vmul.f32 v4, v1;
	_ =	sdelay $0x1  }
0xeb: {  	v3 =	vadd.f32 v4, v3;
	v4 =	vmul.f32 v5, v2;
	_ =	sdelay $0x1  }
0xec: {  	v3 =	vadd.f32 v4, v3;
	_ =	sdelay $0x1  }
0xed: {  	[tilespmem:s25+$0x0] =	vst v3  }
0xee: {  	v3 =	vld [tilespmem:s10+$0xFFFFE810]  }
0xef: {  	v4 =	vld [tilespmem:s10+$0x10]  }
0xf0: {  	v5 =	vld [tilespmem:s10+$0x1810];
	_ =	sdelay $0x2  }
0xf1: {  	v3 =	vmul.f32 v3, v0  }
0xf2: {  	v4 =	vmul.f32 v4, v1;
	_ =	sdelay $0x1  }
0xf3: {  	v3 =	vadd.f32 v4, v3;
	v4 =	vmul.f32 v5, v2;
	_ =	sdelay $0x1  }
0xf4: {  	v3 =	vadd.f32 v4, v3;
	_ =	sdelay $0x1  }
0xf5: {  	[tilespmem:s25+$0x10] =	vst v3  }
0xf6: {  	v3 =	vld [tilespmem:s10+$0xFFFFE820]  }
0xf7: {  	v4 =	vld [tilespmem:s10+$0x20]  }
0xf8: {  	v5 =	vld [tilespmem:s10+$0x1820];
	_ =	sdelay $0x2  }
0xf9: {  	v3 =	vmul.f32 v3, v0  }
0xfa: {  	v4 =	vmul.f32 v4, v1;
	_ =	sdelay $0x1  }
0xfb: {  	v3 =	vadd.f32 v4, v3;
	v4 =	vmul.f32 v5, v2;
	_ =	sdelay $0x1  }
0xfc: {  	v3 =	vadd.f32 v4, v3  }
.Ltmp0:
0xfd: {  	(pc) =	sbr.rel @p0 .LBB2_3-.Ltmp0, $4  }
0xfe: {  	[tilespmem:s25+$0x20] =	vst v3  }
0xff: {  	v5 =	vld [tilespmem:s10+$0xFFFFE830]  }
0x100: {  	v4 =	vld [tilespmem:s10+$0x30]  }
0x101: {  	v3 =	vld [tilespmem:s10+$0x1830]  }
0x102: {  	_ =	sdelay $0x2  }
0x103: {  	v0 =	vmul.f32 v5, v0;
	v1 =	vmul.f32 v4, v1;
	_ =	sdelay $0x1  }
0x104: {  	v0 =	vadd.f32 v1, v0;
	v1 =	vmul.f32 v3, v2;
	_ =	sdelay $0x1  }
0x105: {  	s1 =	sadd.s32 s4, s19;
	v0 =	vadd.f32 v1, v0  }
0x106: {  	s1 =	sshll.u32 s1, $0x4  }
0x107: {  	s10 =	simm.s32 $0x0;
	s24 =	simm.s32 $0xB580;
	s1 =	sadd.s32 s6, s1;
	[tilespmem:s26+$0x30] =	vst v0  }
0x108: {  	[hbm4b:s1+s10] =	stream.linear.scatter [tilespmem:s24], [sflag:$0x3], $0x1800, $0x38;
	[tilespmem:$0xE580] =	vst v63  }
0x109: {  	_ =	swait.ge [sflag:s15], $0x1800  }
0x10a: {  	[sflag:s15] =	ssyncset.done $0x0  }
0x10b: {  	s31 =	sadd.s32 $0x60, s19;
	s25 =	simm.s32 $0x2580;
	[sflag:s15] =	ssyncadd.s32 $0xFFFFE800  }
0x10c: {  	[tilespmem:s25], [sflag:$0x1] =	stream.indirect.gather [hbm4b:s5+s18], $0x80, s31, s18, $0xb8;
	[tilespmem:$0xE580] =	vst v63  }
0x10d: {  	s26 =	sadd.s32 $0x6C0, s19;
	s1 =	sadd.s32 s4, s31;
	s25 =	simm.s32 $0x3D80  }
0x10e: {  	[tilespmem:s25], [sflag:$0x1] =	stream.indirect.gather [hbm4b:s5+s18], $0x80, s26, s18, $0xb8;
	[tilespmem:$0xE580] =	vst v63  }
0x10f: {  	s30 =	sadd.s32 $0xD20, s19;
	s1 =	smul.u32 $0x6, s1;
	s31 =	simm.s32 $0x5580  }
0x110: {  	[tilespmem:s31], [sflag:$0x1] =	stream.indirect.gather [hbm4b:s5+s18], $0x80, s30, s18, $0xb8;
	[tilespmem:$0xE580] =	vst v63  }
0x111: {  	s24 =	simm.s32 $0x1380;
	s1 =	sadd.s32 s2, s1  }
0x112: {  	[tilespmem:s24], [sflag:$0x1] =	stream.linear.gather [hbm4b:s1+s10], $0x80, $0x38;
	[tilespmem:$0xE580] =	vst v63  }
0x113: {  	s25 =	sadd.s32 $0x10, s1;
	s26 =	simm.s32 $0x1480  }
0x114: {  	[tilespmem:s26], [sflag:$0x1] =	stream.linear.gather [hbm4b:s25+s10], $0x80, $0x38;
	[tilespmem:$0xE580] =	vst v63  }
0x115: {  	s30 =	sadd.s32 $0x20, s1;
	s31 =	simm.s32 $0x1580  }
0x116: {  	[tilespmem:s31], [sflag:$0x1] =	stream.linear.gather [hbm4b:s30+s10], $0x80, $0x38;
	[tilespmem:$0xE580] =	vst v63  }
0x117: {  	s25 =	sadd.s32 $0x30, s1;
	s26 =	simm.s32 $0x1680  }
0x118: {  	[tilespmem:s26], [sflag:$0x1] =	stream.linear.gather [hbm4b:s25+s10], $0x80, $0x38;
	[tilespmem:$0xE580] =	vst v63  }
0x119: {  	s30 =	sadd.s32 $0x40, s1;
	s31 =	simm.s32 $0x1780  }
0x11a: {  	[tilespmem:s31], [sflag:$0x1] =	stream.linear.gather [hbm4b:s30+s10], $0x80, $0x38;
	[tilespmem:$0xE580] =	vst v63  }
0x11b: {  	s25 =	sadd.s32 $0x50, s1;
	s26 =	simm.s32 $0x1880  }
0x11c: {  	[tilespmem:s26], [sflag:$0x1] =	stream.linear.gather [hbm4b:s25+s10], $0x80, $0x38;
	[tilespmem:$0xE580] =	vst v63  }
0x11d: {  	s30 =	sadd.s32 $0x60, s1;
	s31 =	simm.s32 $0x1980  }
0x11e: {  	[tilespmem:s31], [sflag:$0x1] =	stream.linear.gather [hbm4b:s30+s10], $0x80, $0x38;
	[tilespmem:$0xE580] =	vst v63  }
0x11f: {  	s25 =	sadd.s32 $0x70, s1;
	s26 =	simm.s32 $0x1A80  }
0x120: {  	[tilespmem:s26], [sflag:$0x1] =	stream.linear.gather [hbm4b:s25+s10], $0x80, $0x38;
	[tilespmem:$0xE580] =	vst v63  }
0x121: {  	s30 =	sadd.s32 $0x80, s1;
	s31 =	simm.s32 $0x1B80  }
0x122: {  	[tilespmem:s31], [sflag:$0x1] =	stream.linear.gather [hbm4b:s30+s10], $0x80, $0x38;
	[tilespmem:$0xE580] =	vst v63  }
0x123: {  	s24 =	sadd.s32 $0x90, s1  }
0x124: {  	[tilespmem:s0], [sflag:$0x1] =	stream.linear.gather [hbm4b:s24+s10], $0x80, $0x38;
	[tilespmem:$0xE580] =	vst v63  }
0x125: {  	s25 =	sadd.s32 $0xA0, s1  }
0x126: {  	[tilespmem:s16], [sflag:$0x1] =	stream.linear.gather [hbm4b:s25+s10], $0x80, $0x38;
	[tilespmem:$0xE580] =	vst v63  }
0x127: {  	s26 =	sadd.s32 $0xB0, s1  }
0x128: {  	[tilespmem:s17], [sflag:$0x1] =	stream.linear.gather [hbm4b:s26+s10], $0x80, $0x38;
	[tilespmem:$0xE580] =	vst v63  }
0x129: {  	s30 =	sadd.s32 $0xC0, s1  }
0x12a: {  	[tilespmem:s7], [sflag:$0x1] =	stream.linear.gather [hbm4b:s30+s10], $0x80, $0x38;
	[tilespmem:$0xE580] =	vst v63  }
0x12b: {  	s31 =	sadd.s32 $0xD0, s1  }
0x12c: {  	[tilespmem:s8], [sflag:$0x1] =	stream.linear.gather [hbm4b:s31+s10], $0x80, $0x38;
	[tilespmem:$0xE580] =	vst v63  }
0x12d: {  	s24 =	sadd.s32 $0xE0, s1  }
0x12e: {  	[tilespmem:s9], [sflag:$0x1] =	stream.linear.gather [hbm4b:s24+s10], $0x80, $0x38;
	[tilespmem:$0xE580] =	vst v63  }
0x12f: {  	s25 =	sadd.s32 $0xF0, s1  }
0x130: {  	[tilespmem:s12], [sflag:$0x1] =	stream.linear.gather [hbm4b:s25+s10], $0x80, $0x38;
	[tilespmem:$0xE580] =	vst v63  }
0x131: {  	s26 =	sadd.s32 $0x100, s1  }
0x132: {  	[tilespmem:s13], [sflag:$0x1] =	stream.linear.gather [hbm4b:s26+s10], $0x80, $0x38;
	[tilespmem:$0xE580] =	vst v63  }
0x133: {  	s1 =	sadd.s32 $0x110, s1  }
0x134: {  	[tilespmem:s14], [sflag:$0x1] =	stream.linear.gather [hbm4b:s1+s10], $0x80, $0x38;
	[tilespmem:$0xE580] =	vst v63  }
0x135: {  	_ =	swait.ge [sflag:s20], $0x1800  }
0x136: {  	[sflag:s20] =	ssyncset.done $0x0  }
0x137: {  	[sflag:s20] =	ssyncadd.s32 $0xFFFFE800  }
0x138: {  	_ =	swait.ge [sflag:s20], $0x1800  }
0x139: {  	[sflag:s20] =	ssyncset.done $0x0  }
0x13a: {  	[sflag:s20] =	ssyncadd.s32 $0xFFFFE800  }
0x13b: {  	_ =	swait.ge [sflag:s20], $0x1800  }
0x13c: {  	[sflag:s20] =	ssyncset.done $0x0  }
0x13d: {  	[sflag:s20] =	ssyncadd.s32 $0xFFFFE800  }
0x13e: {  	_ =	swait.ge [sflag:s20], $0x900  }
0x13f: {  	[sflag:s20] =	ssyncset.done $0x0  }
0x140: {  	s19 =	simm.s32 $0x0;
	[sflag:s20] =	ssyncadd.s32 $0xFFFFF700  }
0x141: {  	v1 =	vld [tilespmem:s19+$0x9D90]  }
0x142: {  	v0 =	vld [tilespmem:s19+$0x9DA0]  }
0x143: {  	v2 =	vld [tilespmem:s19+$0x9DB0]  }
0x144: {  	v3 =	vld [tilespmem:s19+$0x9DC0]  }
0x145: {  	v5 =	vld [tilespmem:s19+$0x9DD0]  }
0x146: {  	v4 =	vld [tilespmem:s19+$0x9DE0]  }
0x147: {  	v6 =	vld [tilespmem:s19+$0x9DF0]  }
0x148: {  	v8 =	vld [tilespmem:s19+$0x6DD0]  }
0x149: {  	s28 =	simm.s32 $0x10;
	v7 =	vld [tilespmem:s19+$0x85D0]  }
0x14a: {  	s29 =	simm.s32 $0x20;
	s30 =	sand.u32 $0x70, s10;
	s31 =	sand.u32 $0x1F00, s10;
	v9 =	vld [tilespmem:s19+$0x6DE0]  }
0x14b: {  	s24 =	simm.s32 $0x0;
	s25 =	simm.s32 $0x200;
	s26 =	sor.u32 s30, s31;
	v10 =	vld [tilespmem:s19+$0x6DF0]  }
.LBB2_5:
0x14c: {  	p0 =	sne.s32 s25, $0x5E00;
	s1 =	sand.u32 $0x70, s28;
	s28 =	sand.u32 $0x3F00, s29;
	v11 =	vld [tilespmem:s19+$0x85F0]  }
0x14d: {  	v12 =	vld [tilespmem:s26+$0x1400];
	s1 =	sor.u32 s1, s28;
	s26 =	sadd.s32 $0x20, s10;
	s28 =	sadd.s32 $0x40, s24  }
0x14e: {  	v13 =	vld [tilespmem:s1+$0x1400];
	s1 =	sand.u32 $0x70, s26;
	s28 =	sand.u32 $0x3F00, s28;
	s26 =	smov.u32 s19  }
0x14f: {  	s1 =	sor.u32 s1, s28;
	v14 =	vld [tilespmem:s26+$0x85E0]  }
0x150: {  	v15 =	vld [tilespmem:s1+$0x1400]  }
0x151: {  	v16 =	vld [tilespmem:s26+$0x6DC0]  }
0x152: {  	v17 =	vld [tilespmem:s26+$0x85C0];
	v8 =	vmul.f32 v8, v12;
	v9 =	vmul.f32 v9, v12  }
0x153: {  	v10 =	vmul.f32 v10, v12;
	v18 =	vld [tilespmem:s26+$0x6DB0];
	v11 =	vmul.f32 v11, v13  }
0x154: {  	v7 =	vmul.f32 v7, v13;
	v19 =	vld [tilespmem:s26+$0x85B0];
	v14 =	vmul.f32 v14, v13  }
0x155: {  	v20 =	vld [tilespmem:s26+$0x85A0];
	v5 =	vmul.f32 v5, v15;
	v10 =	vadd.f32 v11, v10;
	v6 =	vmul.f32 v6, v15  }
0x156: {  	v7 =	vadd.f32 v7, v8;
	v4 =	vmul.f32 v4, v15;
	v11 =	vld [tilespmem:s26+$0x6DA0];
	v8 =	vadd.f32 v14, v9  }
0x157: {  	v14 =	vmul.f32 v16, v12;
	v9 =	vld [tilespmem:s26+$0x8590];
	v16 =	vmul.f32 v17, v13;
	v6 =	vadd.f32 v6, v10  }
0x158: {  	v3 =	vmul.f32 v3, v15;
	v5 =	vadd.f32 v5, v7;
	v10 =	vld [tilespmem:s26+$0x6D90];
	v4 =	vadd.f32 v4, v8  }
0x159: {  	v8 =	vmul.f32 v18, v12;
	v7 =	vld [tilespmem:s26+$0x8580];
	v17 =	vmul.f32 v19, v13;
	v14 =	vadd.f32 v16, v14;
	[tilespmem:s26+$0xCDF0] =	vst v6  }
0x15a: {  	v2 =	vmul.f32 v2, v15;
	v6 =	vld [tilespmem:s26+$0x6D80];
	v16 =	vmul.f32 v20, v13;
	[tilespmem:s26+$0xCDD0] =	vst v5  }
0x15b: {  	s19 =	sshra.s32 s25, $0x2;
	v18 =	vld [tilespmem:s26+$0x9D80];
	v5 =	vmul.f32 v11, v12;
	v8 =	vadd.f32 v17, v8;
	v3 =	vadd.f32 v3, v14;
	[tilespmem:s26+$0xCDE0] =	vst v4  }
0x15c: {  	v11 =	vld [tilespmem:s19+$0x9D90];
	v4 =	vmul.f32 v9, v13;
	v9 =	vmul.f32 v0, v15  }
0x15d: {  	v0 =	vld [tilespmem:s19+$0x9DA0];
	v10 =	vmul.f32 v10, v12;
	v5 =	vadd.f32 v16, v5;
	v8 =	vadd.f32 v2, v8;
	[tilespmem:s26+$0xCDC0] =	vst v3  }
0x15e: {  	v2 =	vld [tilespmem:s19+$0x9DB0];
	v7 =	vmul.f32 v7, v13;
	v13 =	vmul.f32 v1, v15  }
0x15f: {  	v3 =	vld [tilespmem:s19+$0x9DC0];
	v6 =	vmul.f32 v6, v12;
	v10 =	vadd.f32 v4, v10;
	v9 =	vadd.f32 v9, v5;
	[tilespmem:s26+$0xCDB0] =	vst v8  }
0x160: {  	v5 =	vld [tilespmem:s19+$0x9DD0];
	v12 =	vmul.f32 v18, v15  }
0x161: {  	v4 =	vld [tilespmem:s19+$0x9DE0];
	v7 =	vadd.f32 v7, v6;
	v10 =	vadd.f32 v13, v10;
	[tilespmem:s26+$0xCDA0] =	vst v9;
	v1 =	vmov v11  }
.Ltmp1:
0x162: {  	v6 =	vld [tilespmem:s19+$0x9DF0];
	(pc) =	sbr.rel @p0 .LBB2_5-.Ltmp1, $4  }
0x163: {  	v8 =	vld [tilespmem:s19+$0x6DD0];
	v11 =	vadd.f32 v12, v7;
	[tilespmem:s26+$0xCD90] =	vst v10  }
0x164: {  	s10 =	sadd.s32 $0x30, s10;
	s24 =	sadd.s32 $0x60, s24;
	v7 =	vld [tilespmem:s19+$0x85D0]  }
0x165: {  	s29 =	sand.u32 $0x1F00, s24;
	s28 =	sadd.s32 $0x10, s10;
	s1 =	sand.u32 $0x70, s10;
	v9 =	vld [tilespmem:s19+$0x6DE0];
	[tilespmem:s26+$0xCD80] =	vst v11  }
0x166: {  	s25 =	sadd.s32 $0x200, s25;
	s26 =	sor.u32 s1, s29;
	s29 =	sadd.s32 $0x20, s24;
	v10 =	vld [tilespmem:s19+$0x6DF0]  }
0x167: {  	v11 =	vld [tilespmem:s19+$0x85F0]  }
0x168: {  	v12 =	vld [tilespmem:s26+$0x1400]  }
0x169: {  	v14 =	vld [tilespmem:s19+$0x85E0]  }
0x16a: {  	v16 =	vld [tilespmem:s19+$0x6DC0]  }
0x16b: {  	v17 =	vld [tilespmem:s19+$0x85C0]  }
0x16c: {  	v18 =	vld [tilespmem:s19+$0x6DB0]  }
0x16d: {  	s1 =	sand.u32 $0x70, s28;
	s25 =	sand.u32 $0x3F00, s29;
	v19 =	vld [tilespmem:s19+$0x85B0]  }
0x16e: {  	v47 =	vld [tilespmem:s19+$0x6D90];
	s1 =	sor.u32 s1, s25  }
0x16f: {  	v13 =	vld [tilespmem:s1+$0x1400]  }
0x170: {  	s10 =	sadd.s32 $0x20, s10;
	s24 =	sadd.s32 $0x40, s24;
	v20 =	vld [tilespmem:s19+$0x85A0]  }
0x171: {  	v21 =	vld [tilespmem:s19+$0x8590];
	s28 =	sand.u32 $0x70, s10;
	s29 =	sand.u32 $0x3F00, s24;
	v10 =	vmul.f32 v10, v12;
	v8 =	vmul.f32 v8, v12  }
0x172: {  	v48 =	vld [tilespmem:s19+$0x8580];
	s1 =	sor.u32 s28, s29;
	v9 =	vmul.f32 v9, v12;
	v49 =	vmul.f32 v16, v12  }
0x173: {  	v15 =	vld [tilespmem:s1+$0x1400];
	v52 =	vmul.f32 v18, v12;
	v58 =	vmul.f32 v47, v12  }
0x174: {  	v11 =	vmul.f32 v11, v13;
	v7 =	vmul.f32 v7, v13  }
0x175: {  	v14 =	vmul.f32 v14, v13;
	v50 =	vmul.f32 v17, v13  }
0x176: {  	v53 =	vmul.f32 v19, v13;
	v55 =	vmul.f32 v20, v13  }
0x177: {  	v46 =	vld [tilespmem:s19+$0x6DA0];
	v57 =	vmul.f32 v21, v13;
	v59 =	vmul.f32 v48, v13  }
0x178: {  	v51 =	vld [tilespmem:s19+$0x6D80];
	v6 =	vmul.f32 v6, v15;
	v5 =	vmul.f32 v5, v15;
	v10 =	vadd.f32 v11, v10  }
0x179: {  	v4 =	vmul.f32 v4, v15;
	v3 =	vmul.f32 v3, v15;
	v7 =	vadd.f32 v7, v8  }
0x17a: {  	v56 =	vld [tilespmem:s19+$0x9D80];
	v2 =	vmul.f32 v2, v15;
	v9 =	vadd.f32 v14, v9;
	v6 =	vadd.f32 v6, v10  }
0x17b: {  	v1 =	vmul.f32 v1, v15;
	v54 =	vadd.f32 v50, v49;
	v5 =	vadd.f32 v5, v7  }
0x17c: {  	v11 =	vmul.f32 v46, v12;
	v60 =	vadd.f32 v57, v58;
	v4 =	vadd.f32 v4, v9;
	[tilespmem:s19+$0xCDF0] =	vst v6  }
0x17d: {  	v9 =	vadd.f32 v53, v52;
	v3 =	vadd.f32 v3, v54;
	v7 =	vmul.f32 v51, v12;
	[tilespmem:s19+$0xCDD0] =	vst v5  }
0x17e: {  	v0 =	vmul.f32 v0, v15;
	v1 =	vadd.f32 v1, v60;
	v6 =	vadd.f32 v55, v11;
	[tilespmem:s19+$0xCDE0] =	vst v4  }
0x17f: {  	v61 =	vmul.f32 v56, v15;
	v2 =	vadd.f32 v2, v9;
	[tilespmem:s19+$0xCDC0] =	vst v3;
	v62 =	vadd.f32 v59, v7  }
0x180: {  	[tilespmem:s19+$0xCD90] =	vst v1;
	v0 =	vadd.f32 v0, v6  }
0x181: {  	s21 =	sadd.s32 $0x1, s21;
	[tilespmem:s19+$0xCDB0] =	vst v2;
	v63 =	vadd.f32 v61, v62  }
0x182: {  	s30 =	sshll.u32 s22, $0x4;
	p0 =	sne.s32 s21, $0x10;
	[tilespmem:s19+$0xCDA0] =	vst v0  }
.Ltmp2:
0x183: {  	s31 =	simm.s32 $0xCD80;
	s1 =	sadd.s32 s6, s30;
	[tilespmem:s19+$0xCD80] =	vst v63;
	(pc) =	sbr.rel @p0 .LBB2_2-.Ltmp2, $4  }
0x184: {  	[hbm4b:s1+s3] =	stream.linear.scatter [tilespmem:s31], [sflag:$0x3], $0x1800, $0x38;
	[tilespmem:$0xE580] =	vst v63  }
0x185: {  	_ =	swait.ge [sflag:s15], $0x1800  }
0x186: {  	[sflag:s15] =	ssyncset.done $0x0  }
0x187: {  	[sflag:s15] =	ssyncadd.s32 $0xFFFFE800  }
0x188: {  	s1 =	simm.s32 $0x6D80;
	s10 =	simm.s32 $0x630  }
0x189: {  	[tilespmem:s1], [sflag:$0x2] =	stream.indirect.gather [hbm4b:s5+s18], $0x80, s10, s18, $0xb8;
	[tilespmem:$0xE580] =	vst v63  }
0x18a: {  	s26 =	simm.s32 $0x8580;
	s29 =	simm.s32 $0xC90  }
0x18b: {  	[tilespmem:s26], [sflag:$0x2] =	stream.indirect.gather [hbm4b:s5+s18], $0x80, s29, s18, $0xb8;
	[tilespmem:$0xE580] =	vst v63  }
0x18c: {  	s30 =	simm.s32 $0x9D80;
	s31 =	simm.s32 $0x12F0  }
0x18d: {  	[tilespmem:s30], [sflag:$0x2] =	stream.indirect.gather [hbm4b:s5+s18], $0x80, s31, s18, $0xb8;
	[tilespmem:$0xE580] =	vst v63  }
0x18e: {  	s24 =	simm.s32 $0x0;
	s10 =	simm.s32 $0x1400  }
0x18f: {  	[tilespmem:s10], [sflag:$0x2] =	stream.linear.gather [hbm4b:s11+s24], $0x80, $0x38;
	[tilespmem:$0xE580] =	vst v63  }
0x190: {  	s19 =	sadd.s32 $0x10, s11;
	s21 =	simm.s32 $0x1500  }
0x191: {  	[tilespmem:s21], [sflag:$0x2] =	stream.linear.gather [hbm4b:s19+s24], $0x80, $0x38;
	[tilespmem:$0xE580] =	vst v63  }
0x192: {  	s22 =	sadd.s32 $0x20, s11;
	s25 =	simm.s32 $0x1600  }
0x193: {  	[tilespmem:s25], [sflag:$0x2] =	stream.linear.gather [hbm4b:s22+s24], $0x80, $0x38;
	[tilespmem:$0xE580] =	vst v63  }
0x194: {  	[dreg:$0xc] =	wrdreg s19;
	s26 =	sadd.s32 $0x30, s11;
	s29 =	simm.s32 $0x1700  }
0x195: {  	[tilespmem:s29], [sflag:$0x2] =	stream.linear.gather [hbm4b:s26+s24], $0x80, $0x38;
	[tilespmem:$0xE580] =	vst v63  }
0x196: {  	[dreg:$0xd] =	wrdreg s22;
	s30 =	sadd.s32 $0x40, s11;
	s31 =	simm.s32 $0x1800  }
0x197: {  	[tilespmem:s31], [sflag:$0x2] =	stream.linear.gather [hbm4b:s30+s24], $0x80, $0x38;
	[tilespmem:$0xE580] =	vst v63  }
0x198: {  	s1 =	sadd.s32 $0xD0, s11;
	s19 =	sadd.s32 $0x50, s11;
	s21 =	simm.s32 $0x1900  }
0x199: {  	[tilespmem:s21], [sflag:$0x2] =	stream.linear.gather [hbm4b:s19+s24], $0x80, $0x38;
	[tilespmem:$0xE580] =	vst v63  }
0x19a: {  	[dreg:$0x18] =	wrdreg s1;
	s22 =	sadd.s32 $0x60, s11;
	s25 =	simm.s32 $0x1A00  }
0x19b: {  	[tilespmem:s25], [sflag:$0x2] =	stream.linear.gather [hbm4b:s22+s24], $0x80, $0x38;
	[tilespmem:$0xE580] =	vst v63  }
0x19c: {  	[dreg:$0xe] =	wrdreg s26;
	s26 =	sadd.s32 $0x70, s11;
	s29 =	simm.s32 $0x1B00  }
0x19d: {  	[tilespmem:s29], [sflag:$0x2] =	stream.linear.gather [hbm4b:s26+s24], $0x80, $0x38;
	[tilespmem:$0xE580] =	vst v63  }
0x19e: {  	[dreg:$0xf] =	wrdreg s30;
	s30 =	sadd.s32 $0x80, s11;
	s31 =	simm.s32 $0x1C00  }
0x19f: {  	[tilespmem:s31], [sflag:$0x2] =	stream.linear.gather [hbm4b:s30+s24], $0x80, $0x38;
	[tilespmem:$0xE580] =	vst v63  }
0x1a0: {  	[dreg:$0x10] =	wrdreg s19;
	s19 =	sadd.s32 $0x90, s11;
	s21 =	simm.s32 $0x1D00  }
0x1a1: {  	[tilespmem:s21], [sflag:$0x2] =	stream.linear.gather [hbm4b:s19+s24], $0x80, $0x38;
	[tilespmem:$0xE580] =	vst v63  }
0x1a2: {  	[dreg:$0x11] =	wrdreg s22;
	s22 =	sadd.s32 $0xA0, s11;
	s25 =	simm.s32 $0x1E00  }
0x1a3: {  	[tilespmem:s25], [sflag:$0x2] =	stream.linear.gather [hbm4b:s22+s24], $0x80, $0x38;
	[tilespmem:$0xE580] =	vst v63  }
0x1a4: {  	[dreg:$0x12] =	wrdreg s26;
	s26 =	sadd.s32 $0xB0, s11;
	s29 =	simm.s32 $0x1F00  }
0x1a5: {  	[tilespmem:s29], [sflag:$0x2] =	stream.linear.gather [hbm4b:s26+s24], $0x80, $0x38;
	[tilespmem:$0xE580] =	vst v63  }
0x1a6: {  	[dreg:$0x13] =	wrdreg s30;
	s30 =	sadd.s32 $0xC0, s11;
	s31 =	simm.s32 $0x2000  }
0x1a7: {  	[tilespmem:s31], [sflag:$0x2] =	stream.linear.gather [hbm4b:s30+s24], $0x80, $0x38;
	[tilespmem:$0xE580] =	vst v63  }
0x1a8: {  	[dreg:$0x14] =	wrdreg s19;
	s19 =	simm.s32 $0x2100  }
0x1a9: {  	[tilespmem:s19], [sflag:$0x2] =	stream.linear.gather [hbm4b:s1+s24], $0x80, $0x38;
	[tilespmem:$0xE580] =	vst v63  }
0x1aa: {  	[dreg:$0x15] =	wrdreg s22;
	s21 =	sadd.s32 $0xE0, s11;
	s22 =	simm.s32 $0x2200  }
0x1ab: {  	[tilespmem:s22], [sflag:$0x2] =	stream.linear.gather [hbm4b:s21+s24], $0x80, $0x38;
	[tilespmem:$0xE580] =	vst v63  }
0x1ac: {  	[dreg:$0x16] =	wrdreg s26;
	s25 =	simm.s32 $0x2300;
	s22 =	sadd.s32 $0xF0, s11  }
0x1ad: {  	[tilespmem:s25], [sflag:$0x2] =	stream.linear.gather [hbm4b:s22+s24], $0x80, $0x38;
	[tilespmem:$0xE580] =	vst v63  }
0x1ae: {  	[dreg:$0x17] =	wrdreg s30;
	s26 =	simm.s32 $0x2400;
	s19 =	sadd.s32 $0x100, s11  }
0x1af: {  	[tilespmem:s26], [sflag:$0x2] =	stream.linear.gather [hbm4b:s19+s24], $0x80, $0x38;
	[tilespmem:$0xE580] =	vst v63  }
0x1b0: {  	[dreg:$0x19] =	wrdreg s21;
	s29 =	simm.s32 $0x2500;
	s21 =	sadd.s32 $0x110, s11  }
0x1b1: {  	[tilespmem:s29], [sflag:$0x2] =	stream.linear.gather [hbm4b:s21+s24], $0x80, $0x38;
	[tilespmem:$0xE580] =	vst v63  }
0x1b2: {  	_ =	swait.ge [sflag:s23], $0x1800  }
0x1b3: {  	[sflag:s23] =	ssyncset.done $0x0  }
0x1b4: {  	[sflag:s23] =	ssyncadd.s32 $0xFFFFE800  }
0x1b5: {  	_ =	swait.ge [sflag:s23], $0x1800  }
0x1b6: {  	[sflag:s23] =	ssyncset.done $0x0  }
0x1b7: {  	[sflag:s23] =	ssyncadd.s32 $0xFFFFE800  }
0x1b8: {  	_ =	swait.ge [sflag:s23], $0x1800  }
0x1b9: {  	[sflag:s23] =	ssyncset.done $0x0  }
0x1ba: {  	[sflag:s23] =	ssyncadd.s32 $0xFFFFE800  }
0x1bb: {  	_ =	swait.ge [sflag:s23], $0x900  }
0x1bc: {  	s30 =	sand.u32 $0x70, s24;
	s31 =	sand.u32 $0x1F00, s24;
	[sflag:s23] =	ssyncset.done $0x0  }
0x1bd: {  	s1 =	sor.u32 s30, s31;
	[sflag:s23] =	ssyncadd.s32 $0xFFFFF700  }
0x1be: {  	s10 =	simm.s32 $0x3DC0;
	s25 =	simm.s32 $0x10;
	s26 =	simm.s32 $0x20;
	v0 =	vld [tilespmem:s1+$0x1380]  }
0x1bf: {  	s25 =	sand.u32 $0x70, s25;
	s29 =	sand.u32 $0x3F00, s26;
	v3 =	vld [tilespmem:s10+$0xFFFFE7C0]  }
0x1c0: {  	s30 =	simm.s32 $0x20;
	s31 =	simm.s32 $0x40;
	s1 =	sor.u32 s25, s29;
	v4 =	vld [tilespmem:s10+$0xFFFFFFC0]  }
0x1c1: {  	s25 =	sand.u32 $0x3F00, s31;
	v1 =	vld [tilespmem:s1+$0x1380];
	s1 =	sand.u32 $0x70, s30  }
0x1c2: {  	v5 =	vld [tilespmem:s10+$0x17C0];
	s1 =	sor.u32 s1, s25  }
0x1c3: {  	v2 =	vld [tilespmem:s1+$0x1380];
	_ =	sdelay $0x2  }
0x1c4: {  	v3 =	vmul.f32 v3, v0;
	v4 =	vmul.f32 v4, v1;
	_ =	sdelay $0x1  }
0x1c5: {  	v3 =	vadd.f32 v4, v3;
	v4 =	vmul.f32 v5, v2;
	_ =	sdelay $0x1  }
0x1c6: {  	v3 =	vadd.f32 v4, v3  }
0x1c7: {  	s25 =	simm.s32 $0xB5C0  }
0x1c8: {  	[tilespmem:s25+$0xFFFFFFC0] =	vst v3  }
0x1c9: {  	v3 =	vld [tilespmem:s10+$0xFFFFE7D0]  }
0x1ca: {  	v4 =	vld [tilespmem:s10+$0xFFFFFFD0];
	_ =	sdelay $0x1  }
0x1cb: {  	v5 =	vld [tilespmem:s10+$0x17D0];
	_ =	sdelay $0x2  }
0x1cc: {  	v3 =	vmul.f32 v3, v0;
	v4 =	vmul.f32 v4, v1;
	_ =	sdelay $0x1  }
0x1cd: {  	v3 =	vadd.f32 v4, v3;
	v4 =	vmul.f32 v5, v2;
	_ =	sdelay $0x1  }
0x1ce: {  	v3 =	vadd.f32 v4, v3;
	_ =	sdelay $0x1  }
0x1cf: {  	[tilespmem:s25+$0xFFFFFFD0] =	vst v3  }
0x1d0: {  	v3 =	vld [tilespmem:s10+$0xFFFFE7E0]  }
0x1d1: {  	v4 =	vld [tilespmem:s10+$0xFFFFFFE0];
	_ =	sdelay $0x1  }
0x1d2: {  	v5 =	vld [tilespmem:s10+$0x17E0];
	_ =	sdelay $0x2  }
0x1d3: {  	v3 =	vmul.f32 v3, v0;
	v4 =	vmul.f32 v4, v1;
	_ =	sdelay $0x1  }
0x1d4: {  	v3 =	vadd.f32 v4, v3;
	v4 =	vmul.f32 v5, v2;
	_ =	sdelay $0x1  }
0x1d5: {  	v3 =	vadd.f32 v4, v3;
	_ =	sdelay $0x1  }
0x1d6: {  	[tilespmem:s25+$0xFFFFFFE0] =	vst v3  }
0x1d7: {  	v3 =	vld [tilespmem:s10+$0xFFFFE7F0]  }
0x1d8: {  	v4 =	vld [tilespmem:s10+$0xFFFFFFF0];
	_ =	sdelay $0x1  }
0x1d9: {  	v5 =	vld [tilespmem:s10+$0x17F0];
	_ =	sdelay $0x2  }
0x1da: {  	v3 =	vmul.f32 v3, v0;
	v4 =	vmul.f32 v4, v1;
	_ =	sdelay $0x1  }
0x1db: {  	v3 =	vadd.f32 v4, v3;
	v4 =	vmul.f32 v5, v2;
	_ =	sdelay $0x1  }
0x1dc: {  	v3 =	vadd.f32 v4, v3;
	_ =	sdelay $0x1  }
0x1dd: {  	[tilespmem:s25+$0xFFFFFFF0] =	vst v3  }
0x1de: {  	v3 =	vld [tilespmem:s10+$0xFFFFE800]  }
0x1df: {  	v4 =	vld [tilespmem:s10+$0x0];
	_ =	sdelay $0x1  }
0x1e0: {  	v5 =	vld [tilespmem:s10+$0x1800];
	_ =	sdelay $0x2  }
0x1e1: {  	v3 =	vmul.f32 v3, v0;
	v4 =	vmul.f32 v4, v1;
	_ =	sdelay $0x1  }
0x1e2: {  	v3 =	vadd.f32 v4, v3;
	v4 =	vmul.f32 v5, v2;
	_ =	sdelay $0x1  }
0x1e3: {  	v3 =	vadd.f32 v4, v3;
	_ =	sdelay $0x1  }
0x1e4: {  	[tilespmem:s25+$0x0] =	vst v3  }
0x1e5: {  	v3 =	vld [tilespmem:s10+$0xFFFFE810]  }
0x1e6: {  	v4 =	vld [tilespmem:s10+$0x10];
	_ =	sdelay $0x1  }
0x1e7: {  	v5 =	vld [tilespmem:s10+$0x1810];
	_ =	sdelay $0x2  }
0x1e8: {  	v3 =	vmul.f32 v3, v0;
	v4 =	vmul.f32 v4, v1;
	_ =	sdelay $0x1  }
0x1e9: {  	v3 =	vadd.f32 v4, v3;
	v4 =	vmul.f32 v5, v2;
	_ =	sdelay $0x1  }
0x1ea: {  	v3 =	vadd.f32 v4, v3;
	_ =	sdelay $0x1  }
0x1eb: {  	[tilespmem:s25+$0x10] =	vst v3  }
0x1ec: {  	v3 =	vld [tilespmem:s10+$0xFFFFE820]  }
0x1ed: {  	v4 =	vld [tilespmem:s10+$0x20];
	_ =	sdelay $0x1  }
0x1ee: {  	v5 =	vld [tilespmem:s10+$0x1820];
	_ =	sdelay $0x2  }
0x1ef: {  	v3 =	vmul.f32 v3, v0;
	v4 =	vmul.f32 v4, v1;
	_ =	sdelay $0x1  }
0x1f0: {  	v3 =	vadd.f32 v4, v3;
	v4 =	vmul.f32 v5, v2;
	_ =	sdelay $0x1  }
0x1f1: {  	v3 =	vadd.f32 v4, v3;
	_ =	sdelay $0x1  }
0x1f2: {  	[tilespmem:s25+$0x20] =	vst v3  }
0x1f3: {  	v5 =	vld [tilespmem:s10+$0xFFFFE830]  }
0x1f4: {  	v4 =	vld [tilespmem:s10+$0x30]  }
0x1f5: {  	s28 =	simm.s32 $0xB5C0;
	s26 =	simm.s32 $0x60;
	v3 =	vld [tilespmem:s10+$0x1830]  }
.LBB2_8:
0x1f6: {  	_ = 	snop  }
0x1f7: {  	s24 =	sadd.s32 $0x30, s24;
	s10 =	sadd.s32 $0x80, s10;
	s25 =	sadd.s32 $0x80, s25  }
0x1f8: {  	p0 =	sne.s32 s26, $0x11A0;
	s1 =	smov.u32 s26;
	s26 =	sadd.s32 $0x60, s26;
	v0 =	vmul.f32 v5, v0  }
0x1f9: {  	v1 =	vmul.f32 v4, v1;
	_ =	sdelay $0x1  }
0x1fa: {  	v0 =	vadd.f32 v1, v0;
	v1 =	vmul.f32 v3, v2;
	_ =	sdelay $0x1  }
0x1fb: {  	v0 =	vadd.f32 v1, v0  }
0x1fc: {  	s29 =	sand.u32 $0x70, s24;
	s30 =	sand.u32 $0x1F00, s1  }
0x1fd: {  	s31 =	sadd.s32 $0x20, s1;
	s29 =	sor.u32 s29, s30;
	s30 =	sadd.s32 $0x10, s24;
	[tilespmem:s28+$0x30] =	vst v0  }
0x1fe: {  	s28 =	smov.u32 s25;
	v0 =	vld [tilespmem:s29+$0x1380];
	s29 =	sand.u32 $0x70, s30;
	s30 =	sand.u32 $0x3F00, s31  }
0x1ff: {  	s29 =	sor.u32 s29, s30;
	v3 =	vld [tilespmem:s10+$0xFFFFE7C0]  }
0x200: {  	s1 =	sadd.s32 $0x40, s1;
	v1 =	vld [tilespmem:s29+$0x1380];
	s29 =	sadd.s32 $0x20, s24  }
0x201: {  	s1 =	sand.u32 $0x3F00, s1;
	s29 =	sand.u32 $0x70, s29;
	v4 =	vld [tilespmem:s10+$0xFFFFFFC0]  }
0x202: {  	s1 =	sor.u32 s29, s1;
	v5 =	vld [tilespmem:s10+$0x17C0]  }
0x203: {  	v2 =	vld [tilespmem:s1+$0x1380]  }
0x204: {  	v3 =	vmul.f32 v3, v0;
	_ =	sdelay $0x1  }
0x205: {  	v4 =	vmul.f32 v4, v1;
	_ =	sdelay $0x1  }
0x206: {  	v3 =	vadd.f32 v4, v3;
	v4 =	vmul.f32 v5, v2;
	_ =	sdelay $0x1  }
0x207: {  	v3 =	vadd.f32 v4, v3;
	_ =	sdelay $0x1  }
0x208: {  	[tilespmem:s25+$0xFFFFFFC0] =	vst v3  }
0x209: {  	v3 =	vld [tilespmem:s10+$0xFFFFE7D0]  }
0x20a: {  	v4 =	vld [tilespmem:s10+$0xFFFFFFD0];
	_ =	sdelay $0x1  }
0x20b: {  	v5 =	vld [tilespmem:s10+$0x17D0];
	_ =	sdelay $0x1  }
0x20c: {  	v3 =	vmul.f32 v3, v0  }
0x20d: {  	v4 =	vmul.f32 v4, v1;
	_ =	sdelay $0x1  }
0x20e: {  	v3 =	vadd.f32 v4, v3;
	v4 =	vmul.f32 v5, v2;
	_ =	sdelay $0x1  }
0x20f: {  	v3 =	vadd.f32 v4, v3;
	_ =	sdelay $0x1  }
0x210: {  	[tilespmem:s25+$0xFFFFFFD0] =	vst v3  }
0x211: {  	v3 =	vld [tilespmem:s10+$0xFFFFE7E0]  }
0x212: {  	v4 =	vld [tilespmem:s10+$0xFFFFFFE0];
	_ =	sdelay $0x1  }
0x213: {  	v5 =	vld [tilespmem:s10+$0x17E0];
	_ =	sdelay $0x1  }
0x214: {  	v3 =	vmul.f32 v3, v0  }
0x215: {  	v4 =	vmul.f32 v4, v1;
	_ =	sdelay $0x1  }
0x216: {  	v3 =	vadd.f32 v4, v3;
	v4 =	vmul.f32 v5, v2;
	_ =	sdelay $0x1  }
0x217: {  	v3 =	vadd.f32 v4, v3;
	_ =	sdelay $0x1  }
0x218: {  	[tilespmem:s25+$0xFFFFFFE0] =	vst v3  }
0x219: {  	v3 =	vld [tilespmem:s10+$0xFFFFE7F0]  }
0x21a: {  	v4 =	vld [tilespmem:s10+$0xFFFFFFF0]  }
0x21b: {  	v5 =	vld [tilespmem:s10+$0x17F0];
	_ =	sdelay $0x2  }
0x21c: {  	v3 =	vmul.f32 v3, v0  }
0x21d: {  	v4 =	vmul.f32 v4, v1;
	_ =	sdelay $0x1  }
0x21e: {  	v3 =	vadd.f32 v4, v3;
	v4 =	vmul.f32 v5, v2;
	_ =	sdelay $0x1  }
0x21f: {  	v3 =	vadd.f32 v4, v3;
	_ =	sdelay $0x1  }
0x220: {  	[tilespmem:s25+$0xFFFFFFF0] =	vst v3  }
0x221: {  	v3 =	vld [tilespmem:s10+$0xFFFFE800]  }
0x222: {  	v4 =	vld [tilespmem:s10+$0x0];
	_ =	sdelay $0x1  }
0x223: {  	v5 =	vld [tilespmem:s10+$0x1800];
	_ =	sdelay $0x1  }
0x224: {  	v3 =	vmul.f32 v3, v0  }
0x225: {  	v4 =	vmul.f32 v4, v1;
	_ =	sdelay $0x1  }
0x226: {  	v3 =	vadd.f32 v4, v3;
	v4 =	vmul.f32 v5, v2;
	_ =	sdelay $0x1  }
0x227: {  	v3 =	vadd.f32 v4, v3;
	_ =	sdelay $0x1  }
0x228: {  	[tilespmem:s25+$0x0] =	vst v3  }
0x229: {  	v3 =	vld [tilespmem:s10+$0xFFFFE810]  }
0x22a: {  	v4 =	vld [tilespmem:s10+$0x10]  }
0x22b: {  	v5 =	vld [tilespmem:s10+$0x1810];
	_ =	sdelay $0x2  }
0x22c: {  	v3 =	vmul.f32 v3, v0  }
0x22d: {  	v4 =	vmul.f32 v4, v1;
	_ =	sdelay $0x1  }
0x22e: {  	v3 =	vadd.f32 v4, v3;
	v4 =	vmul.f32 v5, v2;
	_ =	sdelay $0x1  }
0x22f: {  	v3 =	vadd.f32 v4, v3;
	_ =	sdelay $0x1  }
0x230: {  	[tilespmem:s25+$0x10] =	vst v3  }
0x231: {  	v3 =	vld [tilespmem:s10+$0xFFFFE820]  }
0x232: {  	v4 =	vld [tilespmem:s10+$0x20]  }
0x233: {  	v5 =	vld [tilespmem:s10+$0x1820];
	_ =	sdelay $0x2  }
0x234: {  	v3 =	vmul.f32 v3, v0  }
0x235: {  	v4 =	vmul.f32 v4, v1;
	_ =	sdelay $0x1  }
0x236: {  	v3 =	vadd.f32 v4, v3;
	v4 =	vmul.f32 v5, v2;
	_ =	sdelay $0x1  }
0x237: {  	v3 =	vadd.f32 v4, v3  }
.Ltmp3:
0x238: {  	(pc) =	sbr.rel @p0 .LBB2_8-.Ltmp3, $4  }
0x239: {  	[tilespmem:s25+$0x20] =	vst v3  }
0x23a: {  	v5 =	vld [tilespmem:s10+$0xFFFFE830]  }
0x23b: {  	v4 =	vld [tilespmem:s10+$0x30]  }
0x23c: {  	v3 =	vld [tilespmem:s10+$0x1830]  }
0x23d: {  	_ =	sdelay $0x2  }
0x23e: {  	v0 =	vmul.f32 v5, v0;
	v1 =	vmul.f32 v4, v1;
	_ =	sdelay $0x1  }
0x23f: {  	v0 =	vadd.f32 v1, v0;
	v1 =	vmul.f32 v3, v2;
	_ =	sdelay $0x1  }
0x240: {  	v0 =	vadd.f32 v1, v0;
	_ =	sdelay $0x1  }
0x241: {  	s10 =	simm.s32 $0x0;
	s1 =	rddreg [dreg:$0x7];
	s24 =	simm.s32 $0xB580;
	[tilespmem:s28+$0x30] =	vst v0  }
0x242: {  	[hbm4b:s1+s10] =	stream.linear.scatter [tilespmem:s24], [sflag:$0x3], $0x1800, $0x38;
	[tilespmem:$0xE580] =	vst v63  }
0x243: {  	_ =	swait.ge [sflag:s15], $0x1800  }
0x244: {  	[sflag:s15] =	ssyncset.done $0x0  }
0x245: {  	s29 =	simm.s32 $0x630;
	s28 =	simm.s32 $0x2580;
	[sflag:s15] =	ssyncadd.s32 $0xFFFFE800  }
0x246: {  	[tilespmem:s28], [sflag:$0x1] =	stream.indirect.gather [hbm4b:s5+s18], $0x80, s29, s18, $0xb8;
	[tilespmem:$0xE580] =	vst v63  }
0x247: {  	s30 =	simm.s32 $0x3D80;
	s31 =	simm.s32 $0xC90  }
0x248: {  	[tilespmem:s30], [sflag:$0x1] =	stream.indirect.gather [hbm4b:s5+s18], $0x80, s31, s18, $0xb8;
	[tilespmem:$0xE580] =	vst v63  }
0x249: {  	s25 =	simm.s32 $0x12F0;
	s24 =	simm.s32 $0x5580  }
0x24a: {  	[tilespmem:s24], [sflag:$0x1] =	stream.indirect.gather [hbm4b:s5+s18], $0x80, s25, s18, $0xb8;
	[tilespmem:$0xE580] =	vst v63  }
0x24b: {  	s26 =	simm.s32 $0x1380  }
0x24c: {  	[tilespmem:s26], [sflag:$0x1] =	stream.linear.gather [hbm4b:s11+s10], $0x80, $0x38;
	[tilespmem:$0xE580] =	vst v63  }
0x24d: {  	s28 =	simm.s32 $0x1480;
	s29 =	rddreg [dreg:$0xc]  }
0x24e: {  	[tilespmem:s28], [sflag:$0x1] =	stream.linear.gather [hbm4b:s29+s10], $0x80, $0x38;
	[tilespmem:$0xE580] =	vst v63  }
0x24f: {  	s30 =	simm.s32 $0x1580;
	s31 =	rddreg [dreg:$0xd]  }
0x250: {  	[tilespmem:s30], [sflag:$0x1] =	stream.linear.gather [hbm4b:s31+s10], $0x80, $0x38;
	[tilespmem:$0xE580] =	vst v63  }
0x251: {  	s25 =	simm.s32 $0x1680;
	s26 =	rddreg [dreg:$0xe]  }
0x252: {  	[tilespmem:s25], [sflag:$0x1] =	stream.linear.gather [hbm4b:s26+s10], $0x80, $0x38;
	[tilespmem:$0xE580] =	vst v63  }
0x253: {  	s28 =	simm.s32 $0x1780;
	s29 =	rddreg [dreg:$0xf]  }
0x254: {  	[tilespmem:s28], [sflag:$0x1] =	stream.linear.gather [hbm4b:s29+s10], $0x80, $0x38;
	[tilespmem:$0xE580] =	vst v63  }
0x255: {  	s30 =	simm.s32 $0x1880;
	s31 =	rddreg [dreg:$0x10]  }
0x256: {  	[tilespmem:s30], [sflag:$0x1] =	stream.linear.gather [hbm4b:s31+s10], $0x80, $0x38;
	[tilespmem:$0xE580] =	vst v63  }
0x257: {  	s24 =	simm.s32 $0x1980;
	s25 =	rddreg [dreg:$0x11]  }
0x258: {  	[tilespmem:s24], [sflag:$0x1] =	stream.linear.gather [hbm4b:s25+s10], $0x80, $0x38;
	[tilespmem:$0xE580] =	vst v63  }
0x259: {  	s26 =	simm.s32 $0x1A80;
	s28 =	rddreg [dreg:$0x12]  }
0x25a: {  	[tilespmem:s26], [sflag:$0x1] =	stream.linear.gather [hbm4b:s28+s10], $0x80, $0x38;
	[tilespmem:$0xE580] =	vst v63  }
0x25b: {  	s29 =	simm.s32 $0x1B80;
	s30 =	rddreg [dreg:$0x13]  }
0x25c: {  	[tilespmem:s29], [sflag:$0x1] =	stream.linear.gather [hbm4b:s30+s10], $0x80, $0x38;
	[tilespmem:$0xE580] =	vst v63  }
0x25d: {  	s31 =	rddreg [dreg:$0x14]  }
0x25e: {  	[tilespmem:s0], [sflag:$0x1] =	stream.linear.gather [hbm4b:s31+s10], $0x80, $0x38;
	[tilespmem:$0xE580] =	vst v63  }
0x25f: {  	s24 =	rddreg [dreg:$0x15]  }
0x260: {  	[tilespmem:s16], [sflag:$0x1] =	stream.linear.gather [hbm4b:s24+s10], $0x80, $0x38;
	[tilespmem:$0xE580] =	vst v63  }
0x261: {  	s25 =	rddreg [dreg:$0x16]  }
0x262: {  	[tilespmem:s17], [sflag:$0x1] =	stream.linear.gather [hbm4b:s25+s10], $0x80, $0x38;
	[tilespmem:$0xE580] =	vst v63  }
0x263: {  	s26 =	rddreg [dreg:$0x17]  }
0x264: {  	[tilespmem:s7], [sflag:$0x1] =	stream.linear.gather [hbm4b:s26+s10], $0x80, $0x38;
	[tilespmem:$0xE580] =	vst v63  }
0x265: {  	s28 =	rddreg [dreg:$0x18]  }
0x266: {  	[tilespmem:s8], [sflag:$0x1] =	stream.linear.gather [hbm4b:s28+s10], $0x80, $0x38;
	[tilespmem:$0xE580] =	vst v63  }
0x267: {  	s29 =	rddreg [dreg:$0x19]  }
0x268: {  	[tilespmem:s9], [sflag:$0x1] =	stream.linear.gather [hbm4b:s29+s10], $0x80, $0x38;
	[tilespmem:$0xE580] =	vst v63  }
0x269: {  	_ = 	snop  }
0x26a: {  	[tilespmem:s12], [sflag:$0x1] =	stream.linear.gather [hbm4b:s22+s10], $0x80, $0x38;
	[tilespmem:$0xE580] =	vst v63  }
0x26b: {  	_ = 	snop  }
0x26c: {  	[tilespmem:s13], [sflag:$0x1] =	stream.linear.gather [hbm4b:s19+s10], $0x80, $0x38;
	[tilespmem:$0xE580] =	vst v63  }
0x26d: {  	_ = 	snop  }
0x26e: {  	[tilespmem:s14], [sflag:$0x1] =	stream.linear.gather [hbm4b:s21+s10], $0x80, $0x38;
	[tilespmem:$0xE580] =	vst v63  }
0x26f: {  	_ =	swait.ge [sflag:s20], $0x1800  }
0x270: {  	[sflag:s20] =	ssyncset.done $0x0  }
0x271: {  	[sflag:s20] =	ssyncadd.s32 $0xFFFFE800  }
0x272: {  	_ =	swait.ge [sflag:s20], $0x1800  }
0x273: {  	[sflag:s20] =	ssyncset.done $0x0  }
0x274: {  	[sflag:s20] =	ssyncadd.s32 $0xFFFFE800  }
0x275: {  	_ =	swait.ge [sflag:s20], $0x1800  }
0x276: {  	[sflag:s20] =	ssyncset.done $0x0  }
0x277: {  	[sflag:s20] =	ssyncadd.s32 $0xFFFFE800  }
0x278: {  	_ =	swait.ge [sflag:s20], $0x900  }
0x279: {  	[sflag:s20] =	ssyncset.done $0x0  }
0x27a: {  	s19 =	simm.s32 $0x0;
	[sflag:s20] =	ssyncadd.s32 $0xFFFFF700  }
0x27b: {  	v1 =	vld [tilespmem:s19+$0x9D90]  }
0x27c: {  	v0 =	vld [tilespmem:s19+$0x9DA0]  }
0x27d: {  	v2 =	vld [tilespmem:s19+$0x9DB0]  }
0x27e: {  	v3 =	vld [tilespmem:s19+$0x9DC0]  }
0x27f: {  	v5 =	vld [tilespmem:s19+$0x9DD0]  }
0x280: {  	v4 =	vld [tilespmem:s19+$0x9DE0]  }
0x281: {  	v6 =	vld [tilespmem:s19+$0x9DF0]  }
0x282: {  	v8 =	vld [tilespmem:s19+$0x6DD0]  }
0x283: {  	s30 =	sand.u32 $0x70, s10;
	s31 =	sand.u32 $0x1F00, s10;
	v7 =	vld [tilespmem:s19+$0x85D0]  }
0x284: {  	s24 =	sor.u32 s30, s31;
	s25 =	simm.s32 $0x10;
	v9 =	vld [tilespmem:s19+$0x6DE0]  }
0x285: {  	s26 =	simm.s32 $0x20;
	s22 =	simm.s32 $0x200;
	s21 =	simm.s32 $0x0;
	v10 =	vld [tilespmem:s19+$0x6DF0]  }
.LBB2_10:
0x286: {  	p0 =	sne.s32 s22, $0x5E00;
	s1 =	sand.u32 $0x70, s25;
	s25 =	sand.u32 $0x3F00, s26;
	v11 =	vld [tilespmem:s19+$0x85F0]  }
0x287: {  	v12 =	vld [tilespmem:s24+$0x1400];
	s1 =	sor.u32 s1, s25;
	s24 =	sadd.s32 $0x20, s10;
	s25 =	sadd.s32 $0x40, s21  }
0x288: {  	v13 =	vld [tilespmem:s1+$0x1400];
	s1 =	sand.u32 $0x70, s24;
	s25 =	sand.u32 $0x3F00, s25;
	s24 =	smov.u32 s19  }
0x289: {  	s1 =	sor.u32 s1, s25;
	v14 =	vld [tilespmem:s24+$0x85E0]  }
0x28a: {  	v15 =	vld [tilespmem:s1+$0x1400]  }
0x28b: {  	v16 =	vld [tilespmem:s24+$0x6DC0]  }
0x28c: {  	v17 =	vld [tilespmem:s24+$0x85C0];
	v8 =	vmul.f32 v8, v12;
	v9 =	vmul.f32 v9, v12  }
0x28d: {  	v10 =	vmul.f32 v10, v12;
	v18 =	vld [tilespmem:s24+$0x6DB0];
	v11 =	vmul.f32 v11, v13  }
0x28e: {  	v7 =	vmul.f32 v7, v13;
	v19 =	vld [tilespmem:s24+$0x85B0];
	v14 =	vmul.f32 v14, v13  }
0x28f: {  	v20 =	vld [tilespmem:s24+$0x85A0];
	v5 =	vmul.f32 v5, v15;
	v10 =	vadd.f32 v11, v10;
	v6 =	vmul.f32 v6, v15  }
0x290: {  	v7 =	vadd.f32 v7, v8;
	v4 =	vmul.f32 v4, v15;
	v11 =	vld [tilespmem:s24+$0x6DA0];
	v8 =	vadd.f32 v14, v9  }
0x291: {  	v14 =	vmul.f32 v16, v12;
	v9 =	vld [tilespmem:s24+$0x8590];
	v16 =	vmul.f32 v17, v13;
	v6 =	vadd.f32 v6, v10  }
0x292: {  	v3 =	vmul.f32 v3, v15;
	v5 =	vadd.f32 v5, v7;
	v10 =	vld [tilespmem:s24+$0x6D90];
	v4 =	vadd.f32 v4, v8  }
0x293: {  	v8 =	vmul.f32 v18, v12;
	v7 =	vld [tilespmem:s24+$0x8580];
	v17 =	vmul.f32 v19, v13;
	v14 =	vadd.f32 v16, v14;
	[tilespmem:s24+$0xCDF0] =	vst v6  }
0x294: {  	v2 =	vmul.f32 v2, v15;
	v6 =	vld [tilespmem:s24+$0x6D80];
	v16 =	vmul.f32 v20, v13;
	[tilespmem:s24+$0xCDD0] =	vst v5  }
0x295: {  	s19 =	sshra.s32 s22, $0x2;
	v18 =	vld [tilespmem:s24+$0x9D80];
	v5 =	vmul.f32 v11, v12;
	v8 =	vadd.f32 v17, v8;
	v3 =	vadd.f32 v3, v14;
	[tilespmem:s24+$0xCDE0] =	vst v4  }
0x296: {  	v11 =	vld [tilespmem:s19+$0x9D90];
	v4 =	vmul.f32 v9, v13;
	v9 =	vmul.f32 v0, v15  }
0x297: {  	v0 =	vld [tilespmem:s19+$0x9DA0];
	v10 =	vmul.f32 v10, v12;
	v5 =	vadd.f32 v16, v5;
	v8 =	vadd.f32 v2, v8;
	[tilespmem:s24+$0xCDC0] =	vst v3  }
0x298: {  	v2 =	vld [tilespmem:s19+$0x9DB0];
	v7 =	vmul.f32 v7, v13;
	v13 =	vmul.f32 v1, v15  }
0x299: {  	v3 =	vld [tilespmem:s19+$0x9DC0];
	v6 =	vmul.f32 v6, v12;
	v10 =	vadd.f32 v4, v10;
	v9 =	vadd.f32 v9, v5;
	[tilespmem:s24+$0xCDB0] =	vst v8  }
0x29a: {  	v5 =	vld [tilespmem:s19+$0x9DD0];
	v12 =	vmul.f32 v18, v15  }
0x29b: {  	v4 =	vld [tilespmem:s19+$0x9DE0];
	v7 =	vadd.f32 v7, v6;
	v10 =	vadd.f32 v13, v10;
	[tilespmem:s24+$0xCDA0] =	vst v9;
	v1 =	vmov v11  }
.Ltmp4:
0x29c: {  	v6 =	vld [tilespmem:s19+$0x9DF0];
	(pc) =	sbr.rel @p0 .LBB2_10-.Ltmp4, $4  }
0x29d: {  	v8 =	vld [tilespmem:s19+$0x6DD0];
	v11 =	vadd.f32 v12, v7;
	[tilespmem:s24+$0xCD90] =	vst v10  }
0x29e: {  	s10 =	sadd.s32 $0x30, s10;
	s21 =	sadd.s32 $0x60, s21;
	v7 =	vld [tilespmem:s19+$0x85D0]  }
0x29f: {  	s26 =	sand.u32 $0x1F00, s21;
	s25 =	sadd.s32 $0x10, s10;
	s1 =	sand.u32 $0x70, s10;
	v9 =	vld [tilespmem:s19+$0x6DE0];
	[tilespmem:s24+$0xCD80] =	vst v11  }
0x2a0: {  	s22 =	sadd.s32 $0x200, s22;
	s24 =	sor.u32 s1, s26;
	s26 =	sadd.s32 $0x20, s21;
	v10 =	vld [tilespmem:s19+$0x6DF0]  }
0x2a1: {  	v11 =	vld [tilespmem:s19+$0x85F0]  }
0x2a2: {  	v12 =	vld [tilespmem:s24+$0x1400]  }
0x2a3: {  	v14 =	vld [tilespmem:s19+$0x85E0]  }
0x2a4: {  	v16 =	vld [tilespmem:s19+$0x6DC0]  }
0x2a5: {  	v17 =	vld [tilespmem:s19+$0x85C0]  }
0x2a6: {  	v18 =	vld [tilespmem:s19+$0x6DB0]  }
0x2a7: {  	s1 =	sand.u32 $0x70, s25;
	s22 =	sand.u32 $0x3F00, s26;
	v19 =	vld [tilespmem:s19+$0x85B0]  }
0x2a8: {  	v47 =	vld [tilespmem:s19+$0x6D90];
	s1 =	sor.u32 s1, s22  }
0x2a9: {  	v13 =	vld [tilespmem:s1+$0x1400]  }
0x2aa: {  	s10 =	sadd.s32 $0x20, s10;
	s21 =	sadd.s32 $0x40, s21;
	v20 =	vld [tilespmem:s19+$0x85A0]  }
0x2ab: {  	v21 =	vld [tilespmem:s19+$0x8590];
	s25 =	sand.u32 $0x70, s10;
	s26 =	sand.u32 $0x3F00, s21;
	v10 =	vmul.f32 v10, v12;
	v8 =	vmul.f32 v8, v12  }
0x2ac: {  	v48 =	vld [tilespmem:s19+$0x8580];
	s1 =	sor.u32 s25, s26;
	v9 =	vmul.f32 v9, v12;
	v49 =	vmul.f32 v16, v12  }
0x2ad: {  	v15 =	vld [tilespmem:s1+$0x1400];
	v52 =	vmul.f32 v18, v12;
	v58 =	vmul.f32 v47, v12  }
0x2ae: {  	v11 =	vmul.f32 v11, v13;
	v7 =	vmul.f32 v7, v13  }
0x2af: {  	v14 =	vmul.f32 v14, v13;
	v50 =	vmul.f32 v17, v13  }
0x2b0: {  	v53 =	vmul.f32 v19, v13;
	v55 =	vmul.f32 v20, v13  }
0x2b1: {  	v46 =	vld [tilespmem:s19+$0x6DA0];
	v57 =	vmul.f32 v21, v13;
	v59 =	vmul.f32 v48, v13  }
0x2b2: {  	v51 =	vld [tilespmem:s19+$0x6D80];
	v6 =	vmul.f32 v6, v15;
	v5 =	vmul.f32 v5, v15;
	v10 =	vadd.f32 v11, v10  }
0x2b3: {  	v4 =	vmul.f32 v4, v15;
	v3 =	vmul.f32 v3, v15;
	v7 =	vadd.f32 v7, v8  }
0x2b4: {  	v56 =	vld [tilespmem:s19+$0x9D80];
	v2 =	vmul.f32 v2, v15;
	v9 =	vadd.f32 v14, v9;
	v6 =	vadd.f32 v6, v10  }
0x2b5: {  	v1 =	vmul.f32 v1, v15;
	v54 =	vadd.f32 v50, v49;
	v5 =	vadd.f32 v5, v7  }
0x2b6: {  	v11 =	vmul.f32 v46, v12;
	v60 =	vadd.f32 v57, v58;
	v4 =	vadd.f32 v4, v9;
	[tilespmem:s19+$0xCDF0] =	vst v6  }
0x2b7: {  	v9 =	vadd.f32 v53, v52;
	v3 =	vadd.f32 v3, v54;
	v7 =	vmul.f32 v51, v12;
	[tilespmem:s19+$0xCDD0] =	vst v5  }
0x2b8: {  	v0 =	vmul.f32 v0, v15;
	v1 =	vadd.f32 v1, v60;
	v6 =	vadd.f32 v55, v11;
	[tilespmem:s19+$0xCDE0] =	vst v4  }
0x2b9: {  	v61 =	vmul.f32 v56, v15;
	v2 =	vadd.f32 v2, v9;
	[tilespmem:s19+$0xCDC0] =	vst v3;
	v62 =	vadd.f32 v59, v7  }
0x2ba: {  	[tilespmem:s19+$0xCD90] =	vst v1;
	v0 =	vadd.f32 v0, v6  }
0x2bb: {  	[tilespmem:s19+$0xCDB0] =	vst v2;
	v63 =	vadd.f32 v61, v62  }
0x2bc: {  	[tilespmem:s19+$0xCDA0] =	vst v0  }
0x2bd: {  	s28 =	rddreg [dreg:$0x8];
	s29 =	simm.s32 $0xCD80;
	[tilespmem:s19+$0xCD80] =	vst v63  }
0x2be: {  	[hbm4b:s28+s3] =	stream.linear.scatter [tilespmem:s29], [sflag:$0x3], $0x1800, $0x38;
	[tilespmem:$0xE580] =	vst v63  }
0x2bf: {  	_ =	swait.ge [sflag:s15], $0x1800  }
0x2c0: {  	[sflag:s15] =	ssyncset.done $0x0  }
0x2c1: {  	[sflag:s15] =	ssyncadd.s32 $0xFFFFE800  }
0x2c2: {  	_ =	swait.ge [sflag:s23], $0x1800  }
0x2c3: {  	[sflag:s23] =	ssyncset.done $0x0  }
0x2c4: {  	[sflag:s23] =	ssyncadd.s32 $0xFFFFE800  }
0x2c5: {  	_ =	swait.ge [sflag:s23], $0x1800  }
0x2c6: {  	[sflag:s23] =	ssyncset.done $0x0  }
0x2c7: {  	[sflag:s23] =	ssyncadd.s32 $0xFFFFE800  }
0x2c8: {  	_ =	swait.ge [sflag:s23], $0x1800  }
0x2c9: {  	[sflag:s23] =	ssyncset.done $0x0  }
0x2ca: {  	[sflag:s23] =	ssyncadd.s32 $0xFFFFE800  }
0x2cb: {  	_ =	swait.ge [sflag:s23], $0x900  }
0x2cc: {  	s30 =	rddreg [dreg:$0xb]  }
0x2cd: {  	s31 =	rddreg [dreg:$0x9];
	s10 =	sadd.s32 $0x1, s30  }
0x2ce: {  	p0 =	sne.s32 s10, s31  }
.Ltmp5:
0x2cf: {  	_ = 	snop;
	(pc) =	sbr.rel @p0 .LBB2_1-.Ltmp5, $3  }
0x2d0: {  	_ =	sdelay $0x1  }
0x2d1: {  	[sflag:s23] =	ssyncset.done $0x0  }
0x2d2: {  	[sflag:s23] =	ssyncadd.s32 $0xFFFFF700  }
0x2d3: {  	_ =	sfence.sel $0x180000  }
0x2d4: {  	[bflag:$0x0] =	sbarrier.arrive $0xFFFF  }
0x2d5: {  	_ =	strace $0x90000047  }
0x2d6: {  	s0 =	stileid.u32;
	[bflag:$0x2] =	sbarrier.arrive $0xFFFF  }
0x2d7: {  	p0 =	sne.s32 s0, $0x0;
	s0 =	rddreg [dreg:$0x2]  }
0x2d8: {  	s0 =	sadd.s32 @!p0 $0x100000, s0  }
0x2d9: {  	[sflag:s0] =	ssyncadd.tile.s32 @!p0 $0x1;
	_ =	shalt  }
.Lfunc_end2:
_tile_overlayer_lowered:
.L_overlay_start_2:
0x2da: {  	(tag) =	ssettag $0x2  }
0x2db: {  	s0 =	rddreg [dreg:$0x0];
	s2 =	stileid.u32  }
0x2dc: {  	s1 =	rddreg [dreg:$0x1];
	p0 =	sne.s32 s2, $0x0  }
0x2dd: {  	s3 =	rddreg [dreg:$0x2];
	[bflag:$0x3] =	sbarrier.arrive $0xFFFF;
	s2 =	simm.s32 @!p0 $0x1C03  }
0x2de: {  	[timem:s3], [sflag:s2] =	dma.local @!p0 [hbm:s0], s1  }
0x2df: {  	s0 =	simm.s32 @!p0 $0x3  }
0x2e0: {  	_ =	swait.ge @!p0 [sflag:s0], s1  }
0x2e1: {  	s1 =	ssub.s32 @!p0 $0x0, s1;
	[sflag:s0] =	ssyncset.done @!p0 $0x0  }
0x2e2: {  	[sflag:s0] =	ssyncadd.s32 @!p0 s1  }
0x2e3: {  	[bflag:$0x3] =	sbarrier.arrive $0xFFFF  }
0x2e4: {  	_ =	shalt  }

</sc_bundles>
